<compile_context>
chip_gen: v7x
topology: tpu7x:2x2x1
jax: 0.10.2.dev20260603
libtpu: 0.0.44.dev20260713+nightly
codegen_flags: <defaults>
</compile_context>

<pallas_src>
import functools

import jax
import jax.numpy as jnp
from jax import lax
from jax.experimental import pallas as pl
from jax.experimental.pallas import tpu as pltpu
from jax.experimental.pallas import tpu_sc as plsc

_CHUNK = 128
_NBUF = 4
_NL = 16


def _build_sc_kernel(n_rows, emb, n_posseg):
  info = plsc.get_sparse_core_info()
  nc, ns = info.num_cores, info.num_subcores
  nw = nc * ns
  chunk = _CHUNK
  assert n_rows % (nw * chunk) == 0
  rows_per_w = n_rows // nw
  n_chunks = rows_per_w // chunk
  slab = chunk * emb

  mesh = plsc.VectorSubcoreMesh(core_axis_name="c", subcore_axis_name="s")

  @functools.partial(
      pl.kernel,
      mesh=mesh,
      compiler_params=pltpu.CompilerParams(use_tc_tiling_on_sc=True),
      out_type=jax.ShapeDtypeStruct((n_rows * emb,), jnp.float32),
      scratch_types=[
          pltpu.VMEM((_NBUF, chunk), jnp.int32),
          pltpu.VMEM((_NBUF, chunk), jnp.int32),
          pltpu.VMEM((_NBUF, chunk, 2 * emb), jnp.float32),
          pltpu.VMEM((n_posseg,), jnp.float32),
          pltpu.VMEM((2 * slab,), jnp.float32),
          pltpu.SemaphoreType.DMA((_NBUF,)),
          pltpu.SemaphoreType.DMA((_NBUF,)),
          pltpu.SemaphoreType.DMA((2,)),
          pltpu.SemaphoreType.DMA,
      ],
  )
  def gather_sum(idx_hbm, aux_hbm, table_hbm, posseg_hbm, out_hbm,
                 idx_v, aux_v, tok_v, ps_v, out_v,
                 sem_i, sem_g, sem_o, sem_p):
    wid = lax.axis_index("s") * nc + lax.axis_index("c")
    base_c = wid * n_chunks

    pltpu.async_copy(posseg_hbm, ps_v, sem_p)

    def issue_idx(c, b):
      ci = base_c + c
      pltpu.async_copy(idx_hbm.at[ci], idx_v.at[b], sem_i.at[b])
      pltpu.async_copy(aux_hbm.at[ci], aux_v.at[b], sem_i.at[b])

    def wait_idx(c, b):
      ci = base_c + c
      pltpu.make_async_copy(
          idx_hbm.at[ci], idx_v.at[b], sem_i.at[b]).wait()
      pltpu.make_async_copy(
          aux_hbm.at[ci], aux_v.at[b], sem_i.at[b]).wait()

    def issue_gather(b):
      pltpu.async_copy(
          table_hbm.at[idx_v.at[b]], tok_v.at[b], sem_g.at[b])

    def wait_gather(b):
      pltpu.make_async_copy(
          table_hbm.at[idx_v.at[b]], tok_v.at[b], sem_g.at[b]).wait()

    def issue_store(c, s):
      pltpu.async_copy(
          out_v.at[pl.ds(s * slab, slab)],
          out_hbm.at[pl.ds((base_c + c) * slab, slab)], sem_o.at[s])

    def wait_store(c, s):
      pltpu.make_async_copy(
          out_v.at[pl.ds(s * slab, slab)],
          out_hbm.at[pl.ds((base_c + c) * slab, slab)], sem_o.at[s]).wait()

    issue_idx(0, 0)
    issue_idx(1, 1)
    issue_idx(2, 2)
    wait_idx(0, 0)
    issue_gather(0)
    wait_idx(1, 1)
    issue_gather(1)
    pltpu.make_async_copy(posseg_hbm, ps_v, sem_p).wait()

    def chunk_body(c, _):
      b = lax.rem(c, _NBUF)
      s = lax.rem(c, 2)

      @pl.when(c + 3 < n_chunks)
      def _():
        issue_idx(c + 3, lax.rem(c + 3, _NBUF))

      @pl.when(c + 2 < n_chunks)
      def _():
        b2 = lax.rem(c + 2, _NBUF)
        wait_idx(c + 2, b2)
        issue_gather(b2)

      wait_gather(b)

      @pl.when(c >= 2)
      def _():
        wait_store(c - 2, s)

      tb = tok_v.at[b]
      obase = s * slab

      def grp_body(q, _):
        r0 = q * _NL
        auxv = aux_v[b, pl.ds(r0, _NL)]
        for rr in range(_NL):
          so = auxv[rr]
          r = r0 + rr
          for g in range(emb // _NL):
            v = (tb[r, pl.ds(g * _NL, _NL)]
                 + ps_v[pl.ds(so + g * _NL, _NL)])
            out_v[pl.ds(obase + r * emb + g * _NL, _NL)] = v
        return ()

      lax.fori_loop(0, chunk // _NL, grp_body, ())
      issue_store(c, s)
      return ()

    lax.fori_loop(0, n_chunks, chunk_body, ())
    wait_store(n_chunks - 2, 0)
    wait_store(n_chunks - 1, 1)

  return gather_sum


def kernel(sequence, segment_label, token_weight, pos_weight, seg_weight):
  bsz, seq_len = sequence.shape
  n_vocab, emb = token_weight.shape
  n_seg = seg_weight.shape[0]
  n_rows = bsz * seq_len
  n_chunks_total = n_rows // _CHUNK

  table2 = jnp.pad(token_weight, ((0, 0), (0, 2 * emb - emb)))
  posseg = (pos_weight[:seq_len, None, :] + seg_weight[None, :, :]).reshape(-1)
  idx = sequence.astype(jnp.int32).reshape(n_chunks_total, _CHUNK)
  aux = ((n_seg * jnp.arange(seq_len, dtype=jnp.int32)[None, :]
          + segment_label.astype(jnp.int32)) * emb
         ).reshape(n_chunks_total, _CHUNK)

  sc = _build_sc_kernel(n_rows, emb, seq_len * n_seg * emb)
  out = sc(idx, aux, table2, posseg)
  return out.reshape(bsz, seq_len, emb)

# --- scband reference (transcript-rebuilt; emitter-appended) ---
"""Pipeline reference for scband-bertembedding-79757542686853 (READ-ONLY COPY).

The authoritative reference and input builder live on the scoring server;
editing this copy changes nothing except your own understanding.
"""

import jax, jax.numpy as jnp
import numpy as np

VOCAB = 1000000
EMBED = 64
MAX_LEN = 512
B, L = 1024, 200

def setup_inputs(seed: int = 0) -> dict:
    key = jax.random.key(seed)
    k1, k2, k3, k4 = jax.random.split(key, 4)
    sequence = jax.random.randint(k1, (B, L), 0, VOCAB, dtype=jnp.int64 if jax.config.jax_enable_x64 else jnp.int32)
    segment_label = jax.random.randint(k2, (B, L), 0, 2, dtype=jnp.int64 if jax.config.jax_enable_x64 else jnp.int32)
    # TokenEmbedding: nn.Embedding init ~ N(0,1), padding_idx=0 row zeroed
    token_weight = jax.random.normal(k3, (VOCAB, EMBED), dtype=jnp.float32)
    token_weight = token_weight.at[0].set(0.0)
    # PositionalEmbedding weight initialized to zeros(max_len, d_model)
    pos_weight = jnp.zeros((MAX_LEN, EMBED), dtype=jnp.float32)
    # SegmentEmbedding: nn.Embedding(2, embed) with padding_idx=0
    seg_weight = jax.random.normal(k4, (2, EMBED), dtype=jnp.float32)
    seg_weight = seg_weight.at[0].set(0.0)
    return {
        "sequence": sequence,
        "segment_label": segment_label,
        "token_weight": token_weight,
        "pos_weight": pos_weight,
        "seg_weight": seg_weight,
    }

def reference(sequence, segment_label, token_weight, pos_weight, seg_weight):
    seq_len = sequence.shape[1]
    tok = jnp.take(token_weight, sequence, axis=0)            # [B, L, E]
    pos = pos_weight[:seq_len][None, :, :]                    # [1, L, E]
    seg = jnp.take(seg_weight, segment_label, axis=0)         # [B, L, E]
    # dropout p=0.0 -> identity
    return tok + pos + seg

if __name__ == "__main__":
    import jax
    _d = setup_inputs()
    print(jax.jit(kernel)(*tuple(_d.values())))

</pallas_src>

<mosaic_0001>
#map = affine_map<(d0, d1) -> (0, 0)>
#map1 = affine_map<(d0, d1) -> (0)>
module attributes {stable_mosaic.version = 14 : i64} {
  func.func @gather_sum(%arg0: i32, %arg1: i32, %arg2: memref<1600x128xi32, #tpu.memory_space<hbm>>, %arg3: memref<1600x128xi32, #tpu.memory_space<hbm>>, %arg4: memref<1000000x128xf32, #tpu.memory_space<hbm>>, %arg5: memref<25600xf32, #tpu.memory_space<hbm>>, %arg6: memref<13107200xf32, #tpu.memory_space<hbm>>, %arg7: memref<4x128xi32, #tpu.memory_space<vmem>>, %arg8: memref<4x128xi32, #tpu.memory_space<vmem>>, %arg9: memref<4x128x128xf32, #tpu.memory_space<vmem>>, %arg10: memref<25600xf32, #tpu.memory_space<vmem>>, %arg11: memref<16384xf32, #tpu.memory_space<vmem>>, %arg12: memref<4x!tpu.dma_semaphore, #tpu.memory_space<semaphore_mem>>, %arg13: memref<4x!tpu.dma_semaphore, #tpu.memory_space<semaphore_mem>>, %arg14: memref<2x!tpu.dma_semaphore, #tpu.memory_space<semaphore_mem>>, %arg15: memref<!tpu.dma_semaphore, #tpu.memory_space<semaphore_mem>>) attributes {dimension_semantics = [#tpu.dimension_semantics<core_parallel>, #tpu.dimension_semantics<subcore_parallel>], iteration_bounds = array<i64: 2, 16>, scalar_prefetch = 0 : i64, scratch_operands = 9 : i64, tpu.core_type = #tpu.core_type<sc_vector_subcore>, window_params = [{transform_indices = #map}, {transform_indices = #map}, {transform_indices = #map}, {transform_indices = #map1}, {transform_indices = #map1}]} {
    %mul3A = arith.constant 2 : i32
    %mul3A_0 = arith.muli %arg1, %mul3A : i32
    %add3A = arith.addi %mul3A_0, %arg0 : i32
    %mul3A_1 = arith.constant 50 : i32
    %mul3A_2 = arith.muli %add3A, %mul3A_1 : i32
    tpu.enqueue_dma source(%arg5 : memref<25600xf32, #tpu.memory_space<hbm>>) target(%arg10 : memref<25600xf32, #tpu.memory_space<vmem>>) target_semaphore(%arg15 : memref<!tpu.dma_semaphore, #tpu.memory_space<semaphore_mem>>)
    %add3A_3 = arith.constant 0 : i32
    %add3A_4 = arith.addi %mul3A_2, %add3A_3 : i32
    %dma_start3A = arith.constant 0 : i32
    %dma_start3A_5 = arith.constant 0 : i32
    %dma_start3A_6 = arith.constant 0 : i32
    %dma_start3A_7 = tpu.memref_slice %arg7[%dma_start3A, %dma_start3A_6] : memref<4x128xi32, #tpu.memory_space<vmem>> -> memref<1x128xi32, #tpu.memory_space<vmem>>
    %dma_start3A_8 = tpu.memref_squeeze %dma_start3A_7 : memref<1x128xi32, #tpu.memory_space<vmem>> -> memref<128xi32, #tpu.memory_space<vmem>>
    %dma_start3A_9 = arith.constant 0 : i32
    %dma_start3A_10 = tpu.memref_slice %arg2[%add3A_4, %dma_start3A_9] : memref<1600x128xi32, #tpu.memory_space<hbm>> -> memref<1x128xi32, #tpu.memory_space<hbm>>
    %dma_start3A_11 = tpu.memref_squeeze %dma_start3A_10 : memref<1x128xi32, #tpu.memory_space<hbm>> -> memref<128xi32, #tpu.memory_space<hbm>>
    %dma_start3A_12 = tpu.memref_slice %arg12[%dma_start3A_5] : memref<4x!tpu.dma_semaphore, #tpu.memory_space<semaphore_mem>> -> memref<1x!tpu.dma_semaphore, #tpu.memory_space<semaphore_mem>>
    %dma_start3A_13 = tpu.memref_squeeze %dma_start3A_12 : memref<1x!tpu.dma_semaphore, #tpu.memory_space<semaphore_mem>> -> memref<!tpu.dma_semaphore, #tpu.memory_space<semaphore_mem>>
    %dma_start3A_14 = arith.constant 0 : i32
    %dma_start3A_15 = tpu.memref_slice %arg7[%dma_start3A, %dma_start3A_14] : memref<4x128xi32, #tpu.memory_space<vmem>> -> memref<1x128xi32, #tpu.memory_space<vmem>>
    %dma_start3A_16 = tpu.memref_squeeze %dma_start3A_15 : memref<1x128xi32, #tpu.memory_space<vmem>> -> memref<128xi32, #tpu.memory_space<vmem>>
    %dma_start3A_17 = arith.constant 0 : i32
    %dma_start3A_18 = tpu.memref_slice %arg2[%add3A_4, %dma_start3A_17] : memref<1600x128xi32, #tpu.memory_space<hbm>> -> memref<1x128xi32, #tpu.memory_space<hbm>>
    %dma_start3A_19 = tpu.memref_squeeze %dma_start3A_18 : memref<1x128xi32, #tpu.memory_space<hbm>> -> memref<128xi32, #tpu.memory_space<hbm>>
    tpu.enqueue_dma source(%dma_start3A_19 : memref<128xi32, #tpu.memory_space<hbm>>) target(%dma_start3A_16 : memref<128xi32, #tpu.memory_space<vmem>>) target_semaphore(%dma_start3A_13 : memref<!tpu.dma_semaphore, #tpu.memory_space<semaphore_mem>>)
    %dma_start3A_20 = arith.constant 0 : i32
    %dma_start3A_21 = arith.constant 0 : i32
    %dma_start3A_22 = arith.constant 0 : i32
    %dma_start3A_23 = tpu.memref_slice %arg8[%dma_start3A_20, %dma_start3A_22] : memref<4x128xi32, #tpu.memory_space<vmem>> -> memref<1x128xi32, #tpu.memory_space<vmem>>
    %dma_start3A_24 = tpu.memref_squeeze %dma_start3A_23 : memref<1x128xi32, #tpu.memory_space<vmem>> -> memref<128xi32, #tpu.memory_space<vmem>>
    %dma_start3A_25 = arith.constant 0 : i32
    %dma_start3A_26 = tpu.memref_slice %arg3[%add3A_4, %dma_start3A_25] : memref<1600x128xi32, #tpu.memory_space<hbm>> -> memref<1x128xi32, #tpu.memory_space<hbm>>
    %dma_start3A_27 = tpu.memref_squeeze %dma_start3A_26 : memref<1x128xi32, #tpu.memory_space<hbm>> -> memref<128xi32, #tpu.memory_space<hbm>>
    %dma_start3A_28 = tpu.memref_slice %arg12[%dma_start3A_21] : memref<4x!tpu.dma_semaphore, #tpu.memory_space<semaphore_mem>> -> memref<1x!tpu.dma_semaphore, #tpu.memory_space<semaphore_mem>>
    %dma_start3A_29 = tpu.memref_squeeze %dma_start3A_28 : memref<1x!tpu.dma_semaphore, #tpu.memory_space<semaphore_mem>> -> memref<!tpu.dma_semaphore, #tpu.memory_space<semaphore_mem>>
    %dma_start3A_30 = arith.constant 0 : i32
    %dma_start3A_31 = tpu.memref_slice %arg8[%dma_start3A_20, %dma_start3A_30] : memref<4x128xi32, #tpu.memory_space<vmem>> -> memref<1x128xi32, #tpu.memory_space<vmem>>
    %dma_start3A_32 = tpu.memref_squeeze %dma_start3A_31 : memref<1x128xi32, #tpu.memory_space<vmem>> -> memref<128xi32, #tpu.memory_space<vmem>>
    %dma_start3A_33 = arith.constant 0 : i32
    %dma_start3A_34 = tpu.memref_slice %arg3[%add3A_4, %dma_start3A_33] : memref<1600x128xi32, #tpu.memory_space<hbm>> -> memref<1x128xi32, #tpu.memory_space<hbm>>
    %dma_start3A_35 = tpu.memref_squeeze %dma_start3A_34 : memref<1x128xi32, #tpu.memory_space<hbm>> -> memref<128xi32, #tpu.memory_space<hbm>>
    tpu.enqueue_dma source(%dma_start3A_35 : memref<128xi32, #tpu.memory_space<hbm>>) target(%dma_start3A_32 : memref<128xi32, #tpu.memory_space<vmem>>) target_semaphore(%dma_start3A_29 : memref<!tpu.dma_semaphore, #tpu.memory_space<semaphore_mem>>)
    %add3A_36 = arith.constant 1 : i32
    %add3A_37 = arith.addi %mul3A_2, %add3A_36 : i32
    %dma_start3A_38 = arith.constant 1 : i32
    %dma_start3A_39 = arith.constant 1 : i32
    %dma_start3A_40 = arith.constant 0 : i32
    %dma_start3A_41 = tpu.memref_slice %arg7[%dma_start3A_38, %dma_start3A_40] : memref<4x128xi32, #tpu.memory_space<vmem>> -> memref<1x128xi32, #tpu.memory_space<vmem>>
    %dma_start3A_42 = tpu.memref_squeeze %dma_start3A_41 : memref<1x128xi32, #tpu.memory_space<vmem>> -> memref<128xi32, #tpu.memory_space<vmem>>
    %dma_start3A_43 = arith.constant 0 : i32
    %dma_start3A_44 = tpu.memref_slice %arg2[%add3A_37, %dma_start3A_43] : memref<1600x128xi32, #tpu.memory_space<hbm>> -> memref<1x128xi32, #tpu.memory_space<hbm>>
    %dma_start3A_45 = tpu.memref_squeeze %dma_start3A_44 : memref<1x128xi32, #tpu.memory_space<hbm>> -> memref<128xi32, #tpu.memory_space<hbm>>
    %dma_start3A_46 = tpu.memref_slice %arg12[%dma_start3A_39] : memref<4x!tpu.dma_semaphore, #tpu.memory_space<semaphore_mem>> -> memref<1x!tpu.dma_semaphore, #tpu.memory_space<semaphore_mem>>
    %dma_start3A_47 = tpu.memref_squeeze %dma_start3A_46 : memref<1x!tpu.dma_semaphore, #tpu.memory_space<semaphore_mem>> -> memref<!tpu.dma_semaphore, #tpu.memory_space<semaphore_mem>>
    %dma_start3A_48 = arith.constant 0 : i32
    %dma_start3A_49 = tpu.memref_slice %arg7[%dma_start3A_38, %dma_start3A_48] : memref<4x128xi32, #tpu.memory_space<vmem>> -> memref<1x128xi32, #tpu.memory_space<vmem>>
    %dma_start3A_50 = tpu.memref_squeeze %dma_start3A_49 : memref<1x128xi32, #tpu.memory_space<vmem>> -> memref<128xi32, #tpu.memory_space<vmem>>
    %dma_start3A_51 = arith.constant 0 : i32
    %dma_start3A_52 = tpu.memref_slice %arg2[%add3A_37, %dma_start3A_51] : memref<1600x128xi32, #tpu.memory_space<hbm>> -> memref<1x128xi32, #tpu.memory_space<hbm>>
    %dma_start3A_53 = tpu.memref_squeeze %dma_start3A_52 : memref<1x128xi32, #tpu.memory_space<hbm>> -> memref<128xi32, #tpu.memory_space<hbm>>
    tpu.enqueue_dma source(%dma_start3A_53 : memref<128xi32, #tpu.memory_space<hbm>>) target(%dma_start3A_50 : memref<128xi32, #tpu.memory_space<vmem>>) target_semaphore(%dma_start3A_47 : memref<!tpu.dma_semaphore, #tpu.memory_space<semaphore_mem>>)
    %dma_start3A_54 = arith.constant 1 : i32
    %dma_start3A_55 = arith.constant 1 : i32
    %dma_start3A_56 = arith.constant 0 : i32
    %dma_start3A_57 = tpu.memref_slice %arg8[%dma_start3A_54, %dma_start3A_56] : memref<4x128xi32, #tpu.memory_space<vmem>> -> memref<1x128xi32, #tpu.memory_space<vmem>>
    %dma_start3A_58 = tpu.memref_squeeze %dma_start3A_57 : memref<1x128xi32, #tpu.memory_space<vmem>> -> memref<128xi32, #tpu.memory_space<vmem>>
    %dma_start3A_59 = arith.constant 0 : i32
    %dma_start3A_60 = tpu.memref_slice %arg3[%add3A_37, %dma_start3A_59] : memref<1600x128xi32, #tpu.memory_space<hbm>> -> memref<1x128xi32, #tpu.memory_space<hbm>>
    %dma_start3A_61 = tpu.memref_squeeze %dma_start3A_60 : memref<1x128xi32, #tpu.memory_space<hbm>> -> memref<128xi32, #tpu.memory_space<hbm>>
    %dma_start3A_62 = tpu.memref_slice %arg12[%dma_start3A_55] : memref<4x!tpu.dma_semaphore, #tpu.memory_space<semaphore_mem>> -> memref<1x!tpu.dma_semaphore, #tpu.memory_space<semaphore_mem>>
    %dma_start3A_63 = tpu.memref_squeeze %dma_start3A_62 : memref<1x!tpu.dma_semaphore, #tpu.memory_space<semaphore_mem>> -> memref<!tpu.dma_semaphore, #tpu.memory_space<semaphore_mem>>
    %dma_start3A_64 = arith.constant 0 : i32
    %dma_start3A_65 = tpu.memref_slice %arg8[%dma_start3A_54, %dma_start3A_64] : memref<4x128xi32, #tpu.memory_space<vmem>> -> memref<1x128xi32, #tpu.memory_space<vmem>>
    %dma_start3A_66 = tpu.memref_squeeze %dma_start3A_65 : memref<1x128xi32, #tpu.memory_space<vmem>> -> memref<128xi32, #tpu.memory_space<vmem>>
    %dma_start3A_67 = arith.constant 0 : i32
    %dma_start3A_68 = tpu.memref_slice %arg3[%add3A_37, %dma_start3A_67] : memref<1600x128xi32, #tpu.memory_space<hbm>> -> memref<1x128xi32, #tpu.memory_space<hbm>>
    %dma_start3A_69 = tpu.memref_squeeze %dma_start3A_68 : memref<1x128xi32, #tpu.memory_space<hbm>> -> memref<128xi32, #tpu.memory_space<hbm>>
    tpu.enqueue_dma source(%dma_start3A_69 : memref<128xi32, #tpu.memory_space<hbm>>) target(%dma_start3A_66 : memref<128xi32, #tpu.memory_space<vmem>>) target_semaphore(%dma_start3A_63 : memref<!tpu.dma_semaphore, #tpu.memory_space<semaphore_mem>>)
    %add3A_70 = arith.constant 2 : i32
    %add3A_71 = arith.addi %mul3A_2, %add3A_70 : i32
    %dma_start3A_72 = arith.constant 2 : i32
    %dma_start3A_73 = arith.constant 2 : i32
    %dma_start3A_74 = arith.constant 0 : i32
    %dma_start3A_75 = tpu.memref_slice %arg7[%dma_start3A_72, %dma_start3A_74] : memref<4x128xi32, #tpu.memory_space<vmem>> -> memref<1x128xi32, #tpu.memory_space<vmem>>
    %dma_start3A_76 = tpu.memref_squeeze %dma_start3A_75 : memref<1x128xi32, #tpu.memory_space<vmem>> -> memref<128xi32, #tpu.memory_space<vmem>>
    %dma_start3A_77 = arith.constant 0 : i32
    %dma_start3A_78 = tpu.memref_slice %arg2[%add3A_71, %dma_start3A_77] : memref<1600x128xi32, #tpu.memory_space<hbm>> -> memref<1x128xi32, #tpu.memory_space<hbm>>
    %dma_start3A_79 = tpu.memref_squeeze %dma_start3A_78 : memref<1x128xi32, #tpu.memory_space<hbm>> -> memref<128xi32, #tpu.memory_space<hbm>>
    %dma_start3A_80 = tpu.memref_slice %arg12[%dma_start3A_73] : memref<4x!tpu.dma_semaphore, #tpu.memory_space<semaphore_mem>> -> memref<1x!tpu.dma_semaphore, #tpu.memory_space<semaphore_mem>>
    %dma_start3A_81 = tpu.memref_squeeze %dma_start3A_80 : memref<1x!tpu.dma_semaphore, #tpu.memory_space<semaphore_mem>> -> memref<!tpu.dma_semaphore, #tpu.memory_space<semaphore_mem>>
    %dma_start3A_82 = arith.constant 0 : i32
    %dma_start3A_83 = tpu.memref_slice %arg7[%dma_start3A_72, %dma_start3A_82] : memref<4x128xi32, #tpu.memory_space<vmem>> -> memref<1x128xi32, #tpu.memory_space<vmem>>
    %dma_start3A_84 = tpu.memref_squeeze %dma_start3A_83 : memref<1x128xi32, #tpu.memory_space<vmem>> -> memref<128xi32, #tpu.memory_space<vmem>>
    %dma_start3A_85 = arith.constant 0 : i32
    %dma_start3A_86 = tpu.memref_slice %arg2[%add3A_71, %dma_start3A_85] : memref<1600x128xi32, #tpu.memory_space<hbm>> -> memref<1x128xi32, #tpu.memory_space<hbm>>
    %dma_start3A_87 = tpu.memref_squeeze %dma_start3A_86 : memref<1x128xi32, #tpu.memory_space<hbm>> -> memref<128xi32, #tpu.memory_space<hbm>>
    tpu.enqueue_dma source(%dma_start3A_87 : memref<128xi32, #tpu.memory_space<hbm>>) target(%dma_start3A_84 : memref<128xi32, #tpu.memory_space<vmem>>) target_semaphore(%dma_start3A_81 : memref<!tpu.dma_semaphore, #tpu.memory_space<semaphore_mem>>)
    %dma_start3A_88 = arith.constant 2 : i32
    %dma_start3A_89 = arith.constant 2 : i32
    %dma_start3A_90 = arith.constant 0 : i32
    %dma_start3A_91 = tpu.memref_slice %arg8[%dma_start3A_88, %dma_start3A_90] : memref<4x128xi32, #tpu.memory_space<vmem>> -> memref<1x128xi32, #tpu.memory_space<vmem>>
    %dma_start3A_92 = tpu.memref_squeeze %dma_start3A_91 : memref<1x128xi32, #tpu.memory_space<vmem>> -> memref<128xi32, #tpu.memory_space<vmem>>
    %dma_start3A_93 = arith.constant 0 : i32
    %dma_start3A_94 = tpu.memref_slice %arg3[%add3A_71, %dma_start3A_93] : memref<1600x128xi32, #tpu.memory_space<hbm>> -> memref<1x128xi32, #tpu.memory_space<hbm>>
    %dma_start3A_95 = tpu.memref_squeeze %dma_start3A_94 : memref<1x128xi32, #tpu.memory_space<hbm>> -> memref<128xi32, #tpu.memory_space<hbm>>
    %dma_start3A_96 = tpu.memref_slice %arg12[%dma_start3A_89] : memref<4x!tpu.dma_semaphore, #tpu.memory_space<semaphore_mem>> -> memref<1x!tpu.dma_semaphore, #tpu.memory_space<semaphore_mem>>
    %dma_start3A_97 = tpu.memref_squeeze %dma_start3A_96 : memref<1x!tpu.dma_semaphore, #tpu.memory_space<semaphore_mem>> -> memref<!tpu.dma_semaphore, #tpu.memory_space<semaphore_mem>>
    %dma_start3A_98 = arith.constant 0 : i32
    %dma_start3A_99 = tpu.memref_slice %arg8[%dma_start3A_88, %dma_start3A_98] : memref<4x128xi32, #tpu.memory_space<vmem>> -> memref<1x128xi32, #tpu.memory_space<vmem>>
    %dma_start3A_100 = tpu.memref_squeeze %dma_start3A_99 : memref<1x128xi32, #tpu.memory_space<vmem>> -> memref<128xi32, #tpu.memory_space<vmem>>
    %dma_start3A_101 = arith.constant 0 : i32
    %dma_start3A_102 = tpu.memref_slice %arg3[%add3A_71, %dma_start3A_101] : memref<1600x128xi32, #tpu.memory_space<hbm>> -> memref<1x128xi32, #tpu.memory_space<hbm>>
    %dma_start3A_103 = tpu.memref_squeeze %dma_start3A_102 : memref<1x128xi32, #tpu.memory_space<hbm>> -> memref<128xi32, #tpu.memory_space<hbm>>
    tpu.enqueue_dma source(%dma_start3A_103 : memref<128xi32, #tpu.memory_space<hbm>>) target(%dma_start3A_100 : memref<128xi32, #tpu.memory_space<vmem>>) target_semaphore(%dma_start3A_97 : memref<!tpu.dma_semaphore, #tpu.memory_space<semaphore_mem>>)
    %add3A_104 = arith.constant 0 : i32
    %add3A_105 = arith.addi %mul3A_2, %add3A_104 : i32
    %dma_wait3A = arith.constant 0 : i32
    %dma_wait3A_106 = arith.constant 0 : i32
    %dma_wait3A_107 = arith.constant 0 : i32
    %dma_wait3A_108 = tpu.memref_slice %arg7[%dma_wait3A, %dma_wait3A_107] : memref<4x128xi32, #tpu.memory_space<vmem>> -> memref<1x128xi32, #tpu.memory_space<vmem>>
    %dma_wait3A_109 = tpu.memref_squeeze %dma_wait3A_108 : memref<1x128xi32, #tpu.memory_space<vmem>> -> memref<128xi32, #tpu.memory_space<vmem>>
    %dma_wait3A_110 = arith.constant 0 : i32
    %dma_wait3A_111 = tpu.memref_slice %arg2[%add3A_105, %dma_wait3A_110] : memref<1600x128xi32, #tpu.memory_space<hbm>> -> memref<1x128xi32, #tpu.memory_space<hbm>>
    %dma_wait3A_112 = tpu.memref_squeeze %dma_wait3A_111 : memref<1x128xi32, #tpu.memory_space<hbm>> -> memref<128xi32, #tpu.memory_space<hbm>>
    %dma_wait3A_113 = tpu.memref_slice %arg12[%dma_wait3A_106] : memref<4x!tpu.dma_semaphore, #tpu.memory_space<semaphore_mem>> -> memref<1x!tpu.dma_semaphore, #tpu.memory_space<semaphore_mem>>
    %dma_wait3A_114 = tpu.memref_squeeze %dma_wait3A_113 : memref<1x!tpu.dma_semaphore, #tpu.memory_space<semaphore_mem>> -> memref<!tpu.dma_semaphore, #tpu.memory_space<semaphore_mem>>
    %dma_wait3A_115 = arith.constant 0 : i32
    %dma_wait3A_116 = tpu.memref_slice %arg7[%dma_wait3A, %dma_wait3A_115] : memref<4x128xi32, #tpu.memory_space<vmem>> -> memref<1x128xi32, #tpu.memory_space<vmem>>
    %dma_wait3A_117 = tpu.memref_squeeze %dma_wait3A_116 : memref<1x128xi32, #tpu.memory_space<vmem>> -> memref<128xi32, #tpu.memory_space<vmem>>
    %dma_wait3A_118 = arith.constant 0 : i32
    %dma_wait3A_119 = tpu.memref_slice %arg2[%add3A_105, %dma_wait3A_118] : memref<1600x128xi32, #tpu.memory_space<hbm>> -> memref<1x128xi32, #tpu.memory_space<hbm>>
    %dma_wait3A_120 = tpu.memref_squeeze %dma_wait3A_119 : memref<1x128xi32, #tpu.memory_space<hbm>> -> memref<128xi32, #tpu.memory_space<hbm>>
    tpu.wait_dma2 semaphore(%dma_wait3A_114 : memref<!tpu.dma_semaphore, #tpu.memory_space<semaphore_mem>>) src(%dma_wait3A_120 : memref<128xi32, #tpu.memory_space<hbm>>) dst(%dma_wait3A_117 : memref<128xi32, #tpu.memory_space<vmem>>)
    %dma_wait3A_121 = arith.constant 0 : i32
    %dma_wait3A_122 = arith.constant 0 : i32
    %dma_wait3A_123 = arith.constant 0 : i32
    %dma_wait3A_124 = tpu.memref_slice %arg8[%dma_wait3A_121, %dma_wait3A_123] : memref<4x128xi32, #tpu.memory_space<vmem>> -> memref<1x128xi32, #tpu.memory_space<vmem>>
    %dma_wait3A_125 = tpu.memref_squeeze %dma_wait3A_124 : memref<1x128xi32, #tpu.memory_space<vmem>> -> memref<128xi32, #tpu.memory_space<vmem>>
    %dma_wait3A_126 = arith.constant 0 : i32
    %dma_wait3A_127 = tpu.memref_slice %arg3[%add3A_105, %dma_wait3A_126] : memref<1600x128xi32, #tpu.memory_space<hbm>> -> memref<1x128xi32, #tpu.memory_space<hbm>>
    %dma_wait3A_128 = tpu.memref_squeeze %dma_wait3A_127 : memref<1x128xi32, #tpu.memory_space<hbm>> -> memref<128xi32, #tpu.memory_space<hbm>>
    %dma_wait3A_129 = tpu.memref_slice %arg12[%dma_wait3A_122] : memref<4x!tpu.dma_semaphore, #tpu.memory_space<semaphore_mem>> -> memref<1x!tpu.dma_semaphore, #tpu.memory_space<semaphore_mem>>
    %dma_wait3A_130 = tpu.memref_squeeze %dma_wait3A_129 : memref<1x!tpu.dma_semaphore, #tpu.memory_space<semaphore_mem>> -> memref<!tpu.dma_semaphore, #tpu.memory_space<semaphore_mem>>
    %dma_wait3A_131 = arith.constant 0 : i32
    %dma_wait3A_132 = tpu.memref_slice %arg8[%dma_wait3A_121, %dma_wait3A_131] : memref<4x128xi32, #tpu.memory_space<vmem>> -> memref<1x128xi32, #tpu.memory_space<vmem>>
    %dma_wait3A_133 = tpu.memref_squeeze %dma_wait3A_132 : memref<1x128xi32, #tpu.memory_space<vmem>> -> memref<128xi32, #tpu.memory_space<vmem>>
    %dma_wait3A_134 = arith.constant 0 : i32
    %dma_wait3A_135 = tpu.memref_slice %arg3[%add3A_105, %dma_wait3A_134] : memref<1600x128xi32, #tpu.memory_space<hbm>> -> memref<1x128xi32, #tpu.memory_space<hbm>>
    %dma_wait3A_136 = tpu.memref_squeeze %dma_wait3A_135 : memref<1x128xi32, #tpu.memory_space<hbm>> -> memref<128xi32, #tpu.memory_space<hbm>>
    tpu.wait_dma2 semaphore(%dma_wait3A_130 : memref<!tpu.dma_semaphore, #tpu.memory_space<semaphore_mem>>) src(%dma_wait3A_136 : memref<128xi32, #tpu.memory_space<hbm>>) dst(%dma_wait3A_133 : memref<128xi32, #tpu.memory_space<vmem>>)
    %dma_start3A_137 = arith.constant 0 : i32
    %dma_start3A_138 = arith.constant 0 : i32
    %dma_start3A_139 = arith.constant 0 : i32
    %dma_start3A_140 = arith.constant 0 : i32
    %dma_start3A_141 = arith.constant 0 : i32
    %dma_start3A_142 = tpu.memref_slice %arg9[%dma_start3A_138, %dma_start3A_140, %dma_start3A_141] : memref<4x128x128xf32, #tpu.memory_space<vmem>> -> memref<1x128x128xf32, #tpu.memory_space<vmem>>
    %dma_start3A_143 = tpu.memref_squeeze %dma_start3A_142 : memref<1x128x128xf32, #tpu.memory_space<vmem>> -> memref<128x128xf32, #tpu.memory_space<vmem>>
    %dma_start3A_144 = arith.constant 0 : i32
    %dma_start3A_145 = tpu.memref_slice %arg7[%dma_start3A_137, %dma_start3A_144] : memref<4x128xi32, #tpu.memory_space<vmem>> -> memref<1x128xi32, #tpu.memory_space<vmem>>
    %dma_start3A_146 = tpu.memref_squeeze %dma_start3A_145 : memref<1x128xi32, #tpu.memory_space<vmem>> -> memref<128xi32, #tpu.memory_space<vmem>>
    %dma_start3A_147 = arith.constant 0 : i32
    %dma_start3A_148 = arith.constant 0 : i32
    %dma_start3A_149 = tpu.memref_slice %arg4[%dma_start3A_147, %dma_start3A_148] : memref<1000000x128xf32, #tpu.memory_space<hbm>> -> memref<1000000x128xf32, #tpu.memory_space<hbm>>
    %dma_start3A_150 = tpu.memref_slice %arg13[%dma_start3A_139] : memref<4x!tpu.dma_semaphore, #tpu.memory_space<semaphore_mem>> -> memref<1x!tpu.dma_semaphore, #tpu.memory_space<semaphore_mem>>
    %dma_start3A_151 = tpu.memref_squeeze %dma_start3A_150 : memref<1x!tpu.dma_semaphore, #tpu.memory_space<semaphore_mem>> -> memref<!tpu.dma_semaphore, #tpu.memory_space<semaphore_mem>>
    tpu.enqueue_indirect_dma source(%dma_start3A_149 : memref<1000000x128xf32, #tpu.memory_space<hbm>>) target(%dma_start3A_143 : memref<128x128xf32, #tpu.memory_space<vmem>>) offsets(%dma_start3A_146 : memref<128xi32, #tpu.memory_space<vmem>>) semaphore(%dma_start3A_151 : memref<!tpu.dma_semaphore, #tpu.memory_space<semaphore_mem>>)
    %add3A_152 = arith.constant 1 : i32
    %add3A_153 = arith.addi %mul3A_2, %add3A_152 : i32
    %dma_wait3A_154 = arith.constant 1 : i32
    %dma_wait3A_155 = arith.constant 1 : i32
    %dma_wait3A_156 = arith.constant 0 : i32
    %dma_wait3A_157 = tpu.memref_slice %arg7[%dma_wait3A_154, %dma_wait3A_156] : memref<4x128xi32, #tpu.memory_space<vmem>> -> memref<1x128xi32, #tpu.memory_space<vmem>>
    %dma_wait3A_158 = tpu.memref_squeeze %dma_wait3A_157 : memref<1x128xi32, #tpu.memory_space<vmem>> -> memref<128xi32, #tpu.memory_space<vmem>>
    %dma_wait3A_159 = arith.constant 0 : i32
    %dma_wait3A_160 = tpu.memref_slice %arg2[%add3A_153, %dma_wait3A_159] : memref<1600x128xi32, #tpu.memory_space<hbm>> -> memref<1x128xi32, #tpu.memory_space<hbm>>
    %dma_wait3A_161 = tpu.memref_squeeze %dma_wait3A_160 : memref<1x128xi32, #tpu.memory_space<hbm>> -> memref<128xi32, #tpu.memory_space<hbm>>
    %dma_wait3A_162 = tpu.memref_slice %arg12[%dma_wait3A_155] : memref<4x!tpu.dma_semaphore, #tpu.memory_space<semaphore_mem>> -> memref<1x!tpu.dma_semaphore, #tpu.memory_space<semaphore_mem>>
    %dma_wait3A_163 = tpu.memref_squeeze %dma_wait3A_162 : memref<1x!tpu.dma_semaphore, #tpu.memory_space<semaphore_mem>> -> memref<!tpu.dma_semaphore, #tpu.memory_space<semaphore_mem>>
    %dma_wait3A_164 = arith.constant 0 : i32
    %dma_wait3A_165 = tpu.memref_slice %arg7[%dma_wait3A_154, %dma_wait3A_164] : memref<4x128xi32, #tpu.memory_space<vmem>> -> memref<1x128xi32, #tpu.memory_space<vmem>>
    %dma_wait3A_166 = tpu.memref_squeeze %dma_wait3A_165 : memref<1x128xi32, #tpu.memory_space<vmem>> -> memref<128xi32, #tpu.memory_space<vmem>>
    %dma_wait3A_167 = arith.constant 0 : i32
    %dma_wait3A_168 = tpu.memref_slice %arg2[%add3A_153, %dma_wait3A_167] : memref<1600x128xi32, #tpu.memory_space<hbm>> -> memref<1x128xi32, #tpu.memory_space<hbm>>
    %dma_wait3A_169 = tpu.memref_squeeze %dma_wait3A_168 : memref<1x128xi32, #tpu.memory_space<hbm>> -> memref<128xi32, #tpu.memory_space<hbm>>
    tpu.wait_dma2 semaphore(%dma_wait3A_163 : memref<!tpu.dma_semaphore, #tpu.memory_space<semaphore_mem>>) src(%dma_wait3A_169 : memref<128xi32, #tpu.memory_space<hbm>>) dst(%dma_wait3A_166 : memref<128xi32, #tpu.memory_space<vmem>>)
    %dma_wait3A_170 = arith.constant 1 : i32
    %dma_wait3A_171 = arith.constant 1 : i32
    %dma_wait3A_172 = arith.constant 0 : i32
    %dma_wait3A_173 = tpu.memref_slice %arg8[%dma_wait3A_170, %dma_wait3A_172] : memref<4x128xi32, #tpu.memory_space<vmem>> -> memref<1x128xi32, #tpu.memory_space<vmem>>
    %dma_wait3A_174 = tpu.memref_squeeze %dma_wait3A_173 : memref<1x128xi32, #tpu.memory_space<vmem>> -> memref<128xi32, #tpu.memory_space<vmem>>
    %dma_wait3A_175 = arith.constant 0 : i32
    %dma_wait3A_176 = tpu.memref_slice %arg3[%add3A_153, %dma_wait3A_175] : memref<1600x128xi32, #tpu.memory_space<hbm>> -> memref<1x128xi32, #tpu.memory_space<hbm>>
    %dma_wait3A_177 = tpu.memref_squeeze %dma_wait3A_176 : memref<1x128xi32, #tpu.memory_space<hbm>> -> memref<128xi32, #tpu.memory_space<hbm>>
    %dma_wait3A_178 = tpu.memref_slice %arg12[%dma_wait3A_171] : memref<4x!tpu.dma_semaphore, #tpu.memory_space<semaphore_mem>> -> memref<1x!tpu.dma_semaphore, #tpu.memory_space<semaphore_mem>>
    %dma_wait3A_179 = tpu.memref_squeeze %dma_wait3A_178 : memref<1x!tpu.dma_semaphore, #tpu.memory_space<semaphore_mem>> -> memref<!tpu.dma_semaphore, #tpu.memory_space<semaphore_mem>>
    %dma_wait3A_180 = arith.constant 0 : i32
    %dma_wait3A_181 = tpu.memref_slice %arg8[%dma_wait3A_170, %dma_wait3A_180] : memref<4x128xi32, #tpu.memory_space<vmem>> -> memref<1x128xi32, #tpu.memory_space<vmem>>
    %dma_wait3A_182 = tpu.memref_squeeze %dma_wait3A_181 : memref<1x128xi32, #tpu.memory_space<vmem>> -> memref<128xi32, #tpu.memory_space<vmem>>
    %dma_wait3A_183 = arith.constant 0 : i32
    %dma_wait3A_184 = tpu.memref_slice %arg3[%add3A_153, %dma_wait3A_183] : memref<1600x128xi32, #tpu.memory_space<hbm>> -> memref<1x128xi32, #tpu.memory_space<hbm>>
    %dma_wait3A_185 = tpu.memref_squeeze %dma_wait3A_184 : memref<1x128xi32, #tpu.memory_space<hbm>> -> memref<128xi32, #tpu.memory_space<hbm>>
    tpu.wait_dma2 semaphore(%dma_wait3A_179 : memref<!tpu.dma_semaphore, #tpu.memory_space<semaphore_mem>>) src(%dma_wait3A_185 : memref<128xi32, #tpu.memory_space<hbm>>) dst(%dma_wait3A_182 : memref<128xi32, #tpu.memory_space<vmem>>)
    %dma_start3A_186 = arith.constant 1 : i32
    %dma_start3A_187 = arith.constant 1 : i32
    %dma_start3A_188 = arith.constant 1 : i32
    %dma_start3A_189 = arith.constant 0 : i32
    %dma_start3A_190 = arith.constant 0 : i32
    %dma_start3A_191 = tpu.memref_slice %arg9[%dma_start3A_187, %dma_start3A_189, %dma_start3A_190] : memref<4x128x128xf32, #tpu.memory_space<vmem>> -> memref<1x128x128xf32, #tpu.memory_space<vmem>>
    %dma_start3A_192 = tpu.memref_squeeze %dma_start3A_191 : memref<1x128x128xf32, #tpu.memory_space<vmem>> -> memref<128x128xf32, #tpu.memory_space<vmem>>
    %dma_start3A_193 = arith.constant 0 : i32
    %dma_start3A_194 = tpu.memref_slice %arg7[%dma_start3A_186, %dma_start3A_193] : memref<4x128xi32, #tpu.memory_space<vmem>> -> memref<1x128xi32, #tpu.memory_space<vmem>>
    %dma_start3A_195 = tpu.memref_squeeze %dma_start3A_194 : memref<1x128xi32, #tpu.memory_space<vmem>> -> memref<128xi32, #tpu.memory_space<vmem>>
    %dma_start3A_196 = arith.constant 0 : i32
    %dma_start3A_197 = arith.constant 0 : i32
    %dma_start3A_198 = tpu.memref_slice %arg4[%dma_start3A_196, %dma_start3A_197] : memref<1000000x128xf32, #tpu.memory_space<hbm>> -> memref<1000000x128xf32, #tpu.memory_space<hbm>>
    %dma_start3A_199 = tpu.memref_slice %arg13[%dma_start3A_188] : memref<4x!tpu.dma_semaphore, #tpu.memory_space<semaphore_mem>> -> memref<1x!tpu.dma_semaphore, #tpu.memory_space<semaphore_mem>>
    %dma_start3A_200 = tpu.memref_squeeze %dma_start3A_199 : memref<1x!tpu.dma_semaphore, #tpu.memory_space<semaphore_mem>> -> memref<!tpu.dma_semaphore, #tpu.memory_space<semaphore_mem>>
    tpu.enqueue_indirect_dma source(%dma_start3A_198 : memref<1000000x128xf32, #tpu.memory_space<hbm>>) target(%dma_start3A_192 : memref<128x128xf32, #tpu.memory_space<vmem>>) offsets(%dma_start3A_195 : memref<128xi32, #tpu.memory_space<vmem>>) semaphore(%dma_start3A_200 : memref<!tpu.dma_semaphore, #tpu.memory_space<semaphore_mem>>)
    tpu.wait_dma2 semaphore(%arg15 : memref<!tpu.dma_semaphore, #tpu.memory_space<semaphore_mem>>) src(%arg5 : memref<25600xf32, #tpu.memory_space<hbm>>) dst(%arg10 : memref<25600xf32, #tpu.memory_space<vmem>>)
    %scan3A = arith.constant 0 : i32
    %scan3A_201 = arith.constant 50 : i32
    %scan3A_202 = arith.addi %scan3A, %scan3A_201 : i32
    %scan3A_203 = arith.constant 1 : i32
    scf.for %scan3A_231 = %scan3A to %scan3A_202 step %scan3A_203  : i32 {
      %rem3A = arith.constant 4 : i32
      %rem3A_232 = arith.remsi %scan3A_231, %rem3A : i32
      %rem3A_233 = arith.constant 2 : i32
      %rem3A_234 = arith.remsi %scan3A_231, %rem3A_233 : i32
      %add3A_235 = arith.constant 3 : i32
      %add3A_236 = arith.addi %scan3A_231, %add3A_235 : i32
      %lt3A = arith.constant 50 : i32
      %lt3A_237 = arith.cmpi slt, %add3A_236, %lt3A : i32
      %convert_element_type3A = arith.extui %lt3A_237 : i1 to i32
      %cond3A = arith.constant 0 : i32
      %cond3A_238 = arith.cmpi ne, %convert_element_type3A, %cond3A : i32
      scf.if %cond3A_238 {
        %add3A_280 = arith.constant 3 : i32
        %add3A_281 = arith.addi %scan3A_231, %add3A_280 : i32
        %add3A_282 = arith.constant 3 : i32
        %add3A_283 = arith.addi %scan3A_231, %add3A_282 : i32
        %rem3A_284 = arith.constant 4 : i32
        %rem3A_285 = arith.remsi %add3A_283, %rem3A_284 : i32
        %add3A_286 = arith.addi %mul3A_2, %add3A_281 : i32
        %dma_start3A_287 = arith.constant 0 : i32
        %dma_start3A_288 = tpu.memref_slice %arg7[%rem3A_285, %dma_start3A_287] : memref<4x128xi32, #tpu.memory_space<vmem>> -> memref<1x128xi32, #tpu.memory_space<vmem>>
        %dma_start3A_289 = tpu.memref_squeeze %dma_start3A_288 : memref<1x128xi32, #tpu.memory_space<vmem>> -> memref<128xi32, #tpu.memory_space<vmem>>
        %dma_start3A_290 = arith.constant 0 : i32
        %dma_start3A_291 = tpu.memref_slice %arg2[%add3A_286, %dma_start3A_290] : memref<1600x128xi32, #tpu.memory_space<hbm>> -> memref<1x128xi32, #tpu.memory_space<hbm>>
        %dma_start3A_292 = tpu.memref_squeeze %dma_start3A_291 : memref<1x128xi32, #tpu.memory_space<hbm>> -> memref<128xi32, #tpu.memory_space<hbm>>
        %dma_start3A_293 = tpu.memref_slice %arg12[%rem3A_285] : memref<4x!tpu.dma_semaphore, #tpu.memory_space<semaphore_mem>> -> memref<1x!tpu.dma_semaphore, #tpu.memory_space<semaphore_mem>>
        %dma_start3A_294 = tpu.memref_squeeze %dma_start3A_293 : memref<1x!tpu.dma_semaphore, #tpu.memory_space<semaphore_mem>> -> memref<!tpu.dma_semaphore, #tpu.memory_space<semaphore_mem>>
        %dma_start3A_295 = arith.constant 0 : i32
        %dma_start3A_296 = tpu.memref_slice %arg7[%rem3A_285, %dma_start3A_295] : memref<4x128xi32, #tpu.memory_space<vmem>> -> memref<1x128xi32, #tpu.memory_space<vmem>>
        %dma_start3A_297 = tpu.memref_squeeze %dma_start3A_296 : memref<1x128xi32, #tpu.memory_space<vmem>> -> memref<128xi32, #tpu.memory_space<vmem>>
        %dma_start3A_298 = arith.constant 0 : i32
        %dma_start3A_299 = tpu.memref_slice %arg2[%add3A_286, %dma_start3A_298] : memref<1600x128xi32, #tpu.memory_space<hbm>> -> memref<1x128xi32, #tpu.memory_space<hbm>>
        %dma_start3A_300 = tpu.memref_squeeze %dma_start3A_299 : memref<1x128xi32, #tpu.memory_space<hbm>> -> memref<128xi32, #tpu.memory_space<hbm>>
        tpu.enqueue_dma source(%dma_start3A_300 : memref<128xi32, #tpu.memory_space<hbm>>) target(%dma_start3A_297 : memref<128xi32, #tpu.memory_space<vmem>>) target_semaphore(%dma_start3A_294 : memref<!tpu.dma_semaphore, #tpu.memory_space<semaphore_mem>>)
        %dma_start3A_301 = arith.constant 0 : i32
        %dma_start3A_302 = tpu.memref_slice %arg8[%rem3A_285, %dma_start3A_301] : memref<4x128xi32, #tpu.memory_space<vmem>> -> memref<1x128xi32, #tpu.memory_space<vmem>>
        %dma_start3A_303 = tpu.memref_squeeze %dma_start3A_302 : memref<1x128xi32, #tpu.memory_space<vmem>> -> memref<128xi32, #tpu.memory_space<vmem>>
        %dma_start3A_304 = arith.constant 0 : i32
        %dma_start3A_305 = tpu.memref_slice %arg3[%add3A_286, %dma_start3A_304] : memref<1600x128xi32, #tpu.memory_space<hbm>> -> memref<1x128xi32, #tpu.memory_space<hbm>>
        %dma_start3A_306 = tpu.memref_squeeze %dma_start3A_305 : memref<1x128xi32, #tpu.memory_space<hbm>> -> memref<128xi32, #tpu.memory_space<hbm>>
        %dma_start3A_307 = tpu.memref_slice %arg12[%rem3A_285] : memref<4x!tpu.dma_semaphore, #tpu.memory_space<semaphore_mem>> -> memref<1x!tpu.dma_semaphore, #tpu.memory_space<semaphore_mem>>
        %dma_start3A_308 = tpu.memref_squeeze %dma_start3A_307 : memref<1x!tpu.dma_semaphore, #tpu.memory_space<semaphore_mem>> -> memref<!tpu.dma_semaphore, #tpu.memory_space<semaphore_mem>>
        %dma_start3A_309 = arith.constant 0 : i32
        %dma_start3A_310 = tpu.memref_slice %arg8[%rem3A_285, %dma_start3A_309] : memref<4x128xi32, #tpu.memory_space<vmem>> -> memref<1x128xi32, #tpu.memory_space<vmem>>
        %dma_start3A_311 = tpu.memref_squeeze %dma_start3A_310 : memref<1x128xi32, #tpu.memory_space<vmem>> -> memref<128xi32, #tpu.memory_space<vmem>>
        %dma_start3A_312 = arith.constant 0 : i32
        %dma_start3A_313 = tpu.memref_slice %arg3[%add3A_286, %dma_start3A_312] : memref<1600x128xi32, #tpu.memory_space<hbm>> -> memref<1x128xi32, #tpu.memory_space<hbm>>
        %dma_start3A_314 = tpu.memref_squeeze %dma_start3A_313 : memref<1x128xi32, #tpu.memory_space<hbm>> -> memref<128xi32, #tpu.memory_space<hbm>>
        tpu.enqueue_dma source(%dma_start3A_314 : memref<128xi32, #tpu.memory_space<hbm>>) target(%dma_start3A_311 : memref<128xi32, #tpu.memory_space<vmem>>) target_semaphore(%dma_start3A_308 : memref<!tpu.dma_semaphore, #tpu.memory_space<semaphore_mem>>)
      } else {
      }
      %add3A_239 = arith.constant 2 : i32
      %add3A_240 = arith.addi %scan3A_231, %add3A_239 : i32
      %lt3A_241 = arith.constant 50 : i32
      %lt3A_242 = arith.cmpi slt, %add3A_240, %lt3A_241 : i32
      %convert_element_type3A_243 = arith.extui %lt3A_242 : i1 to i32
      %cond3A_244 = arith.constant 0 : i32
      %cond3A_245 = arith.cmpi ne, %convert_element_type3A_243, %cond3A_244 : i32
      scf.if %cond3A_245 {
        %add3A_280 = arith.constant 2 : i32
        %add3A_281 = arith.addi %scan3A_231, %add3A_280 : i32
        %rem3A_282 = arith.constant 4 : i32
        %rem3A_283 = arith.remsi %add3A_281, %rem3A_282 : i32
        %add3A_284 = arith.constant 2 : i32
        %add3A_285 = arith.addi %scan3A_231, %add3A_284 : i32
        %add3A_286 = arith.addi %mul3A_2, %add3A_285 : i32
        %dma_wait3A_287 = arith.constant 0 : i32
        %dma_wait3A_288 = tpu.memref_slice %arg7[%rem3A_283, %dma_wait3A_287] : memref<4x128xi32, #tpu.memory_space<vmem>> -> memref<1x128xi32, #tpu.memory_space<vmem>>
        %dma_wait3A_289 = tpu.memref_squeeze %dma_wait3A_288 : memref<1x128xi32, #tpu.memory_space<vmem>> -> memref<128xi32, #tpu.memory_space<vmem>>
        %dma_wait3A_290 = arith.constant 0 : i32
        %dma_wait3A_291 = tpu.memref_slice %arg2[%add3A_286, %dma_wait3A_290] : memref<1600x128xi32, #tpu.memory_space<hbm>> -> memref<1x128xi32, #tpu.memory_space<hbm>>
        %dma_wait3A_292 = tpu.memref_squeeze %dma_wait3A_291 : memref<1x128xi32, #tpu.memory_space<hbm>> -> memref<128xi32, #tpu.memory_space<hbm>>
        %dma_wait3A_293 = tpu.memref_slice %arg12[%rem3A_283] : memref<4x!tpu.dma_semaphore, #tpu.memory_space<semaphore_mem>> -> memref<1x!tpu.dma_semaphore, #tpu.memory_space<semaphore_mem>>
        %dma_wait3A_294 = tpu.memref_squeeze %dma_wait3A_293 : memref<1x!tpu.dma_semaphore, #tpu.memory_space<semaphore_mem>> -> memref<!tpu.dma_semaphore, #tpu.memory_space<semaphore_mem>>
        %dma_wait3A_295 = arith.constant 0 : i32
        %dma_wait3A_296 = tpu.memref_slice %arg7[%rem3A_283, %dma_wait3A_295] : memref<4x128xi32, #tpu.memory_space<vmem>> -> memref<1x128xi32, #tpu.memory_space<vmem>>
        %dma_wait3A_297 = tpu.memref_squeeze %dma_wait3A_296 : memref<1x128xi32, #tpu.memory_space<vmem>> -> memref<128xi32, #tpu.memory_space<vmem>>
        %dma_wait3A_298 = arith.constant 0 : i32
        %dma_wait3A_299 = tpu.memref_slice %arg2[%add3A_286, %dma_wait3A_298] : memref<1600x128xi32, #tpu.memory_space<hbm>> -> memref<1x128xi32, #tpu.memory_space<hbm>>
        %dma_wait3A_300 = tpu.memref_squeeze %dma_wait3A_299 : memref<1x128xi32, #tpu.memory_space<hbm>> -> memref<128xi32, #tpu.memory_space<hbm>>
        tpu.wait_dma2 semaphore(%dma_wait3A_294 : memref<!tpu.dma_semaphore, #tpu.memory_space<semaphore_mem>>) src(%dma_wait3A_300 : memref<128xi32, #tpu.memory_space<hbm>>) dst(%dma_wait3A_297 : memref<128xi32, #tpu.memory_space<vmem>>)
        %dma_wait3A_301 = arith.constant 0 : i32
        %dma_wait3A_302 = tpu.memref_slice %arg8[%rem3A_283, %dma_wait3A_301] : memref<4x128xi32, #tpu.memory_space<vmem>> -> memref<1x128xi32, #tpu.memory_space<vmem>>
        %dma_wait3A_303 = tpu.memref_squeeze %dma_wait3A_302 : memref<1x128xi32, #tpu.memory_space<vmem>> -> memref<128xi32, #tpu.memory_space<vmem>>
        %dma_wait3A_304 = arith.constant 0 : i32
        %dma_wait3A_305 = tpu.memref_slice %arg3[%add3A_286, %dma_wait3A_304] : memref<1600x128xi32, #tpu.memory_space<hbm>> -> memref<1x128xi32, #tpu.memory_space<hbm>>
        %dma_wait3A_306 = tpu.memref_squeeze %dma_wait3A_305 : memref<1x128xi32, #tpu.memory_space<hbm>> -> memref<128xi32, #tpu.memory_space<hbm>>
        %dma_wait3A_307 = tpu.memref_slice %arg12[%rem3A_283] : memref<4x!tpu.dma_semaphore, #tpu.memory_space<semaphore_mem>> -> memref<1x!tpu.dma_semaphore, #tpu.memory_space<semaphore_mem>>
        %dma_wait3A_308 = tpu.memref_squeeze %dma_wait3A_307 : memref<1x!tpu.dma_semaphore, #tpu.memory_space<semaphore_mem>> -> memref<!tpu.dma_semaphore, #tpu.memory_space<semaphore_mem>>
        %dma_wait3A_309 = arith.constant 0 : i32
        %dma_wait3A_310 = tpu.memref_slice %arg8[%rem3A_283, %dma_wait3A_309] : memref<4x128xi32, #tpu.memory_space<vmem>> -> memref<1x128xi32, #tpu.memory_space<vmem>>
        %dma_wait3A_311 = tpu.memref_squeeze %dma_wait3A_310 : memref<1x128xi32, #tpu.memory_space<vmem>> -> memref<128xi32, #tpu.memory_space<vmem>>
        %dma_wait3A_312 = arith.constant 0 : i32
        %dma_wait3A_313 = tpu.memref_slice %arg3[%add3A_286, %dma_wait3A_312] : memref<1600x128xi32, #tpu.memory_space<hbm>> -> memref<1x128xi32, #tpu.memory_space<hbm>>
        %dma_wait3A_314 = tpu.memref_squeeze %dma_wait3A_313 : memref<1x128xi32, #tpu.memory_space<hbm>> -> memref<128xi32, #tpu.memory_space<hbm>>
        tpu.wait_dma2 semaphore(%dma_wait3A_308 : memref<!tpu.dma_semaphore, #tpu.memory_space<semaphore_mem>>) src(%dma_wait3A_314 : memref<128xi32, #tpu.memory_space<hbm>>) dst(%dma_wait3A_311 : memref<128xi32, #tpu.memory_space<vmem>>)
        %dma_start3A_315 = arith.constant 0 : i32
        %dma_start3A_316 = arith.constant 0 : i32
        %dma_start3A_317 = tpu.memref_slice %arg9[%rem3A_283, %dma_start3A_315, %dma_start3A_316] : memref<4x128x128xf32, #tpu.memory_space<vmem>> -> memref<1x128x128xf32, #tpu.memory_space<vmem>>
        %dma_start3A_318 = tpu.memref_squeeze %dma_start3A_317 : memref<1x128x128xf32, #tpu.memory_space<vmem>> -> memref<128x128xf32, #tpu.memory_space<vmem>>
        %dma_start3A_319 = arith.constant 0 : i32
        %dma_start3A_320 = tpu.memref_slice %arg7[%rem3A_283, %dma_start3A_319] : memref<4x128xi32, #tpu.memory_space<vmem>> -> memref<1x128xi32, #tpu.memory_space<vmem>>
        %dma_start3A_321 = tpu.memref_squeeze %dma_start3A_320 : memref<1x128xi32, #tpu.memory_space<vmem>> -> memref<128xi32, #tpu.memory_space<vmem>>
        %dma_start3A_322 = arith.constant 0 : i32
        %dma_start3A_323 = arith.constant 0 : i32
        %dma_start3A_324 = tpu.memref_slice %arg4[%dma_start3A_322, %dma_start3A_323] : memref<1000000x128xf32, #tpu.memory_space<hbm>> -> memref<1000000x128xf32, #tpu.memory_space<hbm>>
        %dma_start3A_325 = tpu.memref_slice %arg13[%rem3A_283] : memref<4x!tpu.dma_semaphore, #tpu.memory_space<semaphore_mem>> -> memref<1x!tpu.dma_semaphore, #tpu.memory_space<semaphore_mem>>
        %dma_start3A_326 = tpu.memref_squeeze %dma_start3A_325 : memref<1x!tpu.dma_semaphore, #tpu.memory_space<semaphore_mem>> -> memref<!tpu.dma_semaphore, #tpu.memory_space<semaphore_mem>>
        tpu.enqueue_indirect_dma source(%dma_start3A_324 : memref<1000000x128xf32, #tpu.memory_space<hbm>>) target(%dma_start3A_318 : memref<128x128xf32, #tpu.memory_space<vmem>>) offsets(%dma_start3A_321 : memref<128xi32, #tpu.memory_space<vmem>>) semaphore(%dma_start3A_326 : memref<!tpu.dma_semaphore, #tpu.memory_space<semaphore_mem>>)
      } else {
      }
      %dma_wait3A_246 = arith.constant 0 : i32
      %dma_wait3A_247 = arith.constant 0 : i32
      %dma_wait3A_248 = tpu.memref_slice %arg9[%rem3A_232, %dma_wait3A_246, %dma_wait3A_247] : memref<4x128x128xf32, #tpu.memory_space<vmem>> -> memref<1x128x128xf32, #tpu.memory_space<vmem>>
      %dma_wait3A_249 = tpu.memref_squeeze %dma_wait3A_248 : memref<1x128x128xf32, #tpu.memory_space<vmem>> -> memref<128x128xf32, #tpu.memory_space<vmem>>
      %dma_wait3A_250 = arith.constant 0 : i32
      %dma_wait3A_251 = tpu.memref_slice %arg7[%rem3A_232, %dma_wait3A_250] : memref<4x128xi32, #tpu.memory_space<vmem>> -> memref<1x128xi32, #tpu.memory_space<vmem>>
      %dma_wait3A_252 = tpu.memref_squeeze %dma_wait3A_251 : memref<1x128xi32, #tpu.memory_space<vmem>> -> memref<128xi32, #tpu.memory_space<vmem>>
      %dma_wait3A_253 = arith.constant 0 : i32
      %dma_wait3A_254 = arith.constant 0 : i32
      %dma_wait3A_255 = tpu.memref_slice %arg4[%dma_wait3A_253, %dma_wait3A_254] : memref<1000000x128xf32, #tpu.memory_space<hbm>> -> memref<1000000x128xf32, #tpu.memory_space<hbm>>
      %dma_wait3A_256 = tpu.memref_slice %arg13[%rem3A_232] : memref<4x!tpu.dma_semaphore, #tpu.memory_space<semaphore_mem>> -> memref<1x!tpu.dma_semaphore, #tpu.memory_space<semaphore_mem>>
      %dma_wait3A_257 = tpu.memref_squeeze %dma_wait3A_256 : memref<1x!tpu.dma_semaphore, #tpu.memory_space<semaphore_mem>> -> memref<!tpu.dma_semaphore, #tpu.memory_space<semaphore_mem>>
      tpu.wait_indirect_dma semaphore(%dma_wait3A_257 : memref<!tpu.dma_semaphore, #tpu.memory_space<semaphore_mem>>) src(%dma_wait3A_255 : memref<1000000x128xf32, #tpu.memory_space<hbm>>) dst(%dma_wait3A_249 : memref<128x128xf32, #tpu.memory_space<vmem>>)
      %ge3A = arith.constant 2 : i32
      %ge3A_258 = arith.cmpi sge, %scan3A_231, %ge3A : i32
      %convert_element_type3A_259 = arith.extui %ge3A_258 : i1 to i32
      %cond3A_260 = arith.constant 0 : i32
      %cond3A_261 = arith.cmpi ne, %convert_element_type3A_259, %cond3A_260 : i32
      scf.if %cond3A_261 {
        %sub3A = arith.constant 2 : i32
        %sub3A_280 = arith.subi %scan3A_231, %sub3A : i32
        %mul3A_281 = arith.constant 8192 : i32
        %mul3A_282 = arith.muli %rem3A_234, %mul3A_281 : i32
        %add3A_283 = arith.addi %mul3A_2, %sub3A_280 : i32
        %mul3A_284 = arith.constant 8192 : i32
        %mul3A_285 = arith.muli %add3A_283, %mul3A_284 : i32
        %dma_wait3A_286 = tpu.memref_slice %arg11[%mul3A_282] : memref<16384xf32, #tpu.memory_space<vmem>> -> memref<8192xf32, #tpu.memory_space<vmem>>
        %dma_wait3A_287 = tpu.memref_slice %arg6[%mul3A_285] : memref<13107200xf32, #tpu.memory_space<hbm>> -> memref<8192xf32, #tpu.memory_space<hbm>>
        %dma_wait3A_288 = tpu.memref_slice %arg14[%rem3A_234] : memref<2x!tpu.dma_semaphore, #tpu.memory_space<semaphore_mem>> -> memref<1x!tpu.dma_semaphore, #tpu.memory_space<semaphore_mem>>
        %dma_wait3A_289 = tpu.memref_squeeze %dma_wait3A_288 : memref<1x!tpu.dma_semaphore, #tpu.memory_space<semaphore_mem>> -> memref<!tpu.dma_semaphore, #tpu.memory_space<semaphore_mem>>
        %dma_wait3A_290 = tpu.memref_slice %arg6[%mul3A_285] : memref<13107200xf32, #tpu.memory_space<hbm>> -> memref<8192xf32, #tpu.memory_space<hbm>>
        %dma_wait3A_291 = tpu.memref_slice %arg11[%mul3A_282] : memref<16384xf32, #tpu.memory_space<vmem>> -> memref<8192xf32, #tpu.memory_space<vmem>>
        tpu.wait_dma2 semaphore(%dma_wait3A_289 : memref<!tpu.dma_semaphore, #tpu.memory_space<semaphore_mem>>) src(%dma_wait3A_291 : memref<8192xf32, #tpu.memory_space<vmem>>) dst(%dma_wait3A_290 : memref<8192xf32, #tpu.memory_space<hbm>>)
      } else {
      }
      %mul3A_262 = arith.constant 8192 : i32
      %mul3A_263 = arith.muli %rem3A_234, %mul3A_262 : i32
      %scan3A_264 = arith.constant 0 : i32
      %scan3A_265 = arith.constant 8 : i32
      %scan3A_266 = arith.addi %scan3A_264, %scan3A_265 : i32
      %scan3A_267 = arith.constant 1 : i32
      scf.for %scan3A_280 = %scan3A_264 to %scan3A_266 step %scan3A_267  : i32 {
        %mul3A_281 = arith.constant 16 : i32
        %mul3A_282 = arith.muli %scan3A_280, %mul3A_281 : i32
        %get3A = arith.index_cast %rem3A_232 : i32 to index
        %get3A_283 = arith.index_cast %mul3A_282 : i32 to index
        %get3A_284 = tpu.vector_load %arg8[%get3A, %get3A_283] {strides = array<i32>} : memref<4x128xi32, #tpu.memory_space<vmem>>, vector<1x16xi32>,
        %get3A_285 = vector.shape_cast %get3A_284 : vector<1x16xi32> to vector<16xi32>
        %slice3A = vector.extract_strided_slice %get3A_285 {offsets = [0], sizes = [1], strides = [1]} : vector<16xi32> to vector<1xi32>
        %squeeze3A = vector.extract %slice3A[0] : i32 from vector<1xi32>
        %add3A_286 = arith.constant 0 : i32
        %add3A_287 = arith.addi %mul3A_282, %add3A_286 : i32
        %get3A_288 = arith.constant 0 : i32
        %get3A_289 = arith.constant 0 : i32
        %get3A_290 = tpu.memref_slice %arg9[%rem3A_232, %get3A_288, %get3A_289] : memref<4x128x128xf32, #tpu.memory_space<vmem>> -> memref<1x128x128xf32, #tpu.memory_space<vmem>>
        %get3A_291 = tpu.memref_squeeze %get3A_290 : memref<1x128x128xf32, #tpu.memory_space<vmem>> -> memref<128x128xf32, #tpu.memory_space<vmem>>
        %get3A_292 = arith.index_cast %add3A_287 : i32 to index
        %get3A_293 = arith.constant 0 : index
        %get3A_294 = tpu.vector_load %get3A_291[%get3A_292, %get3A_293] {strides = array<i32>} : memref<128x128xf32, #tpu.memory_space<vmem>>, vector<1x16xf32>,
        %get3A_295 = vector.shape_cast %get3A_294 : vector<1x16xf32> to vector<16xf32>
        %add3A_296 = arith.constant 0 : i32
        %add3A_297 = arith.addi %squeeze3A, %add3A_296 : i32
        %get3A_298 = arith.index_cast %add3A_297 : i32 to index
        %get3A_299 = tpu.vector_load %arg10[%get3A_298] {strides = array<i32>} : memref<25600xf32, #tpu.memory_space<vmem>>, vector<16xf32>,
        %get3A_300 = vector.shape_cast %get3A_299 : vector<16xf32> to vector<16xf32>
        %add3A_301 = arith.addf %get3A_295, %get3A_300 : vector<16xf32>
        %mul3A_302 = arith.constant 64 : i32
        %mul3A_303 = arith.muli %add3A_287, %mul3A_302 : i32
        %add3A_304 = arith.addi %mul3A_263, %mul3A_303 : i32
        %add3A_305 = arith.constant 0 : i32
        %add3A_306 = arith.addi %add3A_304, %add3A_305 : i32
        %swap3A = arith.index_cast %add3A_306 : i32 to index
        %swap3A_307 = tpu.vector_load %arg11[%swap3A] {strides = array<i32>} : memref<16384xf32, #tpu.memory_space<vmem>>, vector<16xf32>,
        %swap3A_308 = vector.shape_cast %swap3A_307 : vector<16xf32> to vector<16xf32>
        %swap3A_309 = vector.shape_cast %add3A_301 : vector<16xf32> to vector<16xf32>
        tpu.vector_store %arg11[%swap3A], %swap3A_309 {strides = array<i32>} : memref<16384xf32, #tpu.memory_space<vmem>>, vector<16xf32>,
        %get3A_310 = arith.constant 0 : i32
        %get3A_311 = arith.constant 0 : i32
        %get3A_312 = tpu.memref_slice %arg9[%rem3A_232, %get3A_310, %get3A_311] : memref<4x128x128xf32, #tpu.memory_space<vmem>> -> memref<1x128x128xf32, #tpu.memory_space<vmem>>
        %get3A_313 = tpu.memref_squeeze %get3A_312 : memref<1x128x128xf32, #tpu.memory_space<vmem>> -> memref<128x128xf32, #tpu.memory_space<vmem>>
        %get3A_314 = arith.index_cast %add3A_287 : i32 to index
        %get3A_315 = arith.constant 16 : index
        %get3A_316 = tpu.vector_load %get3A_313[%get3A_314, %get3A_315] {strides = array<i32>} : memref<128x128xf32, #tpu.memory_space<vmem>>, vector<1x16xf32>,
        %get3A_317 = vector.shape_cast %get3A_316 : vector<1x16xf32> to vector<16xf32>
        %add3A_318 = arith.constant 16 : i32
        %add3A_319 = arith.addi %squeeze3A, %add3A_318 : i32
        %get3A_320 = arith.index_cast %add3A_319 : i32 to index
        %get3A_321 = tpu.vector_load %arg10[%get3A_320] {strides = array<i32>} : memref<25600xf32, #tpu.memory_space<vmem>>, vector<16xf32>,
        %get3A_322 = vector.shape_cast %get3A_321 : vector<16xf32> to vector<16xf32>
        %add3A_323 = arith.addf %get3A_317, %get3A_322 : vector<16xf32>
        %mul3A_324 = arith.constant 64 : i32
        %mul3A_325 = arith.muli %add3A_287, %mul3A_324 : i32
        %add3A_326 = arith.addi %mul3A_263, %mul3A_325 : i32
        %add3A_327 = arith.constant 16 : i32
        %add3A_328 = arith.addi %add3A_326, %add3A_327 : i32
        %swap3A_329 = arith.index_cast %add3A_328 : i32 to index
        %swap3A_330 = tpu.vector_load %arg11[%swap3A_329] {strides = array<i32>} : memref<16384xf32, #tpu.memory_space<vmem>>, vector<16xf32>,
        %swap3A_331 = vector.shape_cast %swap3A_330 : vector<16xf32> to vector<16xf32>
        %swap3A_332 = vector.shape_cast %add3A_323 : vector<16xf32> to vector<16xf32>
        tpu.vector_store %arg11[%swap3A_329], %swap3A_332 {strides = array<i32>} : memref<16384xf32, #tpu.memory_space<vmem>>, vector<16xf32>,
        %get3A_333 = arith.constant 0 : i32
        %get3A_334 = arith.constant 0 : i32
        %get3A_335 = tpu.memref_slice %arg9[%rem3A_232, %get3A_333, %get3A_334] : memref<4x128x128xf32, #tpu.memory_space<vmem>> -> memref<1x128x128xf32, #tpu.memory_space<vmem>>
        %get3A_336 = tpu.memref_squeeze %get3A_335 : memref<1x128x128xf32, #tpu.memory_space<vmem>> -> memref<128x128xf32, #tpu.memory_space<vmem>>
        %get3A_337 = arith.index_cast %add3A_287 : i32 to index
        %get3A_338 = arith.constant 32 : index
        %get3A_339 = tpu.vector_load %get3A_336[%get3A_337, %get3A_338] {strides = array<i32>} : memref<128x128xf32, #tpu.memory_space<vmem>>, vector<1x16xf32>,
        %get3A_340 = vector.shape_cast %get3A_339 : vector<1x16xf32> to vector<16xf32>
        %add3A_341 = arith.constant 32 : i32
        %add3A_342 = arith.addi %squeeze3A, %add3A_341 : i32
        %get3A_343 = arith.index_cast %add3A_342 : i32 to index
        %get3A_344 = tpu.vector_load %arg10[%get3A_343] {strides = array<i32>} : memref<25600xf32, #tpu.memory_space<vmem>>, vector<16xf32>,
        %get3A_345 = vector.shape_cast %get3A_344 : vector<16xf32> to vector<16xf32>
        %add3A_346 = arith.addf %get3A_340, %get3A_345 : vector<16xf32>
        %mul3A_347 = arith.constant 64 : i32
        %mul3A_348 = arith.muli %add3A_287, %mul3A_347 : i32
        %add3A_349 = arith.addi %mul3A_263, %mul3A_348 : i32
        %add3A_350 = arith.constant 32 : i32
        %add3A_351 = arith.addi %add3A_349, %add3A_350 : i32
        %swap3A_352 = arith.index_cast %add3A_351 : i32 to index
        %swap3A_353 = tpu.vector_load %arg11[%swap3A_352] {strides = array<i32>} : memref<16384xf32, #tpu.memory_space<vmem>>, vector<16xf32>,
        %swap3A_354 = vector.shape_cast %swap3A_353 : vector<16xf32> to vector<16xf32>
        %swap3A_355 = vector.shape_cast %add3A_346 : vector<16xf32> to vector<16xf32>
        tpu.vector_store %arg11[%swap3A_352], %swap3A_355 {strides = array<i32>} : memref<16384xf32, #tpu.memory_space<vmem>>, vector<16xf32>,
        %get3A_356 = arith.constant 0 : i32
        %get3A_357 = arith.constant 0 : i32
        %get3A_358 = tpu.memref_slice %arg9[%rem3A_232, %get3A_356, %get3A_357] : memref<4x128x128xf32, #tpu.memory_space<vmem>> -> memref<1x128x128xf32, #tpu.memory_space<vmem>>
        %get3A_359 = tpu.memref_squeeze %get3A_358 : memref<1x128x128xf32, #tpu.memory_space<vmem>> -> memref<128x128xf32, #tpu.memory_space<vmem>>
        %get3A_360 = arith.index_cast %add3A_287 : i32 to index
        %get3A_361 = arith.constant 48 : index
        %get3A_362 = tpu.vector_load %get3A_359[%get3A_360, %get3A_361] {strides = array<i32>} : memref<128x128xf32, #tpu.memory_space<vmem>>, vector<1x16xf32>,
        %get3A_363 = vector.shape_cast %get3A_362 : vector<1x16xf32> to vector<16xf32>
        %add3A_364 = arith.constant 48 : i32
        %add3A_365 = arith.addi %squeeze3A, %add3A_364 : i32
        %get3A_366 = arith.index_cast %add3A_365 : i32 to index
        %get3A_367 = tpu.vector_load %arg10[%get3A_366] {strides = array<i32>} : memref<25600xf32, #tpu.memory_space<vmem>>, vector<16xf32>,
        %get3A_368 = vector.shape_cast %get3A_367 : vector<16xf32> to vector<16xf32>
        %add3A_369 = arith.addf %get3A_363, %get3A_368 : vector<16xf32>
        %mul3A_370 = arith.constant 64 : i32
        %mul3A_371 = arith.muli %add3A_287, %mul3A_370 : i32
        %add3A_372 = arith.addi %mul3A_263, %mul3A_371 : i32
        %add3A_373 = arith.constant 48 : i32
        %add3A_374 = arith.addi %add3A_372, %add3A_373 : i32
        %swap3A_375 = arith.index_cast %add3A_374 : i32 to index
        %swap3A_376 = tpu.vector_load %arg11[%swap3A_375] {strides = array<i32>} : memref<16384xf32, #tpu.memory_space<vmem>>, vector<16xf32>,
        %swap3A_377 = vector.shape_cast %swap3A_376 : vector<16xf32> to vector<16xf32>
        %swap3A_378 = vector.shape_cast %add3A_369 : vector<16xf32> to vector<16xf32>
        tpu.vector_store %arg11[%swap3A_375], %swap3A_378 {strides = array<i32>} : memref<16384xf32, #tpu.memory_space<vmem>>, vector<16xf32>,
        %slice3A_379 = vector.extract_strided_slice %get3A_285 {offsets = [1], sizes = [1], strides = [1]} : vector<16xi32> to vector<1xi32>
        %squeeze3A_380 = vector.extract %slice3A_379[0] : i32 from vector<1xi32>
        %add3A_381 = arith.constant 1 : i32
        %add3A_382 = arith.addi %mul3A_282, %add3A_381 : i32
        %get3A_383 = arith.constant 0 : i32
        %get3A_384 = arith.constant 0 : i32
        %get3A_385 = tpu.memref_slice %arg9[%rem3A_232, %get3A_383, %get3A_384] : memref<4x128x128xf32, #tpu.memory_space<vmem>> -> memref<1x128x128xf32, #tpu.memory_space<vmem>>
        %get3A_386 = tpu.memref_squeeze %get3A_385 : memref<1x128x128xf32, #tpu.memory_space<vmem>> -> memref<128x128xf32, #tpu.memory_space<vmem>>
        %get3A_387 = arith.index_cast %add3A_382 : i32 to index
        %get3A_388 = arith.constant 0 : index
        %get3A_389 = tpu.vector_load %get3A_386[%get3A_387, %get3A_388] {strides = array<i32>} : memref<128x128xf32, #tpu.memory_space<vmem>>, vector<1x16xf32>,
        %get3A_390 = vector.shape_cast %get3A_389 : vector<1x16xf32> to vector<16xf32>
        %add3A_391 = arith.constant 0 : i32
        %add3A_392 = arith.addi %squeeze3A_380, %add3A_391 : i32
        %get3A_393 = arith.index_cast %add3A_392 : i32 to index
        %get3A_394 = tpu.vector_load %arg10[%get3A_393] {strides = array<i32>} : memref<25600xf32, #tpu.memory_space<vmem>>, vector<16xf32>,
        %get3A_395 = vector.shape_cast %get3A_394 : vector<16xf32> to vector<16xf32>
        %add3A_396 = arith.addf %get3A_390, %get3A_395 : vector<16xf32>
        %mul3A_397 = arith.constant 64 : i32
        %mul3A_398 = arith.muli %add3A_382, %mul3A_397 : i32
        %add3A_399 = arith.addi %mul3A_263, %mul3A_398 : i32
        %add3A_400 = arith.constant 0 : i32
        %add3A_401 = arith.addi %add3A_399, %add3A_400 : i32
        %swap3A_402 = arith.index_cast %add3A_401 : i32 to index
        %swap3A_403 = tpu.vector_load %arg11[%swap3A_402] {strides = array<i32>} : memref<16384xf32, #tpu.memory_space<vmem>>, vector<16xf32>,
        %swap3A_404 = vector.shape_cast %swap3A_403 : vector<16xf32> to vector<16xf32>
        %swap3A_405 = vector.shape_cast %add3A_396 : vector<16xf32> to vector<16xf32>
        tpu.vector_store %arg11[%swap3A_402], %swap3A_405 {strides = array<i32>} : memref<16384xf32, #tpu.memory_space<vmem>>, vector<16xf32>,
        %get3A_406 = arith.constant 0 : i32
        %get3A_407 = arith.constant 0 : i32
        %get3A_408 = tpu.memref_slice %arg9[%rem3A_232, %get3A_406, %get3A_407] : memref<4x128x128xf32, #tpu.memory_space<vmem>> -> memref<1x128x128xf32, #tpu.memory_space<vmem>>
        %get3A_409 = tpu.memref_squeeze %get3A_408 : memref<1x128x128xf32, #tpu.memory_space<vmem>> -> memref<128x128xf32, #tpu.memory_space<vmem>>
        %get3A_410 = arith.index_cast %add3A_382 : i32 to index
        %get3A_411 = arith.constant 16 : index
        %get3A_412 = tpu.vector_load %get3A_409[%get3A_410, %get3A_411] {strides = array<i32>} : memref<128x128xf32, #tpu.memory_space<vmem>>, vector<1x16xf32>,
        %get3A_413 = vector.shape_cast %get3A_412 : vector<1x16xf32> to vector<16xf32>
        %add3A_414 = arith.constant 16 : i32
        %add3A_415 = arith.addi %squeeze3A_380, %add3A_414 : i32
        %get3A_416 = arith.index_cast %add3A_415 : i32 to index
        %get3A_417 = tpu.vector_load %arg10[%get3A_416] {strides = array<i32>} : memref<25600xf32, #tpu.memory_space<vmem>>, vector<16xf32>,
        %get3A_418 = vector.shape_cast %get3A_417 : vector<16xf32> to vector<16xf32>
        %add3A_419 = arith.addf %get3A_413, %get3A_418 : vector<16xf32>
        %mul3A_420 = arith.constant 64 : i32
        %mul3A_421 = arith.muli %add3A_382, %mul3A_420 : i32
        %add3A_422 = arith.addi %mul3A_263, %mul3A_421 : i32
        %add3A_423 = arith.constant 16 : i32
        %add3A_424 = arith.addi %add3A_422, %add3A_423 : i32
        %swap3A_425 = arith.index_cast %add3A_424 : i32 to index
        %swap3A_426 = tpu.vector_load %arg11[%swap3A_425] {strides = array<i32>} : memref<16384xf32, #tpu.memory_space<vmem>>, vector<16xf32>,
        %swap3A_427 = vector.shape_cast %swap3A_426 : vector<16xf32> to vector<16xf32>
        %swap3A_428 = vector.shape_cast %add3A_419 : vector<16xf32> to vector<16xf32>
        tpu.vector_store %arg11[%swap3A_425], %swap3A_428 {strides = array<i32>} : memref<16384xf32, #tpu.memory_space<vmem>>, vector<16xf32>,
        %get3A_429 = arith.constant 0 : i32
        %get3A_430 = arith.constant 0 : i32
        %get3A_431 = tpu.memref_slice %arg9[%rem3A_232, %get3A_429, %get3A_430] : memref<4x128x128xf32, #tpu.memory_space<vmem>> -> memref<1x128x128xf32, #tpu.memory_space<vmem>>
        %get3A_432 = tpu.memref_squeeze %get3A_431 : memref<1x128x128xf32, #tpu.memory_space<vmem>> -> memref<128x128xf32, #tpu.memory_space<vmem>>
        %get3A_433 = arith.index_cast %add3A_382 : i32 to index
        %get3A_434 = arith.constant 32 : index
        %get3A_435 = tpu.vector_load %get3A_432[%get3A_433, %get3A_434] {strides = array<i32>} : memref<128x128xf32, #tpu.memory_space<vmem>>, vector<1x16xf32>,
        %get3A_436 = vector.shape_cast %get3A_435 : vector<1x16xf32> to vector<16xf32>
        %add3A_437 = arith.constant 32 : i32
        %add3A_438 = arith.addi %squeeze3A_380, %add3A_437 : i32
        %get3A_439 = arith.index_cast %add3A_438 : i32 to index
        %get3A_440 = tpu.vector_load %arg10[%get3A_439] {strides = array<i32>} : memref<25600xf32, #tpu.memory_space<vmem>>, vector<16xf32>,
        %get3A_441 = vector.shape_cast %get3A_440 : vector<16xf32> to vector<16xf32>
        %add3A_442 = arith.addf %get3A_436, %get3A_441 : vector<16xf32>
        %mul3A_443 = arith.constant 64 : i32
        %mul3A_444 = arith.muli %add3A_382, %mul3A_443 : i32
        %add3A_445 = arith.addi %mul3A_263, %mul3A_444 : i32
        %add3A_446 = arith.constant 32 : i32
        %add3A_447 = arith.addi %add3A_445, %add3A_446 : i32
        %swap3A_448 = arith.index_cast %add3A_447 : i32 to index
        %swap3A_449 = tpu.vector_load %arg11[%swap3A_448] {strides = array<i32>} : memref<16384xf32, #tpu.memory_space<vmem>>, vector<16xf32>,
        %swap3A_450 = vector.shape_cast %swap3A_449 : vector<16xf32> to vector<16xf32>
        %swap3A_451 = vector.shape_cast %add3A_442 : vector<16xf32> to vector<16xf32>
        tpu.vector_store %arg11[%swap3A_448], %swap3A_451 {strides = array<i32>} : memref<16384xf32, #tpu.memory_space<vmem>>, vector<16xf32>,
        %get3A_452 = arith.constant 0 : i32
        %get3A_453 = arith.constant 0 : i32
        %get3A_454 = tpu.memref_slice %arg9[%rem3A_232, %get3A_452, %get3A_453] : memref<4x128x128xf32, #tpu.memory_space<vmem>> -> memref<1x128x128xf32, #tpu.memory_space<vmem>>
        %get3A_455 = tpu.memref_squeeze %get3A_454 : memref<1x128x128xf32, #tpu.memory_space<vmem>> -> memref<128x128xf32, #tpu.memory_space<vmem>>
        %get3A_456 = arith.index_cast %add3A_382 : i32 to index
        %get3A_457 = arith.constant 48 : index
        %get3A_458 = tpu.vector_load %get3A_455[%get3A_456, %get3A_457] {strides = array<i32>} : memref<128x128xf32, #tpu.memory_space<vmem>>, vector<1x16xf32>,
        %get3A_459 = vector.shape_cast %get3A_458 : vector<1x16xf32> to vector<16xf32>
        %add3A_460 = arith.constant 48 : i32
        %add3A_461 = arith.addi %squeeze3A_380, %add3A_460 : i32
        %get3A_462 = arith.index_cast %add3A_461 : i32 to index
        %get3A_463 = tpu.vector_load %arg10[%get3A_462] {strides = array<i32>} : memref<25600xf32, #tpu.memory_space<vmem>>, vector<16xf32>,
        %get3A_464 = vector.shape_cast %get3A_463 : vector<16xf32> to vector<16xf32>
        %add3A_465 = arith.addf %get3A_459, %get3A_464 : vector<16xf32>
        %mul3A_466 = arith.constant 64 : i32
        %mul3A_467 = arith.muli %add3A_382, %mul3A_466 : i32
        %add3A_468 = arith.addi %mul3A_263, %mul3A_467 : i32
        %add3A_469 = arith.constant 48 : i32
        %add3A_470 = arith.addi %add3A_468, %add3A_469 : i32
        %swap3A_471 = arith.index_cast %add3A_470 : i32 to index
        %swap3A_472 = tpu.vector_load %arg11[%swap3A_471] {strides = array<i32>} : memref<16384xf32, #tpu.memory_space<vmem>>, vector<16xf32>,
        %swap3A_473 = vector.shape_cast %swap3A_472 : vector<16xf32> to vector<16xf32>
        %swap3A_474 = vector.shape_cast %add3A_465 : vector<16xf32> to vector<16xf32>
        tpu.vector_store %arg11[%swap3A_471], %swap3A_474 {strides = array<i32>} : memref<16384xf32, #tpu.memory_space<vmem>>, vector<16xf32>,
        %slice3A_475 = vector.extract_strided_slice %get3A_285 {offsets = [2], sizes = [1], strides = [1]} : vector<16xi32> to vector<1xi32>
        %squeeze3A_476 = vector.extract %slice3A_475[0] : i32 from vector<1xi32>
        %add3A_477 = arith.constant 2 : i32
        %add3A_478 = arith.addi %mul3A_282, %add3A_477 : i32
        %get3A_479 = arith.constant 0 : i32
        %get3A_480 = arith.constant 0 : i32
        %get3A_481 = tpu.memref_slice %arg9[%rem3A_232, %get3A_479, %get3A_480] : memref<4x128x128xf32, #tpu.memory_space<vmem>> -> memref<1x128x128xf32, #tpu.memory_space<vmem>>
        %get3A_482 = tpu.memref_squeeze %get3A_481 : memref<1x128x128xf32, #tpu.memory_space<vmem>> -> memref<128x128xf32, #tpu.memory_space<vmem>>
        %get3A_483 = arith.index_cast %add3A_478 : i32 to index
        %get3A_484 = arith.constant 0 : index
        %get3A_485 = tpu.vector_load %get3A_482[%get3A_483, %get3A_484] {strides = array<i32>} : memref<128x128xf32, #tpu.memory_space<vmem>>, vector<1x16xf32>,
        %get3A_486 = vector.shape_cast %get3A_485 : vector<1x16xf32> to vector<16xf32>
        %add3A_487 = arith.constant 0 : i32
        %add3A_488 = arith.addi %squeeze3A_476, %add3A_487 : i32
        %get3A_489 = arith.index_cast %add3A_488 : i32 to index
        %get3A_490 = tpu.vector_load %arg10[%get3A_489] {strides = array<i32>} : memref<25600xf32, #tpu.memory_space<vmem>>, vector<16xf32>,
        %get3A_491 = vector.shape_cast %get3A_490 : vector<16xf32> to vector<16xf32>
        %add3A_492 = arith.addf %get3A_486, %get3A_491 : vector<16xf32>
        %mul3A_493 = arith.constant 64 : i32
        %mul3A_494 = arith.muli %add3A_478, %mul3A_493 : i32
        %add3A_495 = arith.addi %mul3A_263, %mul3A_494 : i32
        %add3A_496 = arith.constant 0 : i32
        %add3A_497 = arith.addi %add3A_495, %add3A_496 : i32
        %swap3A_498 = arith.index_cast %add3A_497 : i32 to index
        %swap3A_499 = tpu.vector_load %arg11[%swap3A_498] {strides = array<i32>} : memref<16384xf32, #tpu.memory_space<vmem>>, vector<16xf32>,
        %swap3A_500 = vector.shape_cast %swap3A_499 : vector<16xf32> to vector<16xf32>
        %swap3A_501 = vector.shape_cast %add3A_492 : vector<16xf32> to vector<16xf32>
        tpu.vector_store %arg11[%swap3A_498], %swap3A_501 {strides = array<i32>} : memref<16384xf32, #tpu.memory_space<vmem>>, vector<16xf32>,
        %get3A_502 = arith.constant 0 : i32
        %get3A_503 = arith.constant 0 : i32
        %get3A_504 = tpu.memref_slice %arg9[%rem3A_232, %get3A_502, %get3A_503] : memref<4x128x128xf32, #tpu.memory_space<vmem>> -> memref<1x128x128xf32, #tpu.memory_space<vmem>>
        %get3A_505 = tpu.memref_squeeze %get3A_504 : memref<1x128x128xf32, #tpu.memory_space<vmem>> -> memref<128x128xf32, #tpu.memory_space<vmem>>
        %get3A_506 = arith.index_cast %add3A_478 : i32 to index
        %get3A_507 = arith.constant 16 : index
        %get3A_508 = tpu.vector_load %get3A_505[%get3A_506, %get3A_507] {strides = array<i32>} : memref<128x128xf32, #tpu.memory_space<vmem>>, vector<1x16xf32>,
        %get3A_509 = vector.shape_cast %get3A_508 : vector<1x16xf32> to vector<16xf32>
        %add3A_510 = arith.constant 16 : i32
        %add3A_511 = arith.addi %squeeze3A_476, %add3A_510 : i32
        %get3A_512 = arith.index_cast %add3A_511 : i32 to index
        %get3A_513 = tpu.vector_load %arg10[%get3A_512] {strides = array<i32>} : memref<25600xf32, #tpu.memory_space<vmem>>, vector<16xf32>,
        %get3A_514 = vector.shape_cast %get3A_513 : vector<16xf32> to vector<16xf32>
        %add3A_515 = arith.addf %get3A_509, %get3A_514 : vector<16xf32>
        %mul3A_516 = arith.constant 64 : i32
        %mul3A_517 = arith.muli %add3A_478, %mul3A_516 : i32
        %add3A_518 = arith.addi %mul3A_263, %mul3A_517 : i32
        %add3A_519 = arith.constant 16 : i32
        %add3A_520 = arith.addi %add3A_518, %add3A_519 : i32
        %swap3A_521 = arith.index_cast %add3A_520 : i32 to index
        %swap3A_522 = tpu.vector_load %arg11[%swap3A_521] {strides = array<i32>} : memref<16384xf32, #tpu.memory_space<vmem>>, vector<16xf32>,
        %swap3A_523 = vector.shape_cast %swap3A_522 : vector<16xf32> to vector<16xf32>
        %swap3A_524 = vector.shape_cast %add3A_515 : vector<16xf32> to vector<16xf32>
        tpu.vector_store %arg11[%swap3A_521], %swap3A_524 {strides = array<i32>} : memref<16384xf32, #tpu.memory_space<vmem>>, vector<16xf32>,
        %get3A_525 = arith.constant 0 : i32
        %get3A_526 = arith.constant 0 : i32
        %get3A_527 = tpu.memref_slice %arg9[%rem3A_232, %get3A_525, %get3A_526] : memref<4x128x128xf32, #tpu.memory_space<vmem>> -> memref<1x128x128xf32, #tpu.memory_space<vmem>>
        %get3A_528 = tpu.memref_squeeze %get3A_527 : memref<1x128x128xf32, #tpu.memory_space<vmem>> -> memref<128x128xf32, #tpu.memory_space<vmem>>
        %get3A_529 = arith.index_cast %add3A_478 : i32 to index
        %get3A_530 = arith.constant 32 : index
        %get3A_531 = tpu.vector_load %get3A_528[%get3A_529, %get3A_530] {strides = array<i32>} : memref<128x128xf32, #tpu.memory_space<vmem>>, vector<1x16xf32>,
        %get3A_532 = vector.shape_cast %get3A_531 : vector<1x16xf32> to vector<16xf32>
        %add3A_533 = arith.constant 32 : i32
        %add3A_534 = arith.addi %squeeze3A_476, %add3A_533 : i32
        %get3A_535 = arith.index_cast %add3A_534 : i32 to index
        %get3A_536 = tpu.vector_load %arg10[%get3A_535] {strides = array<i32>} : memref<25600xf32, #tpu.memory_space<vmem>>, vector<16xf32>,
        %get3A_537 = vector.shape_cast %get3A_536 : vector<16xf32> to vector<16xf32>
        %add3A_538 = arith.addf %get3A_532, %get3A_537 : vector<16xf32>
        %mul3A_539 = arith.constant 64 : i32
        %mul3A_540 = arith.muli %add3A_478, %mul3A_539 : i32
        %add3A_541 = arith.addi %mul3A_263, %mul3A_540 : i32
        %add3A_542 = arith.constant 32 : i32
        %add3A_543 = arith.addi %add3A_541, %add3A_542 : i32
        %swap3A_544 = arith.index_cast %add3A_543 : i32 to index
        %swap3A_545 = tpu.vector_load %arg11[%swap3A_544] {strides = array<i32>} : memref<16384xf32, #tpu.memory_space<vmem>>, vector<16xf32>,
        %swap3A_546 = vector.shape_cast %swap3A_545 : vector<16xf32> to vector<16xf32>
        %swap3A_547 = vector.shape_cast %add3A_538 : vector<16xf32> to vector<16xf32>
        tpu.vector_store %arg11[%swap3A_544], %swap3A_547 {strides = array<i32>} : memref<16384xf32, #tpu.memory_space<vmem>>, vector<16xf32>,
        %get3A_548 = arith.constant 0 : i32
        %get3A_549 = arith.constant 0 : i32
        %get3A_550 = tpu.memref_slice %arg9[%rem3A_232, %get3A_548, %get3A_549] : memref<4x128x128xf32, #tpu.memory_space<vmem>> -> memref<1x128x128xf32, #tpu.memory_space<vmem>>
        %get3A_551 = tpu.memref_squeeze %get3A_550 : memref<1x128x128xf32, #tpu.memory_space<vmem>> -> memref<128x128xf32, #tpu.memory_space<vmem>>
        %get3A_552 = arith.index_cast %add3A_478 : i32 to index
        %get3A_553 = arith.constant 48 : index
        %get3A_554 = tpu.vector_load %get3A_551[%get3A_552, %get3A_553] {strides = array<i32>} : memref<128x128xf32, #tpu.memory_space<vmem>>, vector<1x16xf32>,
        %get3A_555 = vector.shape_cast %get3A_554 : vector<1x16xf32> to vector<16xf32>
        %add3A_556 = arith.constant 48 : i32
        %add3A_557 = arith.addi %squeeze3A_476, %add3A_556 : i32
        %get3A_558 = arith.index_cast %add3A_557 : i32 to index
        %get3A_559 = tpu.vector_load %arg10[%get3A_558] {strides = array<i32>} : memref<25600xf32, #tpu.memory_space<vmem>>, vector<16xf32>,
        %get3A_560 = vector.shape_cast %get3A_559 : vector<16xf32> to vector<16xf32>
        %add3A_561 = arith.addf %get3A_555, %get3A_560 : vector<16xf32>
        %mul3A_562 = arith.constant 64 : i32
        %mul3A_563 = arith.muli %add3A_478, %mul3A_562 : i32
        %add3A_564 = arith.addi %mul3A_263, %mul3A_563 : i32
        %add3A_565 = arith.constant 48 : i32
        %add3A_566 = arith.addi %add3A_564, %add3A_565 : i32
        %swap3A_567 = arith.index_cast %add3A_566 : i32 to index
        %swap3A_568 = tpu.vector_load %arg11[%swap3A_567] {strides = array<i32>} : memref<16384xf32, #tpu.memory_space<vmem>>, vector<16xf32>,
        %swap3A_569 = vector.shape_cast %swap3A_568 : vector<16xf32> to vector<16xf32>
        %swap3A_570 = vector.shape_cast %add3A_561 : vector<16xf32> to vector<16xf32>
        tpu.vector_store %arg11[%swap3A_567], %swap3A_570 {strides = array<i32>} : memref<16384xf32, #tpu.memory_space<vmem>>, vector<16xf32>,
        %slice3A_571 = vector.extract_strided_slice %get3A_285 {offsets = [3], sizes = [1], strides = [1]} : vector<16xi32> to vector<1xi32>
        %squeeze3A_572 = vector.extract %slice3A_571[0] : i32 from vector<1xi32>
        %add3A_573 = arith.constant 3 : i32
        %add3A_574 = arith.addi %mul3A_282, %add3A_573 : i32
        %get3A_575 = arith.constant 0 : i32
        %get3A_576 = arith.constant 0 : i32
        %get3A_577 = tpu.memref_slice %arg9[%rem3A_232, %get3A_575, %get3A_576] : memref<4x128x128xf32, #tpu.memory_space<vmem>> -> memref<1x128x128xf32, #tpu.memory_space<vmem>>
        %get3A_578 = tpu.memref_squeeze %get3A_577 : memref<1x128x128xf32, #tpu.memory_space<vmem>> -> memref<128x128xf32, #tpu.memory_space<vmem>>
        %get3A_579 = arith.index_cast %add3A_574 : i32 to index
        %get3A_580 = arith.constant 0 : index
        %get3A_581 = tpu.vector_load %get3A_578[%get3A_579, %get3A_580] {strides = array<i32>} : memref<128x128xf32, #tpu.memory_space<vmem>>, vector<1x16xf32>,
        %get3A_582 = vector.shape_cast %get3A_581 : vector<1x16xf32> to vector<16xf32>
        %add3A_583 = arith.constant 0 : i32
        %add3A_584 = arith.addi %squeeze3A_572, %add3A_583 : i32
        %get3A_585 = arith.index_cast %add3A_584 : i32 to index
        %get3A_586 = tpu.vector_load %arg10[%get3A_585] {strides = array<i32>} : memref<25600xf32, #tpu.memory_space<vmem>>, vector<16xf32>,
        %get3A_587 = vector.shape_cast %get3A_586 : vector<16xf32> to vector<16xf32>
        %add3A_588 = arith.addf %get3A_582, %get3A_587 : vector<16xf32>
        %mul3A_589 = arith.constant 64 : i32
        %mul3A_590 = arith.muli %add3A_574, %mul3A_589 : i32
        %add3A_591 = arith.addi %mul3A_263, %mul3A_590 : i32
        %add3A_592 = arith.constant 0 : i32
        %add3A_593 = arith.addi %add3A_591, %add3A_592 : i32
        %swap3A_594 = arith.index_cast %add3A_593 : i32 to index
        %swap3A_595 = tpu.vector_load %arg11[%swap3A_594] {strides = array<i32>} : memref<16384xf32, #tpu.memory_space<vmem>>, vector<16xf32>,
        %swap3A_596 = vector.shape_cast %swap3A_595 : vector<16xf32> to vector<16xf32>
        %swap3A_597 = vector.shape_cast %add3A_588 : vector<16xf32> to vector<16xf32>
        tpu.vector_store %arg11[%swap3A_594], %swap3A_597 {strides = array<i32>} : memref<16384xf32, #tpu.memory_space<vmem>>, vector<16xf32>,
        %get3A_598 = arith.constant 0 : i32
        %get3A_599 = arith.constant 0 : i32
        %get3A_600 = tpu.memref_slice %arg9[%rem3A_232, %get3A_598, %get3A_599] : memref<4x128x128xf32, #tpu.memory_space<vmem>> -> memref<1x128x128xf32, #tpu.memory_space<vmem>>
        %get3A_601 = tpu.memref_squeeze %get3A_600 : memref<1x128x128xf32, #tpu.memory_space<vmem>> -> memref<128x128xf32, #tpu.memory_space<vmem>>
        %get3A_602 = arith.index_cast %add3A_574 : i32 to index
        %get3A_603 = arith.constant 16 : index
        %get3A_604 = tpu.vector_load %get3A_601[%get3A_602, %get3A_603] {strides = array<i32>} : memref<128x128xf32, #tpu.memory_space<vmem>>, vector<1x16xf32>,
        %get3A_605 = vector.shape_cast %get3A_604 : vector<1x16xf32> to vector<16xf32>
        %add3A_606 = arith.constant 16 : i32
        %add3A_607 = arith.addi %squeeze3A_572, %add3A_606 : i32
        %get3A_608 = arith.index_cast %add3A_607 : i32 to index
        %get3A_609 = tpu.vector_load %arg10[%get3A_608] {strides = array<i32>} : memref<25600xf32, #tpu.memory_space<vmem>>, vector<16xf32>,
        %get3A_610 = vector.shape_cast %get3A_609 : vector<16xf32> to vector<16xf32>
        %add3A_611 = arith.addf %get3A_605, %get3A_610 : vector<16xf32>
        %mul3A_612 = arith.constant 64 : i32
        %mul3A_613 = arith.muli %add3A_574, %mul3A_612 : i32
        %add3A_614 = arith.addi %mul3A_263, %mul3A_613 : i32
        %add3A_615 = arith.constant 16 : i32
        %add3A_616 = arith.addi %add3A_614, %add3A_615 : i32
        %swap3A_617 = arith.index_cast %add3A_616 : i32 to index
        %swap3A_618 = tpu.vector_load %arg11[%swap3A_617] {strides = array<i32>} : memref<16384xf32, #tpu.memory_space<vmem>>, vector<16xf32>,
        %swap3A_619 = vector.shape_cast %swap3A_618 : vector<16xf32> to vector<16xf32>
        %swap3A_620 = vector.shape_cast %add3A_611 : vector<16xf32> to vector<16xf32>
        tpu.vector_store %arg11[%swap3A_617], %swap3A_620 {strides = array<i32>} : memref<16384xf32, #tpu.memory_space<vmem>>, vector<16xf32>,
        %get3A_621 = arith.constant 0 : i32
        %get3A_622 = arith.constant 0 : i32
        %get3A_623 = tpu.memref_slice %arg9[%rem3A_232, %get3A_621, %get3A_622] : memref<4x128x128xf32, #tpu.memory_space<vmem>> -> memref<1x128x128xf32, #tpu.memory_space<vmem>>
        %get3A_624 = tpu.memref_squeeze %get3A_623 : memref<1x128x128xf32, #tpu.memory_space<vmem>> -> memref<128x128xf32, #tpu.memory_space<vmem>>
        %get3A_625 = arith.index_cast %add3A_574 : i32 to index
        %get3A_626 = arith.constant 32 : index
        %get3A_627 = tpu.vector_load %get3A_624[%get3A_625, %get3A_626] {strides = array<i32>} : memref<128x128xf32, #tpu.memory_space<vmem>>, vector<1x16xf32>,
        %get3A_628 = vector.shape_cast %get3A_627 : vector<1x16xf32> to vector<16xf32>
        %add3A_629 = arith.constant 32 : i32
        %add3A_630 = arith.addi %squeeze3A_572, %add3A_629 : i32
        %get3A_631 = arith.index_cast %add3A_630 : i32 to index
        %get3A_632 = tpu.vector_load %arg10[%get3A_631] {strides = array<i32>} : memref<25600xf32, #tpu.memory_space<vmem>>, vector<16xf32>,
        %get3A_633 = vector.shape_cast %get3A_632 : vector<16xf32> to vector<16xf32>
        %add3A_634 = arith.addf %get3A_628, %get3A_633 : vector<16xf32>
        %mul3A_635 = arith.constant 64 : i32
        %mul3A_636 = arith.muli %add3A_574, %mul3A_635 : i32
        %add3A_637 = arith.addi %mul3A_263, %mul3A_636 : i32
        %add3A_638 = arith.constant 32 : i32
        %add3A_639 = arith.addi %add3A_637, %add3A_638 : i32
        %swap3A_640 = arith.index_cast %add3A_639 : i32 to index
        %swap3A_641 = tpu.vector_load %arg11[%swap3A_640] {strides = array<i32>} : memref<16384xf32, #tpu.memory_space<vmem>>, vector<16xf32>,
        %swap3A_642 = vector.shape_cast %swap3A_641 : vector<16xf32> to vector<16xf32>
        %swap3A_643 = vector.shape_cast %add3A_634 : vector<16xf32> to vector<16xf32>
        tpu.vector_store %arg11[%swap3A_640], %swap3A_643 {strides = array<i32>} : memref<16384xf32, #tpu.memory_space<vmem>>, vector<16xf32>,
        %get3A_644 = arith.constant 0 : i32
        %get3A_645 = arith.constant 0 : i32
        %get3A_646 = tpu.memref_slice %arg9[%rem3A_232, %get3A_644, %get3A_645] : memref<4x128x128xf32, #tpu.memory_space<vmem>> -> memref<1x128x128xf32, #tpu.memory_space<vmem>>
        %get3A_647 = tpu.memref_squeeze %get3A_646 : memref<1x128x128xf32, #tpu.memory_space<vmem>> -> memref<128x128xf32, #tpu.memory_space<vmem>>
        %get3A_648 = arith.index_cast %add3A_574 : i32 to index
        %get3A_649 = arith.constant 48 : index
        %get3A_650 = tpu.vector_load %get3A_647[%get3A_648, %get3A_649] {strides = array<i32>} : memref<128x128xf32, #tpu.memory_space<vmem>>, vector<1x16xf32>,
        %get3A_651 = vector.shape_cast %get3A_650 : vector<1x16xf32> to vector<16xf32>
        %add3A_652 = arith.constant 48 : i32
        %add3A_653 = arith.addi %squeeze3A_572, %add3A_652 : i32
        %get3A_654 = arith.index_cast %add3A_653 : i32 to index
        %get3A_655 = tpu.vector_load %arg10[%get3A_654] {strides = array<i32>} : memref<25600xf32, #tpu.memory_space<vmem>>, vector<16xf32>,
        %get3A_656 = vector.shape_cast %get3A_655 : vector<16xf32> to vector<16xf32>
        %add3A_657 = arith.addf %get3A_651, %get3A_656 : vector<16xf32>
        %mul3A_658 = arith.constant 64 : i32
        %mul3A_659 = arith.muli %add3A_574, %mul3A_658 : i32
        %add3A_660 = arith.addi %mul3A_263, %mul3A_659 : i32
        %add3A_661 = arith.constant 48 : i32
        %add3A_662 = arith.addi %add3A_660, %add3A_661 : i32
        %swap3A_663 = arith.index_cast %add3A_662 : i32 to index
        %swap3A_664 = tpu.vector_load %arg11[%swap3A_663] {strides = array<i32>} : memref<16384xf32, #tpu.memory_space<vmem>>, vector<16xf32>,
        %swap3A_665 = vector.shape_cast %swap3A_664 : vector<16xf32> to vector<16xf32>
        %swap3A_666 = vector.shape_cast %add3A_657 : vector<16xf32> to vector<16xf32>
        tpu.vector_store %arg11[%swap3A_663], %swap3A_666 {strides = array<i32>} : memref<16384xf32, #tpu.memory_space<vmem>>, vector<16xf32>,
        %slice3A_667 = vector.extract_strided_slice %get3A_285 {offsets = [4], sizes = [1], strides = [1]} : vector<16xi32> to vector<1xi32>
        %squeeze3A_668 = vector.extract %slice3A_667[0] : i32 from vector<1xi32>
        %add3A_669 = arith.constant 4 : i32
        %add3A_670 = arith.addi %mul3A_282, %add3A_669 : i32
        %get3A_671 = arith.constant 0 : i32
        %get3A_672 = arith.constant 0 : i32
        %get3A_673 = tpu.memref_slice %arg9[%rem3A_232, %get3A_671, %get3A_672] : memref<4x128x128xf32, #tpu.memory_space<vmem>> -> memref<1x128x128xf32, #tpu.memory_space<vmem>>
        %get3A_674 = tpu.memref_squeeze %get3A_673 : memref<1x128x128xf32, #tpu.memory_space<vmem>> -> memref<128x128xf32, #tpu.memory_space<vmem>>
        %get3A_675 = arith.index_cast %add3A_670 : i32 to index
        %get3A_676 = arith.constant 0 : index
        %get3A_677 = tpu.vector_load %get3A_674[%get3A_675, %get3A_676] {strides = array<i32>} : memref<128x128xf32, #tpu.memory_space<vmem>>, vector<1x16xf32>,
        %get3A_678 = vector.shape_cast %get3A_677 : vector<1x16xf32> to vector<16xf32>
        %add3A_679 = arith.constant 0 : i32
        %add3A_680 = arith.addi %squeeze3A_668, %add3A_679 : i32
        %get3A_681 = arith.index_cast %add3A_680 : i32 to index
        %get3A_682 = tpu.vector_load %arg10[%get3A_681] {strides = array<i32>} : memref<25600xf32, #tpu.memory_space<vmem>>, vector<16xf32>,
        %get3A_683 = vector.shape_cast %get3A_682 : vector<16xf32> to vector<16xf32>
        %add3A_684 = arith.addf %get3A_678, %get3A_683 : vector<16xf32>
        %mul3A_685 = arith.constant 64 : i32
        %mul3A_686 = arith.muli %add3A_670, %mul3A_685 : i32
        %add3A_687 = arith.addi %mul3A_263, %mul3A_686 : i32
        %add3A_688 = arith.constant 0 : i32
        %add3A_689 = arith.addi %add3A_687, %add3A_688 : i32
        %swap3A_690 = arith.index_cast %add3A_689 : i32 to index
        %swap3A_691 = tpu.vector_load %arg11[%swap3A_690] {strides = array<i32>} : memref<16384xf32, #tpu.memory_space<vmem>>, vector<16xf32>,
        %swap3A_692 = vector.shape_cast %swap3A_691 : vector<16xf32> to vector<16xf32>
        %swap3A_693 = vector.shape_cast %add3A_684 : vector<16xf32> to vector<16xf32>
        tpu.vector_store %arg11[%swap3A_690], %swap3A_693 {strides = array<i32>} : memref<16384xf32, #tpu.memory_space<vmem>>, vector<16xf32>,
        %get3A_694 = arith.constant 0 : i32
        %get3A_695 = arith.constant 0 : i32
        %get3A_696 = tpu.memref_slice %arg9[%rem3A_232, %get3A_694, %get3A_695] : memref<4x128x128xf32, #tpu.memory_space<vmem>> -> memref<1x128x128xf32, #tpu.memory_space<vmem>>
        %get3A_697 = tpu.memref_squeeze %get3A_696 : memref<1x128x128xf32, #tpu.memory_space<vmem>> -> memref<128x128xf32, #tpu.memory_space<vmem>>
        %get3A_698 = arith.index_cast %add3A_670 : i32 to index
        %get3A_699 = arith.constant 16 : index
        %get3A_700 = tpu.vector_load %get3A_697[%get3A_698, %get3A_699] {strides = array<i32>} : memref<128x128xf32, #tpu.memory_space<vmem>>, vector<1x16xf32>,
        %get3A_701 = vector.shape_cast %get3A_700 : vector<1x16xf32> to vector<16xf32>
        %add3A_702 = arith.constant 16 : i32
        %add3A_703 = arith.addi %squeeze3A_668, %add3A_702 : i32
        %get3A_704 = arith.index_cast %add3A_703 : i32 to index
        %get3A_705 = tpu.vector_load %arg10[%get3A_704] {strides = array<i32>} : memref<25600xf32, #tpu.memory_space<vmem>>, vector<16xf32>,
        %get3A_706 = vector.shape_cast %get3A_705 : vector<16xf32> to vector<16xf32>
        %add3A_707 = arith.addf %get3A_701, %get3A_706 : vector<16xf32>
        %mul3A_708 = arith.constant 64 : i32
        %mul3A_709 = arith.muli %add3A_670, %mul3A_708 : i32
        %add3A_710 = arith.addi %mul3A_263, %mul3A_709 : i32
        %add3A_711 = arith.constant 16 : i32
        %add3A_712 = arith.addi %add3A_710, %add3A_711 : i32
        %swap3A_713 = arith.index_cast %add3A_712 : i32 to index
        %swap3A_714 = tpu.vector_load %arg11[%swap3A_713] {strides = array<i32>} : memref<16384xf32, #tpu.memory_space<vmem>>, vector<16xf32>,
        %swap3A_715 = vector.shape_cast %swap3A_714 : vector<16xf32> to vector<16xf32>
        %swap3A_716 = vector.shape_cast %add3A_707 : vector<16xf32> to vector<16xf32>
        tpu.vector_store %arg11[%swap3A_713], %swap3A_716 {strides = array<i32>} : memref<16384xf32, #tpu.memory_space<vmem>>, vector<16xf32>,
        %get3A_717 = arith.constant 0 : i32
        %get3A_718 = arith.constant 0 : i32
        %get3A_719 = tpu.memref_slice %arg9[%rem3A_232, %get3A_717, %get3A_718] : memref<4x128x128xf32, #tpu.memory_space<vmem>> -> memref<1x128x128xf32, #tpu.memory_space<vmem>>
        %get3A_720 = tpu.memref_squeeze %get3A_719 : memref<1x128x128xf32, #tpu.memory_space<vmem>> -> memref<128x128xf32, #tpu.memory_space<vmem>>
        %get3A_721 = arith.index_cast %add3A_670 : i32 to index
        %get3A_722 = arith.constant 32 : index
        %get3A_723 = tpu.vector_load %get3A_720[%get3A_721, %get3A_722] {strides = array<i32>} : memref<128x128xf32, #tpu.memory_space<vmem>>, vector<1x16xf32>,
        %get3A_724 = vector.shape_cast %get3A_723 : vector<1x16xf32> to vector<16xf32>
        %add3A_725 = arith.constant 32 : i32
        %add3A_726 = arith.addi %squeeze3A_668, %add3A_725 : i32
        %get3A_727 = arith.index_cast %add3A_726 : i32 to index
        %get3A_728 = tpu.vector_load %arg10[%get3A_727] {strides = array<i32>} : memref<25600xf32, #tpu.memory_space<vmem>>, vector<16xf32>,
        %get3A_729 = vector.shape_cast %get3A_728 : vector<16xf32> to vector<16xf32>
        %add3A_730 = arith.addf %get3A_724, %get3A_729 : vector<16xf32>
        %mul3A_731 = arith.constant 64 : i32
        %mul3A_732 = arith.muli %add3A_670, %mul3A_731 : i32
        %add3A_733 = arith.addi %mul3A_263, %mul3A_732 : i32
        %add3A_734 = arith.constant 32 : i32
        %add3A_735 = arith.addi %add3A_733, %add3A_734 : i32
        %swap3A_736 = arith.index_cast %add3A_735 : i32 to index
        %swap3A_737 = tpu.vector_load %arg11[%swap3A_736] {strides = array<i32>} : memref<16384xf32, #tpu.memory_space<vmem>>, vector<16xf32>,
        %swap3A_738 = vector.shape_cast %swap3A_737 : vector<16xf32> to vector<16xf32>
        %swap3A_739 = vector.shape_cast %add3A_730 : vector<16xf32> to vector<16xf32>
        tpu.vector_store %arg11[%swap3A_736], %swap3A_739 {strides = array<i32>} : memref<16384xf32, #tpu.memory_space<vmem>>, vector<16xf32>,
        %get3A_740 = arith.constant 0 : i32
        %get3A_741 = arith.constant 0 : i32
        %get3A_742 = tpu.memref_slice %arg9[%rem3A_232, %get3A_740, %get3A_741] : memref<4x128x128xf32, #tpu.memory_space<vmem>> -> memref<1x128x128xf32, #tpu.memory_space<vmem>>
        %get3A_743 = tpu.memref_squeeze %get3A_742 : memref<1x128x128xf32, #tpu.memory_space<vmem>> -> memref<128x128xf32, #tpu.memory_space<vmem>>
        %get3A_744 = arith.index_cast %add3A_670 : i32 to index
        %get3A_745 = arith.constant 48 : index
        %get3A_746 = tpu.vector_load %get3A_743[%get3A_744, %get3A_745] {strides = array<i32>} : memref<128x128xf32, #tpu.memory_space<vmem>>, vector<1x16xf32>,
        %get3A_747 = vector.shape_cast %get3A_746 : vector<1x16xf32> to vector<16xf32>
        %add3A_748 = arith.constant 48 : i32
        %add3A_749 = arith.addi %squeeze3A_668, %add3A_748 : i32
        %get3A_750 = arith.index_cast %add3A_749 : i32 to index
        %get3A_751 = tpu.vector_load %arg10[%get3A_750] {strides = array<i32>} : memref<25600xf32, #tpu.memory_space<vmem>>, vector<16xf32>,
        %get3A_752 = vector.shape_cast %get3A_751 : vector<16xf32> to vector<16xf32>
        %add3A_753 = arith.addf %get3A_747, %get3A_752 : vector<16xf32>
        %mul3A_754 = arith.constant 64 : i32
        %mul3A_755 = arith.muli %add3A_670, %mul3A_754 : i32
        %add3A_756 = arith.addi %mul3A_263, %mul3A_755 : i32
        %add3A_757 = arith.constant 48 : i32
        %add3A_758 = arith.addi %add3A_756, %add3A_757 : i32
        %swap3A_759 = arith.index_cast %add3A_758 : i32 to index
        %swap3A_760 = tpu.vector_load %arg11[%swap3A_759] {strides = array<i32>} : memref<16384xf32, #tpu.memory_space<vmem>>, vector<16xf32>,
        %swap3A_761 = vector.shape_cast %swap3A_760 : vector<16xf32> to vector<16xf32>
        %swap3A_762 = vector.shape_cast %add3A_753 : vector<16xf32> to vector<16xf32>
        tpu.vector_store %arg11[%swap3A_759], %swap3A_762 {strides = array<i32>} : memref<16384xf32, #tpu.memory_space<vmem>>, vector<16xf32>,
        %slice3A_763 = vector.extract_strided_slice %get3A_285 {offsets = [5], sizes = [1], strides = [1]} : vector<16xi32> to vector<1xi32>
        %squeeze3A_764 = vector.extract %slice3A_763[0] : i32 from vector<1xi32>
        %add3A_765 = arith.constant 5 : i32
        %add3A_766 = arith.addi %mul3A_282, %add3A_765 : i32
        %get3A_767 = arith.constant 0 : i32
        %get3A_768 = arith.constant 0 : i32
        %get3A_769 = tpu.memref_slice %arg9[%rem3A_232, %get3A_767, %get3A_768] : memref<4x128x128xf32, #tpu.memory_space<vmem>> -> memref<1x128x128xf32, #tpu.memory_space<vmem>>
        %get3A_770 = tpu.memref_squeeze %get3A_769 : memref<1x128x128xf32, #tpu.memory_space<vmem>> -> memref<128x128xf32, #tpu.memory_space<vmem>>
        %get3A_771 = arith.index_cast %add3A_766 : i32 to index
        %get3A_772 = arith.constant 0 : index
        %get3A_773 = tpu.vector_load %get3A_770[%get3A_771, %get3A_772] {strides = array<i32>} : memref<128x128xf32, #tpu.memory_space<vmem>>, vector<1x16xf32>,
        %get3A_774 = vector.shape_cast %get3A_773 : vector<1x16xf32> to vector<16xf32>
        %add3A_775 = arith.constant 0 : i32
        %add3A_776 = arith.addi %squeeze3A_764, %add3A_775 : i32
        %get3A_777 = arith.index_cast %add3A_776 : i32 to index
        %get3A_778 = tpu.vector_load %arg10[%get3A_777] {strides = array<i32>} : memref<25600xf32, #tpu.memory_space<vmem>>, vector<16xf32>,
        %get3A_779 = vector.shape_cast %get3A_778 : vector<16xf32> to vector<16xf32>
        %add3A_780 = arith.addf %get3A_774, %get3A_779 : vector<16xf32>
        %mul3A_781 = arith.constant 64 : i32
        %mul3A_782 = arith.muli %add3A_766, %mul3A_781 : i32
        %add3A_783 = arith.addi %mul3A_263, %mul3A_782 : i32
        %add3A_784 = arith.constant 0 : i32
        %add3A_785 = arith.addi %add3A_783, %add3A_784 : i32
        %swap3A_786 = arith.index_cast %add3A_785 : i32 to index
        %swap3A_787 = tpu.vector_load %arg11[%swap3A_786] {strides = array<i32>} : memref<16384xf32, #tpu.memory_space<vmem>>, vector<16xf32>,
        %swap3A_788 = vector.shape_cast %swap3A_787 : vector<16xf32> to vector<16xf32>
        %swap3A_789 = vector.shape_cast %add3A_780 : vector<16xf32> to vector<16xf32>
        tpu.vector_store %arg11[%swap3A_786], %swap3A_789 {strides = array<i32>} : memref<16384xf32, #tpu.memory_space<vmem>>, vector<16xf32>,
        %get3A_790 = arith.constant 0 : i32
        %get3A_791 = arith.constant 0 : i32
        %get3A_792 = tpu.memref_slice %arg9[%rem3A_232, %get3A_790, %get3A_791] : memref<4x128x128xf32, #tpu.memory_space<vmem>> -> memref<1x128x128xf32, #tpu.memory_space<vmem>>
        %get3A_793 = tpu.memref_squeeze %get3A_792 : memref<1x128x128xf32, #tpu.memory_space<vmem>> -> memref<128x128xf32, #tpu.memory_space<vmem>>
        %get3A_794 = arith.index_cast %add3A_766 : i32 to index
        %get3A_795 = arith.constant 16 : index
        %get3A_796 = tpu.vector_load %get3A_793[%get3A_794, %get3A_795] {strides = array<i32>} : memref<128x128xf32, #tpu.memory_space<vmem>>, vector<1x16xf32>,
        %get3A_797 = vector.shape_cast %get3A_796 : vector<1x16xf32> to vector<16xf32>
        %add3A_798 = arith.constant 16 : i32
        %add3A_799 = arith.addi %squeeze3A_764, %add3A_798 : i32
        %get3A_800 = arith.index_cast %add3A_799 : i32 to index
        %get3A_801 = tpu.vector_load %arg10[%get3A_800] {strides = array<i32>} : memref<25600xf32, #tpu.memory_space<vmem>>, vector<16xf32>,
        %get3A_802 = vector.shape_cast %get3A_801 : vector<16xf32> to vector<16xf32>
        %add3A_803 = arith.addf %get3A_797, %get3A_802 : vector<16xf32>
        %mul3A_804 = arith.constant 64 : i32
        %mul3A_805 = arith.muli %add3A_766, %mul3A_804 : i32
        %add3A_806 = arith.addi %mul3A_263, %mul3A_805 : i32
        %add3A_807 = arith.constant 16 : i32
        %add3A_808 = arith.addi %add3A_806, %add3A_807 : i32
        %swap3A_809 = arith.index_cast %add3A_808 : i32 to index
        %swap3A_810 = tpu.vector_load %arg11[%swap3A_809] {strides = array<i32>} : memref<16384xf32, #tpu.memory_space<vmem>>, vector<16xf32>,
        %swap3A_811 = vector.shape_cast %swap3A_810 : vector<16xf32> to vector<16xf32>
        %swap3A_812 = vector.shape_cast %add3A_803 : vector<16xf32> to vector<16xf32>
        tpu.vector_store %arg11[%swap3A_809], %swap3A_812 {strides = array<i32>} : memref<16384xf32, #tpu.memory_space<vmem>>, vector<16xf32>,
        %get3A_813 = arith.constant 0 : i32
        %get3A_814 = arith.constant 0 : i32
        %get3A_815 = tpu.memref_slice %arg9[%rem3A_232, %get3A_813, %get3A_814] : memref<4x128x128xf32, #tpu.memory_space<vmem>> -> memref<1x128x128xf32, #tpu.memory_space<vmem>>
        %get3A_816 = tpu.memref_squeeze %get3A_815 : memref<1x128x128xf32, #tpu.memory_space<vmem>> -> memref<128x128xf32, #tpu.memory_space<vmem>>
        %get3A_817 = arith.index_cast %add3A_766 : i32 to index
        %get3A_818 = arith.constant 32 : index
        %get3A_819 = tpu.vector_load %get3A_816[%get3A_817, %get3A_818] {strides = array<i32>} : memref<128x128xf32, #tpu.memory_space<vmem>>, vector<1x16xf32>,
        %get3A_820 = vector.shape_cast %get3A_819 : vector<1x16xf32> to vector<16xf32>
        %add3A_821 = arith.constant 32 : i32
        %add3A_822 = arith.addi %squeeze3A_764, %add3A_821 : i32
        %get3A_823 = arith.index_cast %add3A_822 : i32 to index
        %get3A_824 = tpu.vector_load %arg10[%get3A_823] {strides = array<i32>} : memref<25600xf32, #tpu.memory_space<vmem>>, vector<16xf32>,
        %get3A_825 = vector.shape_cast %get3A_824 : vector<16xf32> to vector<16xf32>
        %add3A_826 = arith.addf %get3A_820, %get3A_825 : vector<16xf32>
        %mul3A_827 = arith.constant 64 : i32
        %mul3A_828 = arith.muli %add3A_766, %mul3A_827 : i32
        %add3A_829 = arith.addi %mul3A_263, %mul3A_828 : i32
        %add3A_830 = arith.constant 32 : i32
        %add3A_831 = arith.addi %add3A_829, %add3A_830 : i32
        %swap3A_832 = arith.index_cast %add3A_831 : i32 to index
        %swap3A_833 = tpu.vector_load %arg11[%swap3A_832] {strides = array<i32>} : memref<16384xf32, #tpu.memory_space<vmem>>, vector<16xf32>,
        %swap3A_834 = vector.shape_cast %swap3A_833 : vector<16xf32> to vector<16xf32>
        %swap3A_835 = vector.shape_cast %add3A_826 : vector<16xf32> to vector<16xf32>
        tpu.vector_store %arg11[%swap3A_832], %swap3A_835 {strides = array<i32>} : memref<16384xf32, #tpu.memory_space<vmem>>, vector<16xf32>,
        %get3A_836 = arith.constant 0 : i32
        %get3A_837 = arith.constant 0 : i32
        %get3A_838 = tpu.memref_slice %arg9[%rem3A_232, %get3A_836, %get3A_837] : memref<4x128x128xf32, #tpu.memory_space<vmem>> -> memref<1x128x128xf32, #tpu.memory_space<vmem>>
        %get3A_839 = tpu.memref_squeeze %get3A_838 : memref<1x128x128xf32, #tpu.memory_space<vmem>> -> memref<128x128xf32, #tpu.memory_space<vmem>>
        %get3A_840 = arith.index_cast %add3A_766 : i32 to index
        %get3A_841 = arith.constant 48 : index
        %get3A_842 = tpu.vector_load %get3A_839[%get3A_840, %get3A_841] {strides = array<i32>} : memref<128x128xf32, #tpu.memory_space<vmem>>, vector<1x16xf32>,
        %get3A_843 = vector.shape_cast %get3A_842 : vector<1x16xf32> to vector<16xf32>
        %add3A_844 = arith.constant 48 : i32
        %add3A_845 = arith.addi %squeeze3A_764, %add3A_844 : i32
        %get3A_846 = arith.index_cast %add3A_845 : i32 to index
        %get3A_847 = tpu.vector_load %arg10[%get3A_846] {strides = array<i32>} : memref<25600xf32, #tpu.memory_space<vmem>>, vector<16xf32>,
        %get3A_848 = vector.shape_cast %get3A_847 : vector<16xf32> to vector<16xf32>
        %add3A_849 = arith.addf %get3A_843, %get3A_848 : vector<16xf32>
        %mul3A_850 = arith.constant 64 : i32
        %mul3A_851 = arith.muli %add3A_766, %mul3A_850 : i32
        %add3A_852 = arith.addi %mul3A_263, %mul3A_851 : i32
        %add3A_853 = arith.constant 48 : i32
        %add3A_854 = arith.addi %add3A_852, %add3A_853 : i32
        %swap3A_855 = arith.index_cast %add3A_854 : i32 to index
        %swap3A_856 = tpu.vector_load %arg11[%swap3A_855] {strides = array<i32>} : memref<16384xf32, #tpu.memory_space<vmem>>, vector<16xf32>,
        %swap3A_857 = vector.shape_cast %swap3A_856 : vector<16xf32> to vector<16xf32>
        %swap3A_858 = vector.shape_cast %add3A_849 : vector<16xf32> to vector<16xf32>
        tpu.vector_store %arg11[%swap3A_855], %swap3A_858 {strides = array<i32>} : memref<16384xf32, #tpu.memory_space<vmem>>, vector<16xf32>,
        %slice3A_859 = vector.extract_strided_slice %get3A_285 {offsets = [6], sizes = [1], strides = [1]} : vector<16xi32> to vector<1xi32>
        %squeeze3A_860 = vector.extract %slice3A_859[0] : i32 from vector<1xi32>
        %add3A_861 = arith.constant 6 : i32
        %add3A_862 = arith.addi %mul3A_282, %add3A_861 : i32
        %get3A_863 = arith.constant 0 : i32
        %get3A_864 = arith.constant 0 : i32
        %get3A_865 = tpu.memref_slice %arg9[%rem3A_232, %get3A_863, %get3A_864] : memref<4x128x128xf32, #tpu.memory_space<vmem>> -> memref<1x128x128xf32, #tpu.memory_space<vmem>>
        %get3A_866 = tpu.memref_squeeze %get3A_865 : memref<1x128x128xf32, #tpu.memory_space<vmem>> -> memref<128x128xf32, #tpu.memory_space<vmem>>
        %get3A_867 = arith.index_cast %add3A_862 : i32 to index
        %get3A_868 = arith.constant 0 : index
        %get3A_869 = tpu.vector_load %get3A_866[%get3A_867, %get3A_868] {strides = array<i32>} : memref<128x128xf32, #tpu.memory_space<vmem>>, vector<1x16xf32>,
        %get3A_870 = vector.shape_cast %get3A_869 : vector<1x16xf32> to vector<16xf32>
        %add3A_871 = arith.constant 0 : i32
        %add3A_872 = arith.addi %squeeze3A_860, %add3A_871 : i32
        %get3A_873 = arith.index_cast %add3A_872 : i32 to index
        %get3A_874 = tpu.vector_load %arg10[%get3A_873] {strides = array<i32>} : memref<25600xf32, #tpu.memory_space<vmem>>, vector<16xf32>,
        %get3A_875 = vector.shape_cast %get3A_874 : vector<16xf32> to vector<16xf32>
        %add3A_876 = arith.addf %get3A_870, %get3A_875 : vector<16xf32>
        %mul3A_877 = arith.constant 64 : i32
        %mul3A_878 = arith.muli %add3A_862, %mul3A_877 : i32
        %add3A_879 = arith.addi %mul3A_263, %mul3A_878 : i32
        %add3A_880 = arith.constant 0 : i32
        %add3A_881 = arith.addi %add3A_879, %add3A_880 : i32
        %swap3A_882 = arith.index_cast %add3A_881 : i32 to index
        %swap3A_883 = tpu.vector_load %arg11[%swap3A_882] {strides = array<i32>} : memref<16384xf32, #tpu.memory_space<vmem>>, vector<16xf32>,
        %swap3A_884 = vector.shape_cast %swap3A_883 : vector<16xf32> to vector<16xf32>
        %swap3A_885 = vector.shape_cast %add3A_876 : vector<16xf32> to vector<16xf32>
        tpu.vector_store %arg11[%swap3A_882], %swap3A_885 {strides = array<i32>} : memref<16384xf32, #tpu.memory_space<vmem>>, vector<16xf32>,
        %get3A_886 = arith.constant 0 : i32
        %get3A_887 = arith.constant 0 : i32
        %get3A_888 = tpu.memref_slice %arg9[%rem3A_232, %get3A_886, %get3A_887] : memref<4x128x128xf32, #tpu.memory_space<vmem>> -> memref<1x128x128xf32, #tpu.memory_space<vmem>>
        %get3A_889 = tpu.memref_squeeze %get3A_888 : memref<1x128x128xf32, #tpu.memory_space<vmem>> -> memref<128x128xf32, #tpu.memory_space<vmem>>
        %get3A_890 = arith.index_cast %add3A_862 : i32 to index
        %get3A_891 = arith.constant 16 : index
        %get3A_892 = tpu.vector_load %get3A_889[%get3A_890, %get3A_891] {strides = array<i32>} : memref<128x128xf32, #tpu.memory_space<vmem>>, vector<1x16xf32>,
        %get3A_893 = vector.shape_cast %get3A_892 : vector<1x16xf32> to vector<16xf32>
        %add3A_894 = arith.constant 16 : i32
        %add3A_895 = arith.addi %squeeze3A_860, %add3A_894 : i32
        %get3A_896 = arith.index_cast %add3A_895 : i32 to index
        %get3A_897 = tpu.vector_load %arg10[%get3A_896] {strides = array<i32>} : memref<25600xf32, #tpu.memory_space<vmem>>, vector<16xf32>,
        %get3A_898 = vector.shape_cast %get3A_897 : vector<16xf32> to vector<16xf32>
        %add3A_899 = arith.addf %get3A_893, %get3A_898 : vector<16xf32>
        %mul3A_900 = arith.constant 64 : i32
        %mul3A_901 = arith.muli %add3A_862, %mul3A_900 : i32
        %add3A_902 = arith.addi %mul3A_263, %mul3A_901 : i32
        %add3A_903 = arith.constant 16 : i32
        %add3A_904 = arith.addi %add3A_902, %add3A_903 : i32
        %swap3A_905 = arith.index_cast %add3A_904 : i32 to index
        %swap3A_906 = tpu.vector_load %arg11[%swap3A_905] {strides = array<i32>} : memref<16384xf32, #tpu.memory_space<vmem>>, vector<16xf32>,
        %swap3A_907 = vector.shape_cast %swap3A_906 : vector<16xf32> to vector<16xf32>
        %swap3A_908 = vector.shape_cast %add3A_899 : vector<16xf32> to vector<16xf32>
        tpu.vector_store %arg11[%swap3A_905], %swap3A_908 {strides = array<i32>} : memref<16384xf32, #tpu.memory_space<vmem>>, vector<16xf32>,
        %get3A_909 = arith.constant 0 : i32
        %get3A_910 = arith.constant 0 : i32
        %get3A_911 = tpu.memref_slice %arg9[%rem3A_232, %get3A_909, %get3A_910] : memref<4x128x128xf32, #tpu.memory_space<vmem>> -> memref<1x128x128xf32, #tpu.memory_space<vmem>>
        %get3A_912 = tpu.memref_squeeze %get3A_911 : memref<1x128x128xf32, #tpu.memory_space<vmem>> -> memref<128x128xf32, #tpu.memory_space<vmem>>
        %get3A_913 = arith.index_cast %add3A_862 : i32 to index
        %get3A_914 = arith.constant 32 : index
        %get3A_915 = tpu.vector_load %get3A_912[%get3A_913, %get3A_914] {strides = array<i32>} : memref<128x128xf32, #tpu.memory_space<vmem>>, vector<1x16xf32>,
        %get3A_916 = vector.shape_cast %get3A_915 : vector<1x16xf32> to vector<16xf32>
        %add3A_917 = arith.constant 32 : i32
        %add3A_918 = arith.addi %squeeze3A_860, %add3A_917 : i32
        %get3A_919 = arith.index_cast %add3A_918 : i32 to index
        %get3A_920 = tpu.vector_load %arg10[%get3A_919] {strides = array<i32>} : memref<25600xf32, #tpu.memory_space<vmem>>, vector<16xf32>,
        %get3A_921 = vector.shape_cast %get3A_920 : vector<16xf32> to vector<16xf32>
        %add3A_922 = arith.addf %get3A_916, %get3A_921 : vector<16xf32>
        %mul3A_923 = arith.constant 64 : i32
        %mul3A_924 = arith.muli %add3A_862, %mul3A_923 : i32
        %add3A_925 = arith.addi %mul3A_263, %mul3A_924 : i32
        %add3A_926 = arith.constant 32 : i32
        %add3A_927 = arith.addi %add3A_925, %add3A_926 : i32
        %swap3A_928 = arith.index_cast %add3A_927 : i32 to index
        %swap3A_929 = tpu.vector_load %arg11[%swap3A_928] {strides = array<i32>} : memref<16384xf32, #tpu.memory_space<vmem>>, vector<16xf32>,
        %swap3A_930 = vector.shape_cast %swap3A_929 : vector<16xf32> to vector<16xf32>
        %swap3A_931 = vector.shape_cast %add3A_922 : vector<16xf32> to vector<16xf32>
        tpu.vector_store %arg11[%swap3A_928], %swap3A_931 {strides = array<i32>} : memref<16384xf32, #tpu.memory_space<vmem>>, vector<16xf32>,
        %get3A_932 = arith.constant 0 : i32
        %get3A_933 = arith.constant 0 : i32
        %get3A_934 = tpu.memref_slice %arg9[%rem3A_232, %get3A_932, %get3A_933] : memref<4x128x128xf32, #tpu.memory_space<vmem>> -> memref<1x128x128xf32, #tpu.memory_space<vmem>>
        %get3A_935 = tpu.memref_squeeze %get3A_934 : memref<1x128x128xf32, #tpu.memory_space<vmem>> -> memref<128x128xf32, #tpu.memory_space<vmem>>
        %get3A_936 = arith.index_cast %add3A_862 : i32 to index
        %get3A_937 = arith.constant 48 : index
        %get3A_938 = tpu.vector_load %get3A_935[%get3A_936, %get3A_937] {strides = array<i32>} : memref<128x128xf32, #tpu.memory_space<vmem>>, vector<1x16xf32>,
        %get3A_939 = vector.shape_cast %get3A_938 : vector<1x16xf32> to vector<16xf32>
        %add3A_940 = arith.constant 48 : i32
        %add3A_941 = arith.addi %squeeze3A_860, %add3A_940 : i32
        %get3A_942 = arith.index_cast %add3A_941 : i32 to index
        %get3A_943 = tpu.vector_load %arg10[%get3A_942] {strides = array<i32>} : memref<25600xf32, #tpu.memory_space<vmem>>, vector<16xf32>,
        %get3A_944 = vector.shape_cast %get3A_943 : vector<16xf32> to vector<16xf32>
        %add3A_945 = arith.addf %get3A_939, %get3A_944 : vector<16xf32>
        %mul3A_946 = arith.constant 64 : i32
        %mul3A_947 = arith.muli %add3A_862, %mul3A_946 : i32
        %add3A_948 = arith.addi %mul3A_263, %mul3A_947 : i32
        %add3A_949 = arith.constant 48 : i32
        %add3A_950 = arith.addi %add3A_948, %add3A_949 : i32
        %swap3A_951 = arith.index_cast %add3A_950 : i32 to index
        %swap3A_952 = tpu.vector_load %arg11[%swap3A_951] {strides = array<i32>} : memref<16384xf32, #tpu.memory_space<vmem>>, vector<16xf32>,
        %swap3A_953 = vector.shape_cast %swap3A_952 : vector<16xf32> to vector<16xf32>
        %swap3A_954 = vector.shape_cast %add3A_945 : vector<16xf32> to vector<16xf32>
        tpu.vector_store %arg11[%swap3A_951], %swap3A_954 {strides = array<i32>} : memref<16384xf32, #tpu.memory_space<vmem>>, vector<16xf32>,
        %slice3A_955 = vector.extract_strided_slice %get3A_285 {offsets = [7], sizes = [1], strides = [1]} : vector<16xi32> to vector<1xi32>
        %squeeze3A_956 = vector.extract %slice3A_955[0] : i32 from vector<1xi32>
        %add3A_957 = arith.constant 7 : i32
        %add3A_958 = arith.addi %mul3A_282, %add3A_957 : i32
        %get3A_959 = arith.constant 0 : i32
        %get3A_960 = arith.constant 0 : i32
        %get3A_961 = tpu.memref_slice %arg9[%rem3A_232, %get3A_959, %get3A_960] : memref<4x128x128xf32, #tpu.memory_space<vmem>> -> memref<1x128x128xf32, #tpu.memory_space<vmem>>
        %get3A_962 = tpu.memref_squeeze %get3A_961 : memref<1x128x128xf32, #tpu.memory_space<vmem>> -> memref<128x128xf32, #tpu.memory_space<vmem>>
        %get3A_963 = arith.index_cast %add3A_958 : i32 to index
        %get3A_964 = arith.constant 0 : index
        %get3A_965 = tpu.vector_load %get3A_962[%get3A_963, %get3A_964] {strides = array<i32>} : memref<128x128xf32, #tpu.memory_space<vmem>>, vector<1x16xf32>,
        %get3A_966 = vector.shape_cast %get3A_965 : vector<1x16xf32> to vector<16xf32>
        %add3A_967 = arith.constant 0 : i32
        %add3A_968 = arith.addi %squeeze3A_956, %add3A_967 : i32
        %get3A_969 = arith.index_cast %add3A_968 : i32 to index
        %get3A_970 = tpu.vector_load %arg10[%get3A_969] {strides = array<i32>} : memref<25600xf32, #tpu.memory_space<vmem>>, vector<16xf32>,
        %get3A_971 = vector.shape_cast %get3A_970 : vector<16xf32> to vector<16xf32>
        %add3A_972 = arith.addf %get3A_966, %get3A_971 : vector<16xf32>
        %mul3A_973 = arith.constant 64 : i32
        %mul3A_974 = arith.muli %add3A_958, %mul3A_973 : i32
        %add3A_975 = arith.addi %mul3A_263, %mul3A_974 : i32
        %add3A_976 = arith.constant 0 : i32
        %add3A_977 = arith.addi %add3A_975, %add3A_976 : i32
        %swap3A_978 = arith.index_cast %add3A_977 : i32 to index
        %swap3A_979 = tpu.vector_load %arg11[%swap3A_978] {strides = array<i32>} : memref<16384xf32, #tpu.memory_space<vmem>>, vector<16xf32>,
        %swap3A_980 = vector.shape_cast %swap3A_979 : vector<16xf32> to vector<16xf32>
        %swap3A_981 = vector.shape_cast %add3A_972 : vector<16xf32> to vector<16xf32>
        tpu.vector_store %arg11[%swap3A_978], %swap3A_981 {strides = array<i32>} : memref<16384xf32, #tpu.memory_space<vmem>>, vector<16xf32>,
        %get3A_982 = arith.constant 0 : i32
        %get3A_983 = arith.constant 0 : i32
        %get3A_984 = tpu.memref_slice %arg9[%rem3A_232, %get3A_982, %get3A_983] : memref<4x128x128xf32, #tpu.memory_space<vmem>> -> memref<1x128x128xf32, #tpu.memory_space<vmem>>
        %get3A_985 = tpu.memref_squeeze %get3A_984 : memref<1x128x128xf32, #tpu.memory_space<vmem>> -> memref<128x128xf32, #tpu.memory_space<vmem>>
        %get3A_986 = arith.index_cast %add3A_958 : i32 to index
        %get3A_987 = arith.constant 16 : index
        %get3A_988 = tpu.vector_load %get3A_985[%get3A_986, %get3A_987] {strides = array<i32>} : memref<128x128xf32, #tpu.memory_space<vmem>>, vector<1x16xf32>,
        %get3A_989 = vector.shape_cast %get3A_988 : vector<1x16xf32> to vector<16xf32>
        %add3A_990 = arith.constant 16 : i32
        %add3A_991 = arith.addi %squeeze3A_956, %add3A_990 : i32
        %get3A_992 = arith.index_cast %add3A_991 : i32 to index
        %get3A_993 = tpu.vector_load %arg10[%get3A_992] {strides = array<i32>} : memref<25600xf32, #tpu.memory_space<vmem>>, vector<16xf32>,
        %get3A_994 = vector.shape_cast %get3A_993 : vector<16xf32> to vector<16xf32>
        %add3A_995 = arith.addf %get3A_989, %get3A_994 : vector<16xf32>
        %mul3A_996 = arith.constant 64 : i32
        %mul3A_997 = arith.muli %add3A_958, %mul3A_996 : i32
        %add3A_998 = arith.addi %mul3A_263, %mul3A_997 : i32
        %add3A_999 = arith.constant 16 : i32
        %add3A_1000 = arith.addi %add3A_998, %add3A_999 : i32
        %swap3A_1001 = arith.index_cast %add3A_1000 : i32 to index
        %swap3A_1002 = tpu.vector_load %arg11[%swap3A_1001] {strides = array<i32>} : memref<16384xf32, #tpu.memory_space<vmem>>, vector<16xf32>,
        %swap3A_1003 = vector.shape_cast %swap3A_1002 : vector<16xf32> to vector<16xf32>
        %swap3A_1004 = vector.shape_cast %add3A_995 : vector<16xf32> to vector<16xf32>
        tpu.vector_store %arg11[%swap3A_1001], %swap3A_1004 {strides = array<i32>} : memref<16384xf32, #tpu.memory_space<vmem>>, vector<16xf32>,
        %get3A_1005 = arith.constant 0 : i32
        %get3A_1006 = arith.constant 0 : i32
        %get3A_1007 = tpu.memref_slice %arg9[%rem3A_232, %get3A_1005, %get3A_1006] : memref<4x128x128xf32, #tpu.memory_space<vmem>> -> memref<1x128x128xf32, #tpu.memory_space<vmem>>
        %get3A_1008 = tpu.memref_squeeze %get3A_1007 : memref<1x128x128xf32, #tpu.memory_space<vmem>> -> memref<128x128xf32, #tpu.memory_space<vmem>>
        %get3A_1009 = arith.index_cast %add3A_958 : i32 to index
        %get3A_1010 = arith.constant 32 : index
        %get3A_1011 = tpu.vector_load %get3A_1008[%get3A_1009, %get3A_1010] {strides = array<i32>} : memref<128x128xf32, #tpu.memory_space<vmem>>, vector<1x16xf32>,
        %get3A_1012 = vector.shape_cast %get3A_1011 : vector<1x16xf32> to vector<16xf32>
        %add3A_1013 = arith.constant 32 : i32
        %add3A_1014 = arith.addi %squeeze3A_956, %add3A_1013 : i32
        %get3A_1015 = arith.index_cast %add3A_1014 : i32 to index
        %get3A_1016 = tpu.vector_load %arg10[%get3A_1015] {strides = array<i32>} : memref<25600xf32, #tpu.memory_space<vmem>>, vector<16xf32>,
        %get3A_1017 = vector.shape_cast %get3A_1016 : vector<16xf32> to vector<16xf32>
        %add3A_1018 = arith.addf %get3A_1012, %get3A_1017 : vector<16xf32>
        %mul3A_1019 = arith.constant 64 : i32
        %mul3A_1020 = arith.muli %add3A_958, %mul3A_1019 : i32
        %add3A_1021 = arith.addi %mul3A_263, %mul3A_1020 : i32
        %add3A_1022 = arith.constant 32 : i32
        %add3A_1023 = arith.addi %add3A_1021, %add3A_1022 : i32
        %swap3A_1024 = arith.index_cast %add3A_1023 : i32 to index
        %swap3A_1025 = tpu.vector_load %arg11[%swap3A_1024] {strides = array<i32>} : memref<16384xf32, #tpu.memory_space<vmem>>, vector<16xf32>,
        %swap3A_1026 = vector.shape_cast %swap3A_1025 : vector<16xf32> to vector<16xf32>
        %swap3A_1027 = vector.shape_cast %add3A_1018 : vector<16xf32> to vector<16xf32>
        tpu.vector_store %arg11[%swap3A_1024], %swap3A_1027 {strides = array<i32>} : memref<16384xf32, #tpu.memory_space<vmem>>, vector<16xf32>,
        %get3A_1028 = arith.constant 0 : i32
        %get3A_1029 = arith.constant 0 : i32
        %get3A_1030 = tpu.memref_slice %arg9[%rem3A_232, %get3A_1028, %get3A_1029] : memref<4x128x128xf32, #tpu.memory_space<vmem>> -> memref<1x128x128xf32, #tpu.memory_space<vmem>>
        %get3A_1031 = tpu.memref_squeeze %get3A_1030 : memref<1x128x128xf32, #tpu.memory_space<vmem>> -> memref<128x128xf32, #tpu.memory_space<vmem>>
        %get3A_1032 = arith.index_cast %add3A_958 : i32 to index
        %get3A_1033 = arith.constant 48 : index
        %get3A_1034 = tpu.vector_load %get3A_1031[%get3A_1032, %get3A_1033] {strides = array<i32>} : memref<128x128xf32, #tpu.memory_space<vmem>>, vector<1x16xf32>,
        %get3A_1035 = vector.shape_cast %get3A_1034 : vector<1x16xf32> to vector<16xf32>
        %add3A_1036 = arith.constant 48 : i32
        %add3A_1037 = arith.addi %squeeze3A_956, %add3A_1036 : i32
        %get3A_1038 = arith.index_cast %add3A_1037 : i32 to index
        %get3A_1039 = tpu.vector_load %arg10[%get3A_1038] {strides = array<i32>} : memref<25600xf32, #tpu.memory_space<vmem>>, vector<16xf32>,
        %get3A_1040 = vector.shape_cast %get3A_1039 : vector<16xf32> to vector<16xf32>
        %add3A_1041 = arith.addf %get3A_1035, %get3A_1040 : vector<16xf32>
        %mul3A_1042 = arith.constant 64 : i32
        %mul3A_1043 = arith.muli %add3A_958, %mul3A_1042 : i32
        %add3A_1044 = arith.addi %mul3A_263, %mul3A_1043 : i32
        %add3A_1045 = arith.constant 48 : i32
        %add3A_1046 = arith.addi %add3A_1044, %add3A_1045 : i32
        %swap3A_1047 = arith.index_cast %add3A_1046 : i32 to index
        %swap3A_1048 = tpu.vector_load %arg11[%swap3A_1047] {strides = array<i32>} : memref<16384xf32, #tpu.memory_space<vmem>>, vector<16xf32>,
        %swap3A_1049 = vector.shape_cast %swap3A_1048 : vector<16xf32> to vector<16xf32>
        %swap3A_1050 = vector.shape_cast %add3A_1041 : vector<16xf32> to vector<16xf32>
        tpu.vector_store %arg11[%swap3A_1047], %swap3A_1050 {strides = array<i32>} : memref<16384xf32, #tpu.memory_space<vmem>>, vector<16xf32>,
        %slice3A_1051 = vector.extract_strided_slice %get3A_285 {offsets = [8], sizes = [1], strides = [1]} : vector<16xi32> to vector<1xi32>
        %squeeze3A_1052 = vector.extract %slice3A_1051[0] : i32 from vector<1xi32>
        %add3A_1053 = arith.constant 8 : i32
        %add3A_1054 = arith.addi %mul3A_282, %add3A_1053 : i32
        %get3A_1055 = arith.constant 0 : i32
        %get3A_1056 = arith.constant 0 : i32
        %get3A_1057 = tpu.memref_slice %arg9[%rem3A_232, %get3A_1055, %get3A_1056] : memref<4x128x128xf32, #tpu.memory_space<vmem>> -> memref<1x128x128xf32, #tpu.memory_space<vmem>>
        %get3A_1058 = tpu.memref_squeeze %get3A_1057 : memref<1x128x128xf32, #tpu.memory_space<vmem>> -> memref<128x128xf32, #tpu.memory_space<vmem>>
        %get3A_1059 = arith.index_cast %add3A_1054 : i32 to index
        %get3A_1060 = arith.constant 0 : index
        %get3A_1061 = tpu.vector_load %get3A_1058[%get3A_1059, %get3A_1060] {strides = array<i32>} : memref<128x128xf32, #tpu.memory_space<vmem>>, vector<1x16xf32>,
        %get3A_1062 = vector.shape_cast %get3A_1061 : vector<1x16xf32> to vector<16xf32>
        %add3A_1063 = arith.constant 0 : i32
        %add3A_1064 = arith.addi %squeeze3A_1052, %add3A_1063 : i32
        %get3A_1065 = arith.index_cast %add3A_1064 : i32 to index
        %get3A_1066 = tpu.vector_load %arg10[%get3A_1065] {strides = array<i32>} : memref<25600xf32, #tpu.memory_space<vmem>>, vector<16xf32>,
        %get3A_1067 = vector.shape_cast %get3A_1066 : vector<16xf32> to vector<16xf32>
        %add3A_1068 = arith.addf %get3A_1062, %get3A_1067 : vector<16xf32>
        %mul3A_1069 = arith.constant 64 : i32
        %mul3A_1070 = arith.muli %add3A_1054, %mul3A_1069 : i32
        %add3A_1071 = arith.addi %mul3A_263, %mul3A_1070 : i32
        %add3A_1072 = arith.constant 0 : i32
        %add3A_1073 = arith.addi %add3A_1071, %add3A_1072 : i32
        %swap3A_1074 = arith.index_cast %add3A_1073 : i32 to index
        %swap3A_1075 = tpu.vector_load %arg11[%swap3A_1074] {strides = array<i32>} : memref<16384xf32, #tpu.memory_space<vmem>>, vector<16xf32>,
        %swap3A_1076 = vector.shape_cast %swap3A_1075 : vector<16xf32> to vector<16xf32>
        %swap3A_1077 = vector.shape_cast %add3A_1068 : vector<16xf32> to vector<16xf32>
        tpu.vector_store %arg11[%swap3A_1074], %swap3A_1077 {strides = array<i32>} : memref<16384xf32, #tpu.memory_space<vmem>>, vector<16xf32>,
        %get3A_1078 = arith.constant 0 : i32
        %get3A_1079 = arith.constant 0 : i32
        %get3A_1080 = tpu.memref_slice %arg9[%rem3A_232, %get3A_1078, %get3A_1079] : memref<4x128x128xf32, #tpu.memory_space<vmem>> -> memref<1x128x128xf32, #tpu.memory_space<vmem>>
        %get3A_1081 = tpu.memref_squeeze %get3A_1080 : memref<1x128x128xf32, #tpu.memory_space<vmem>> -> memref<128x128xf32, #tpu.memory_space<vmem>>
        %get3A_1082 = arith.index_cast %add3A_1054 : i32 to index
        %get3A_1083 = arith.constant 16 : index
        %get3A_1084 = tpu.vector_load %get3A_1081[%get3A_1082, %get3A_1083] {strides = array<i32>} : memref<128x128xf32, #tpu.memory_space<vmem>>, vector<1x16xf32>,
        %get3A_1085 = vector.shape_cast %get3A_1084 : vector<1x16xf32> to vector<16xf32>
        %add3A_1086 = arith.constant 16 : i32
        %add3A_1087 = arith.addi %squeeze3A_1052, %add3A_1086 : i32
        %get3A_1088 = arith.index_cast %add3A_1087 : i32 to index
        %get3A_1089 = tpu.vector_load %arg10[%get3A_1088] {strides = array<i32>} : memref<25600xf32, #tpu.memory_space<vmem>>, vector<16xf32>,
        %get3A_1090 = vector.shape_cast %get3A_1089 : vector<16xf32> to vector<16xf32>
        %add3A_1091 = arith.addf %get3A_1085, %get3A_1090 : vector<16xf32>
        %mul3A_1092 = arith.constant 64 : i32
        %mul3A_1093 = arith.muli %add3A_1054, %mul3A_1092 : i32
        %add3A_1094 = arith.addi %mul3A_263, %mul3A_1093 : i32
        %add3A_1095 = arith.constant 16 : i32
        %add3A_1096 = arith.addi %add3A_1094, %add3A_1095 : i32
        %swap3A_1097 = arith.index_cast %add3A_1096 : i32 to index
        %swap3A_1098 = tpu.vector_load %arg11[%swap3A_1097] {strides = array<i32>} : memref<16384xf32, #tpu.memory_space<vmem>>, vector<16xf32>,
        %swap3A_1099 = vector.shape_cast %swap3A_1098 : vector<16xf32> to vector<16xf32>
        %swap3A_1100 = vector.shape_cast %add3A_1091 : vector<16xf32> to vector<16xf32>
        tpu.vector_store %arg11[%swap3A_1097], %swap3A_1100 {strides = array<i32>} : memref<16384xf32, #tpu.memory_space<vmem>>, vector<16xf32>,
        %get3A_1101 = arith.constant 0 : i32
        %get3A_1102 = arith.constant 0 : i32
        %get3A_1103 = tpu.memref_slice %arg9[%rem3A_232, %get3A_1101, %get3A_1102] : memref<4x128x128xf32, #tpu.memory_space<vmem>> -> memref<1x128x128xf32, #tpu.memory_space<vmem>>
        %get3A_1104 = tpu.memref_squeeze %get3A_1103 : memref<1x128x128xf32, #tpu.memory_space<vmem>> -> memref<128x128xf32, #tpu.memory_space<vmem>>
        %get3A_1105 = arith.index_cast %add3A_1054 : i32 to index
        %get3A_1106 = arith.constant 32 : index
        %get3A_1107 = tpu.vector_load %get3A_1104[%get3A_1105, %get3A_1106] {strides = array<i32>} : memref<128x128xf32, #tpu.memory_space<vmem>>, vector<1x16xf32>,
        %get3A_1108 = vector.shape_cast %get3A_1107 : vector<1x16xf32> to vector<16xf32>
        %add3A_1109 = arith.constant 32 : i32
        %add3A_1110 = arith.addi %squeeze3A_1052, %add3A_1109 : i32
        %get3A_1111 = arith.index_cast %add3A_1110 : i32 to index
        %get3A_1112 = tpu.vector_load %arg10[%get3A_1111] {strides = array<i32>} : memref<25600xf32, #tpu.memory_space<vmem>>, vector<16xf32>,
        %get3A_1113 = vector.shape_cast %get3A_1112 : vector<16xf32> to vector<16xf32>
        %add3A_1114 = arith.addf %get3A_1108, %get3A_1113 : vector<16xf32>
        %mul3A_1115 = arith.constant 64 : i32
        %mul3A_1116 = arith.muli %add3A_1054, %mul3A_1115 : i32
        %add3A_1117 = arith.addi %mul3A_263, %mul3A_1116 : i32
        %add3A_1118 = arith.constant 32 : i32
        %add3A_1119 = arith.addi %add3A_1117, %add3A_1118 : i32
        %swap3A_1120 = arith.index_cast %add3A_1119 : i32 to index
        %swap3A_1121 = tpu.vector_load %arg11[%swap3A_1120] {strides = array<i32>} : memref<16384xf32, #tpu.memory_space<vmem>>, vector<16xf32>,
        %swap3A_1122 = vector.shape_cast %swap3A_1121 : vector<16xf32> to vector<16xf32>
        %swap3A_1123 = vector.shape_cast %add3A_1114 : vector<16xf32> to vector<16xf32>
        tpu.vector_store %arg11[%swap3A_1120], %swap3A_1123 {strides = array<i32>} : memref<16384xf32, #tpu.memory_space<vmem>>, vector<16xf32>,
        %get3A_1124 = arith.constant 0 : i32
        %get3A_1125 = arith.constant 0 : i32
        %get3A_1126 = tpu.memref_slice %arg9[%rem3A_232, %get3A_1124, %get3A_1125] : memref<4x128x128xf32, #tpu.memory_space<vmem>> -> memref<1x128x128xf32, #tpu.memory_space<vmem>>
        %get3A_1127 = tpu.memref_squeeze %get3A_1126 : memref<1x128x128xf32, #tpu.memory_space<vmem>> -> memref<128x128xf32, #tpu.memory_space<vmem>>
        %get3A_1128 = arith.index_cast %add3A_1054 : i32 to index
        %get3A_1129 = arith.constant 48 : index
        %get3A_1130 = tpu.vector_load %get3A_1127[%get3A_1128, %get3A_1129] {strides = array<i32>} : memref<128x128xf32, #tpu.memory_space<vmem>>, vector<1x16xf32>,
        %get3A_1131 = vector.shape_cast %get3A_1130 : vector<1x16xf32> to vector<16xf32>
        %add3A_1132 = arith.constant 48 : i32
        %add3A_1133 = arith.addi %squeeze3A_1052, %add3A_1132 : i32
        %get3A_1134 = arith.index_cast %add3A_1133 : i32 to index
        %get3A_1135 = tpu.vector_load %arg10[%get3A_1134] {strides = array<i32>} : memref<25600xf32, #tpu.memory_space<vmem>>, vector<16xf32>,
        %get3A_1136 = vector.shape_cast %get3A_1135 : vector<16xf32> to vector<16xf32>
        %add3A_1137 = arith.addf %get3A_1131, %get3A_1136 : vector<16xf32>
        %mul3A_1138 = arith.constant 64 : i32
        %mul3A_1139 = arith.muli %add3A_1054, %mul3A_1138 : i32
        %add3A_1140 = arith.addi %mul3A_263, %mul3A_1139 : i32
        %add3A_1141 = arith.constant 48 : i32
        %add3A_1142 = arith.addi %add3A_1140, %add3A_1141 : i32
        %swap3A_1143 = arith.index_cast %add3A_1142 : i32 to index
        %swap3A_1144 = tpu.vector_load %arg11[%swap3A_1143] {strides = array<i32>} : memref<16384xf32, #tpu.memory_space<vmem>>, vector<16xf32>,
        %swap3A_1145 = vector.shape_cast %swap3A_1144 : vector<16xf32> to vector<16xf32>
        %swap3A_1146 = vector.shape_cast %add3A_1137 : vector<16xf32> to vector<16xf32>
        tpu.vector_store %arg11[%swap3A_1143], %swap3A_1146 {strides = array<i32>} : memref<16384xf32, #tpu.memory_space<vmem>>, vector<16xf32>,
        %slice3A_1147 = vector.extract_strided_slice %get3A_285 {offsets = [9], sizes = [1], strides = [1]} : vector<16xi32> to vector<1xi32>
        %squeeze3A_1148 = vector.extract %slice3A_1147[0] : i32 from vector<1xi32>
        %add3A_1149 = arith.constant 9 : i32
        %add3A_1150 = arith.addi %mul3A_282, %add3A_1149 : i32
        %get3A_1151 = arith.constant 0 : i32
        %get3A_1152 = arith.constant 0 : i32
        %get3A_1153 = tpu.memref_slice %arg9[%rem3A_232, %get3A_1151, %get3A_1152] : memref<4x128x128xf32, #tpu.memory_space<vmem>> -> memref<1x128x128xf32, #tpu.memory_space<vmem>>
        %get3A_1154 = tpu.memref_squeeze %get3A_1153 : memref<1x128x128xf32, #tpu.memory_space<vmem>> -> memref<128x128xf32, #tpu.memory_space<vmem>>
        %get3A_1155 = arith.index_cast %add3A_1150 : i32 to index
        %get3A_1156 = arith.constant 0 : index
        %get3A_1157 = tpu.vector_load %get3A_1154[%get3A_1155, %get3A_1156] {strides = array<i32>} : memref<128x128xf32, #tpu.memory_space<vmem>>, vector<1x16xf32>,
        %get3A_1158 = vector.shape_cast %get3A_1157 : vector<1x16xf32> to vector<16xf32>
        %add3A_1159 = arith.constant 0 : i32
        %add3A_1160 = arith.addi %squeeze3A_1148, %add3A_1159 : i32
        %get3A_1161 = arith.index_cast %add3A_1160 : i32 to index
        %get3A_1162 = tpu.vector_load %arg10[%get3A_1161] {strides = array<i32>} : memref<25600xf32, #tpu.memory_space<vmem>>, vector<16xf32>,
        %get3A_1163 = vector.shape_cast %get3A_1162 : vector<16xf32> to vector<16xf32>
        %add3A_1164 = arith.addf %get3A_1158, %get3A_1163 : vector<16xf32>
        %mul3A_1165 = arith.constant 64 : i32
        %mul3A_1166 = arith.muli %add3A_1150, %mul3A_1165 : i32
        %add3A_1167 = arith.addi %mul3A_263, %mul3A_1166 : i32
        %add3A_1168 = arith.constant 0 : i32
        %add3A_1169 = arith.addi %add3A_1167, %add3A_1168 : i32
        %swap3A_1170 = arith.index_cast %add3A_1169 : i32 to index
        %swap3A_1171 = tpu.vector_load %arg11[%swap3A_1170] {strides = array<i32>} : memref<16384xf32, #tpu.memory_space<vmem>>, vector<16xf32>,
        %swap3A_1172 = vector.shape_cast %swap3A_1171 : vector<16xf32> to vector<16xf32>
        %swap3A_1173 = vector.shape_cast %add3A_1164 : vector<16xf32> to vector<16xf32>
        tpu.vector_store %arg11[%swap3A_1170], %swap3A_1173 {strides = array<i32>} : memref<16384xf32, #tpu.memory_space<vmem>>, vector<16xf32>,
        %get3A_1174 = arith.constant 0 : i32
        %get3A_1175 = arith.constant 0 : i32
        %get3A_1176 = tpu.memref_slice %arg9[%rem3A_232, %get3A_1174, %get3A_1175] : memref<4x128x128xf32, #tpu.memory_space<vmem>> -> memref<1x128x128xf32, #tpu.memory_space<vmem>>
        %get3A_1177 = tpu.memref_squeeze %get3A_1176 : memref<1x128x128xf32, #tpu.memory_space<vmem>> -> memref<128x128xf32, #tpu.memory_space<vmem>>
        %get3A_1178 = arith.index_cast %add3A_1150 : i32 to index
        %get3A_1179 = arith.constant 16 : index
        %get3A_1180 = tpu.vector_load %get3A_1177[%get3A_1178, %get3A_1179] {strides = array<i32>} : memref<128x128xf32, #tpu.memory_space<vmem>>, vector<1x16xf32>,
        %get3A_1181 = vector.shape_cast %get3A_1180 : vector<1x16xf32> to vector<16xf32>
        %add3A_1182 = arith.constant 16 : i32
        %add3A_1183 = arith.addi %squeeze3A_1148, %add3A_1182 : i32
        %get3A_1184 = arith.index_cast %add3A_1183 : i32 to index
        %get3A_1185 = tpu.vector_load %arg10[%get3A_1184] {strides = array<i32>} : memref<25600xf32, #tpu.memory_space<vmem>>, vector<16xf32>,
        %get3A_1186 = vector.shape_cast %get3A_1185 : vector<16xf32> to vector<16xf32>
        %add3A_1187 = arith.addf %get3A_1181, %get3A_1186 : vector<16xf32>
        %mul3A_1188 = arith.constant 64 : i32
        %mul3A_1189 = arith.muli %add3A_1150, %mul3A_1188 : i32
        %add3A_1190 = arith.addi %mul3A_263, %mul3A_1189 : i32
        %add3A_1191 = arith.constant 16 : i32
        %add3A_1192 = arith.addi %add3A_1190, %add3A_1191 : i32
        %swap3A_1193 = arith.index_cast %add3A_1192 : i32 to index
        %swap3A_1194 = tpu.vector_load %arg11[%swap3A_1193] {strides = array<i32>} : memref<16384xf32, #tpu.memory_space<vmem>>, vector<16xf32>,
        %swap3A_1195 = vector.shape_cast %swap3A_1194 : vector<16xf32> to vector<16xf32>
        %swap3A_1196 = vector.shape_cast %add3A_1187 : vector<16xf32> to vector<16xf32>
        tpu.vector_store %arg11[%swap3A_1193], %swap3A_1196 {strides = array<i32>} : memref<16384xf32, #tpu.memory_space<vmem>>, vector<16xf32>,
        %get3A_1197 = arith.constant 0 : i32
        %get3A_1198 = arith.constant 0 : i32
        %get3A_1199 = tpu.memref_slice %arg9[%rem3A_232, %get3A_1197, %get3A_1198] : memref<4x128x128xf32, #tpu.memory_space<vmem>> -> memref<1x128x128xf32, #tpu.memory_space<vmem>>
        %get3A_1200 = tpu.memref_squeeze %get3A_1199 : memref<1x128x128xf32, #tpu.memory_space<vmem>> -> memref<128x128xf32, #tpu.memory_space<vmem>>
        %get3A_1201 = arith.index_cast %add3A_1150 : i32 to index
        %get3A_1202 = arith.constant 32 : index
        %get3A_1203 = tpu.vector_load %get3A_1200[%get3A_1201, %get3A_1202] {strides = array<i32>} : memref<128x128xf32, #tpu.memory_space<vmem>>, vector<1x16xf32>,
        %get3A_1204 = vector.shape_cast %get3A_1203 : vector<1x16xf32> to vector<16xf32>
        %add3A_1205 = arith.constant 32 : i32
        %add3A_1206 = arith.addi %squeeze3A_1148, %add3A_1205 : i32
        %get3A_1207 = arith.index_cast %add3A_1206 : i32 to index
        %get3A_1208 = tpu.vector_load %arg10[%get3A_1207] {strides = array<i32>} : memref<25600xf32, #tpu.memory_space<vmem>>, vector<16xf32>,
        %get3A_1209 = vector.shape_cast %get3A_1208 : vector<16xf32> to vector<16xf32>
        %add3A_1210 = arith.addf %get3A_1204, %get3A_1209 : vector<16xf32>
        %mul3A_1211 = arith.constant 64 : i32
        %mul3A_1212 = arith.muli %add3A_1150, %mul3A_1211 : i32
        %add3A_1213 = arith.addi %mul3A_263, %mul3A_1212 : i32
        %add3A_1214 = arith.constant 32 : i32
        %add3A_1215 = arith.addi %add3A_1213, %add3A_1214 : i32
        %swap3A_1216 = arith.index_cast %add3A_1215 : i32 to index
        %swap3A_1217 = tpu.vector_load %arg11[%swap3A_1216] {strides = array<i32>} : memref<16384xf32, #tpu.memory_space<vmem>>, vector<16xf32>,
        %swap3A_1218 = vector.shape_cast %swap3A_1217 : vector<16xf32> to vector<16xf32>
        %swap3A_1219 = vector.shape_cast %add3A_1210 : vector<16xf32> to vector<16xf32>
        tpu.vector_store %arg11[%swap3A_1216], %swap3A_1219 {strides = array<i32>} : memref<16384xf32, #tpu.memory_space<vmem>>, vector<16xf32>,
        %get3A_1220 = arith.constant 0 : i32
        %get3A_1221 = arith.constant 0 : i32
        %get3A_1222 = tpu.memref_slice %arg9[%rem3A_232, %get3A_1220, %get3A_1221] : memref<4x128x128xf32, #tpu.memory_space<vmem>> -> memref<1x128x128xf32, #tpu.memory_space<vmem>>
        %get3A_1223 = tpu.memref_squeeze %get3A_1222 : memref<1x128x128xf32, #tpu.memory_space<vmem>> -> memref<128x128xf32, #tpu.memory_space<vmem>>
        %get3A_1224 = arith.index_cast %add3A_1150 : i32 to index
        %get3A_1225 = arith.constant 48 : index
        %get3A_1226 = tpu.vector_load %get3A_1223[%get3A_1224, %get3A_1225] {strides = array<i32>} : memref<128x128xf32, #tpu.memory_space<vmem>>, vector<1x16xf32>,
        %get3A_1227 = vector.shape_cast %get3A_1226 : vector<1x16xf32> to vector<16xf32>
        %add3A_1228 = arith.constant 48 : i32
        %add3A_1229 = arith.addi %squeeze3A_1148, %add3A_1228 : i32
        %get3A_1230 = arith.index_cast %add3A_1229 : i32 to index
        %get3A_1231 = tpu.vector_load %arg10[%get3A_1230] {strides = array<i32>} : memref<25600xf32, #tpu.memory_space<vmem>>, vector<16xf32>,
        %get3A_1232 = vector.shape_cast %get3A_1231 : vector<16xf32> to vector<16xf32>
        %add3A_1233 = arith.addf %get3A_1227, %get3A_1232 : vector<16xf32>
        %mul3A_1234 = arith.constant 64 : i32
        %mul3A_1235 = arith.muli %add3A_1150, %mul3A_1234 : i32
        %add3A_1236 = arith.addi %mul3A_263, %mul3A_1235 : i32
        %add3A_1237 = arith.constant 48 : i32
        %add3A_1238 = arith.addi %add3A_1236, %add3A_1237 : i32
        %swap3A_1239 = arith.index_cast %add3A_1238 : i32 to index
        %swap3A_1240 = tpu.vector_load %arg11[%swap3A_1239] {strides = array<i32>} : memref<16384xf32, #tpu.memory_space<vmem>>, vector<16xf32>,
        %swap3A_1241 = vector.shape_cast %swap3A_1240 : vector<16xf32> to vector<16xf32>
        %swap3A_1242 = vector.shape_cast %add3A_1233 : vector<16xf32> to vector<16xf32>
        tpu.vector_store %arg11[%swap3A_1239], %swap3A_1242 {strides = array<i32>} : memref<16384xf32, #tpu.memory_space<vmem>>, vector<16xf32>,
        %slice3A_1243 = vector.extract_strided_slice %get3A_285 {offsets = [10], sizes = [1], strides = [1]} : vector<16xi32> to vector<1xi32>
        %squeeze3A_1244 = vector.extract %slice3A_1243[0] : i32 from vector<1xi32>
        %add3A_1245 = arith.constant 10 : i32
        %add3A_1246 = arith.addi %mul3A_282, %add3A_1245 : i32
        %get3A_1247 = arith.constant 0 : i32
        %get3A_1248 = arith.constant 0 : i32
        %get3A_1249 = tpu.memref_slice %arg9[%rem3A_232, %get3A_1247, %get3A_1248] : memref<4x128x128xf32, #tpu.memory_space<vmem>> -> memref<1x128x128xf32, #tpu.memory_space<vmem>>
        %get3A_1250 = tpu.memref_squeeze %get3A_1249 : memref<1x128x128xf32, #tpu.memory_space<vmem>> -> memref<128x128xf32, #tpu.memory_space<vmem>>
        %get3A_1251 = arith.index_cast %add3A_1246 : i32 to index
        %get3A_1252 = arith.constant 0 : index
        %get3A_1253 = tpu.vector_load %get3A_1250[%get3A_1251, %get3A_1252] {strides = array<i32>} : memref<128x128xf32, #tpu.memory_space<vmem>>, vector<1x16xf32>,
        %get3A_1254 = vector.shape_cast %get3A_1253 : vector<1x16xf32> to vector<16xf32>
        %add3A_1255 = arith.constant 0 : i32
        %add3A_1256 = arith.addi %squeeze3A_1244, %add3A_1255 : i32
        %get3A_1257 = arith.index_cast %add3A_1256 : i32 to index
        %get3A_1258 = tpu.vector_load %arg10[%get3A_1257] {strides = array<i32>} : memref<25600xf32, #tpu.memory_space<vmem>>, vector<16xf32>,
        %get3A_1259 = vector.shape_cast %get3A_1258 : vector<16xf32> to vector<16xf32>
        %add3A_1260 = arith.addf %get3A_1254, %get3A_1259 : vector<16xf32>
        %mul3A_1261 = arith.constant 64 : i32
        %mul3A_1262 = arith.muli %add3A_1246, %mul3A_1261 : i32
        %add3A_1263 = arith.addi %mul3A_263, %mul3A_1262 : i32
        %add3A_1264 = arith.constant 0 : i32
        %add3A_1265 = arith.addi %add3A_1263, %add3A_1264 : i32
        %swap3A_1266 = arith.index_cast %add3A_1265 : i32 to index
        %swap3A_1267 = tpu.vector_load %arg11[%swap3A_1266] {strides = array<i32>} : memref<16384xf32, #tpu.memory_space<vmem>>, vector<16xf32>,
        %swap3A_1268 = vector.shape_cast %swap3A_1267 : vector<16xf32> to vector<16xf32>
        %swap3A_1269 = vector.shape_cast %add3A_1260 : vector<16xf32> to vector<16xf32>
        tpu.vector_store %arg11[%swap3A_1266], %swap3A_1269 {strides = array<i32>} : memref<16384xf32, #tpu.memory_space<vmem>>, vector<16xf32>,
        %get3A_1270 = arith.constant 0 : i32
        %get3A_1271 = arith.constant 0 : i32
        %get3A_1272 = tpu.memref_slice %arg9[%rem3A_232, %get3A_1270, %get3A_1271] : memref<4x128x128xf32, #tpu.memory_space<vmem>> -> memref<1x128x128xf32, #tpu.memory_space<vmem>>
        %get3A_1273 = tpu.memref_squeeze %get3A_1272 : memref<1x128x128xf32, #tpu.memory_space<vmem>> -> memref<128x128xf32, #tpu.memory_space<vmem>>
        %get3A_1274 = arith.index_cast %add3A_1246 : i32 to index
        %get3A_1275 = arith.constant 16 : index
        %get3A_1276 = tpu.vector_load %get3A_1273[%get3A_1274, %get3A_1275] {strides = array<i32>} : memref<128x128xf32, #tpu.memory_space<vmem>>, vector<1x16xf32>,
        %get3A_1277 = vector.shape_cast %get3A_1276 : vector<1x16xf32> to vector<16xf32>
        %add3A_1278 = arith.constant 16 : i32
        %add3A_1279 = arith.addi %squeeze3A_1244, %add3A_1278 : i32
        %get3A_1280 = arith.index_cast %add3A_1279 : i32 to index
        %get3A_1281 = tpu.vector_load %arg10[%get3A_1280] {strides = array<i32>} : memref<25600xf32, #tpu.memory_space<vmem>>, vector<16xf32>,
        %get3A_1282 = vector.shape_cast %get3A_1281 : vector<16xf32> to vector<16xf32>
        %add3A_1283 = arith.addf %get3A_1277, %get3A_1282 : vector<16xf32>
        %mul3A_1284 = arith.constant 64 : i32
        %mul3A_1285 = arith.muli %add3A_1246, %mul3A_1284 : i32
        %add3A_1286 = arith.addi %mul3A_263, %mul3A_1285 : i32
        %add3A_1287 = arith.constant 16 : i32
        %add3A_1288 = arith.addi %add3A_1286, %add3A_1287 : i32
        %swap3A_1289 = arith.index_cast %add3A_1288 : i32 to index
        %swap3A_1290 = tpu.vector_load %arg11[%swap3A_1289] {strides = array<i32>} : memref<16384xf32, #tpu.memory_space<vmem>>, vector<16xf32>,
        %swap3A_1291 = vector.shape_cast %swap3A_1290 : vector<16xf32> to vector<16xf32>
        %swap3A_1292 = vector.shape_cast %add3A_1283 : vector<16xf32> to vector<16xf32>
        tpu.vector_store %arg11[%swap3A_1289], %swap3A_1292 {strides = array<i32>} : memref<16384xf32, #tpu.memory_space<vmem>>, vector<16xf32>,
        %get3A_1293 = arith.constant 0 : i32
        %get3A_1294 = arith.constant 0 : i32
        %get3A_1295 = tpu.memref_slice %arg9[%rem3A_232, %get3A_1293, %get3A_1294] : memref<4x128x128xf32, #tpu.memory_space<vmem>> -> memref<1x128x128xf32, #tpu.memory_space<vmem>>
        %get3A_1296 = tpu.memref_squeeze %get3A_1295 : memref<1x128x128xf32, #tpu.memory_space<vmem>> -> memref<128x128xf32, #tpu.memory_space<vmem>>
        %get3A_1297 = arith.index_cast %add3A_1246 : i32 to index
        %get3A_1298 = arith.constant 32 : index
        %get3A_1299 = tpu.vector_load %get3A_1296[%get3A_1297, %get3A_1298] {strides = array<i32>} : memref<128x128xf32, #tpu.memory_space<vmem>>, vector<1x16xf32>,
        %get3A_1300 = vector.shape_cast %get3A_1299 : vector<1x16xf32> to vector<16xf32>
        %add3A_1301 = arith.constant 32 : i32
        %add3A_1302 = arith.addi %squeeze3A_1244, %add3A_1301 : i32
        %get3A_1303 = arith.index_cast %add3A_1302 : i32 to index
        %get3A_1304 = tpu.vector_load %arg10[%get3A_1303] {strides = array<i32>} : memref<25600xf32, #tpu.memory_space<vmem>>, vector<16xf32>,
        %get3A_1305 = vector.shape_cast %get3A_1304 : vector<16xf32> to vector<16xf32>
        %add3A_1306 = arith.addf %get3A_1300, %get3A_1305 : vector<16xf32>
        %mul3A_1307 = arith.constant 64 : i32
        %mul3A_1308 = arith.muli %add3A_1246, %mul3A_1307 : i32
        %add3A_1309 = arith.addi %mul3A_263, %mul3A_1308 : i32
        %add3A_1310 = arith.constant 32 : i32
        %add3A_1311 = arith.addi %add3A_1309, %add3A_1310 : i32
        %swap3A_1312 = arith.index_cast %add3A_1311 : i32 to index
        %swap3A_1313 = tpu.vector_load %arg11[%swap3A_1312] {strides = array<i32>} : memref<16384xf32, #tpu.memory_space<vmem>>, vector<16xf32>,
        %swap3A_1314 = vector.shape_cast %swap3A_1313 : vector<16xf32> to vector<16xf32>
        %swap3A_1315 = vector.shape_cast %add3A_1306 : vector<16xf32> to vector<16xf32>
        tpu.vector_store %arg11[%swap3A_1312], %swap3A_1315 {strides = array<i32>} : memref<16384xf32, #tpu.memory_space<vmem>>, vector<16xf32>,
        %get3A_1316 = arith.constant 0 : i32
        %get3A_1317 = arith.constant 0 : i32
        %get3A_1318 = tpu.memref_slice %arg9[%rem3A_232, %get3A_1316, %get3A_1317] : memref<4x128x128xf32, #tpu.memory_space<vmem>> -> memref<1x128x128xf32, #tpu.memory_space<vmem>>
        %get3A_1319 = tpu.memref_squeeze %get3A_1318 : memref<1x128x128xf32, #tpu.memory_space<vmem>> -> memref<128x128xf32, #tpu.memory_space<vmem>>
        %get3A_1320 = arith.index_cast %add3A_1246 : i32 to index
        %get3A_1321 = arith.constant 48 : index
        %get3A_1322 = tpu.vector_load %get3A_1319[%get3A_1320, %get3A_1321] {strides = array<i32>} : memref<128x128xf32, #tpu.memory_space<vmem>>, vector<1x16xf32>,
        %get3A_1323 = vector.shape_cast %get3A_1322 : vector<1x16xf32> to vector<16xf32>
        %add3A_1324 = arith.constant 48 : i32
        %add3A_1325 = arith.addi %squeeze3A_1244, %add3A_1324 : i32
        %get3A_1326 = arith.index_cast %add3A_1325 : i32 to index
        %get3A_1327 = tpu.vector_load %arg10[%get3A_1326] {strides = array<i32>} : memref<25600xf32, #tpu.memory_space<vmem>>, vector<16xf32>,
        %get3A_1328 = vector.shape_cast %get3A_1327 : vector<16xf32> to vector<16xf32>
        %add3A_1329 = arith.addf %get3A_1323, %get3A_1328 : vector<16xf32>
        %mul3A_1330 = arith.constant 64 : i32
        %mul3A_1331 = arith.muli %add3A_1246, %mul3A_1330 : i32
        %add3A_1332 = arith.addi %mul3A_263, %mul3A_1331 : i32
        %add3A_1333 = arith.constant 48 : i32
        %add3A_1334 = arith.addi %add3A_1332, %add3A_1333 : i32
        %swap3A_1335 = arith.index_cast %add3A_1334 : i32 to index
        %swap3A_1336 = tpu.vector_load %arg11[%swap3A_1335] {strides = array<i32>} : memref<16384xf32, #tpu.memory_space<vmem>>, vector<16xf32>,
        %swap3A_1337 = vector.shape_cast %swap3A_1336 : vector<16xf32> to vector<16xf32>
        %swap3A_1338 = vector.shape_cast %add3A_1329 : vector<16xf32> to vector<16xf32>
        tpu.vector_store %arg11[%swap3A_1335], %swap3A_1338 {strides = array<i32>} : memref<16384xf32, #tpu.memory_space<vmem>>, vector<16xf32>,
        %slice3A_1339 = vector.extract_strided_slice %get3A_285 {offsets = [11], sizes = [1], strides = [1]} : vector<16xi32> to vector<1xi32>
        %squeeze3A_1340 = vector.extract %slice3A_1339[0] : i32 from vector<1xi32>
        %add3A_1341 = arith.constant 11 : i32
        %add3A_1342 = arith.addi %mul3A_282, %add3A_1341 : i32
        %get3A_1343 = arith.constant 0 : i32
        %get3A_1344 = arith.constant 0 : i32
        %get3A_1345 = tpu.memref_slice %arg9[%rem3A_232, %get3A_1343, %get3A_1344] : memref<4x128x128xf32, #tpu.memory_space<vmem>> -> memref<1x128x128xf32, #tpu.memory_space<vmem>>
        %get3A_1346 = tpu.memref_squeeze %get3A_1345 : memref<1x128x128xf32, #tpu.memory_space<vmem>> -> memref<128x128xf32, #tpu.memory_space<vmem>>
        %get3A_1347 = arith.index_cast %add3A_1342 : i32 to index
        %get3A_1348 = arith.constant 0 : index
        %get3A_1349 = tpu.vector_load %get3A_1346[%get3A_1347, %get3A_1348] {strides = array<i32>} : memref<128x128xf32, #tpu.memory_space<vmem>>, vector<1x16xf32>,
        %get3A_1350 = vector.shape_cast %get3A_1349 : vector<1x16xf32> to vector<16xf32>
        %add3A_1351 = arith.constant 0 : i32
        %add3A_1352 = arith.addi %squeeze3A_1340, %add3A_1351 : i32
        %get3A_1353 = arith.index_cast %add3A_1352 : i32 to index
        %get3A_1354 = tpu.vector_load %arg10[%get3A_1353] {strides = array<i32>} : memref<25600xf32, #tpu.memory_space<vmem>>, vector<16xf32>,
        %get3A_1355 = vector.shape_cast %get3A_1354 : vector<16xf32> to vector<16xf32>
        %add3A_1356 = arith.addf %get3A_1350, %get3A_1355 : vector<16xf32>
        %mul3A_1357 = arith.constant 64 : i32
        %mul3A_1358 = arith.muli %add3A_1342, %mul3A_1357 : i32
        %add3A_1359 = arith.addi %mul3A_263, %mul3A_1358 : i32
        %add3A_1360 = arith.constant 0 : i32
        %add3A_1361 = arith.addi %add3A_1359, %add3A_1360 : i32
        %swap3A_1362 = arith.index_cast %add3A_1361 : i32 to index
        %swap3A_1363 = tpu.vector_load %arg11[%swap3A_1362] {strides = array<i32>} : memref<16384xf32, #tpu.memory_space<vmem>>, vector<16xf32>,
        %swap3A_1364 = vector.shape_cast %swap3A_1363 : vector<16xf32> to vector<16xf32>
        %swap3A_1365 = vector.shape_cast %add3A_1356 : vector<16xf32> to vector<16xf32>
        tpu.vector_store %arg11[%swap3A_1362], %swap3A_1365 {strides = array<i32>} : memref<16384xf32, #tpu.memory_space<vmem>>, vector<16xf32>,
        %get3A_1366 = arith.constant 0 : i32
        %get3A_1367 = arith.constant 0 : i32
        %get3A_1368 = tpu.memref_slice %arg9[%rem3A_232, %get3A_1366, %get3A_1367] : memref<4x128x128xf32, #tpu.memory_space<vmem>> -> memref<1x128x128xf32, #tpu.memory_space<vmem>>
        %get3A_1369 = tpu.memref_squeeze %get3A_1368 : memref<1x128x128xf32, #tpu.memory_space<vmem>> -> memref<128x128xf32, #tpu.memory_space<vmem>>
        %get3A_1370 = arith.index_cast %add3A_1342 : i32 to index
        %get3A_1371 = arith.constant 16 : index
        %get3A_1372 = tpu.vector_load %get3A_1369[%get3A_1370, %get3A_1371] {strides = array<i32>} : memref<128x128xf32, #tpu.memory_space<vmem>>, vector<1x16xf32>,
        %get3A_1373 = vector.shape_cast %get3A_1372 : vector<1x16xf32> to vector<16xf32>
        %add3A_1374 = arith.constant 16 : i32
        %add3A_1375 = arith.addi %squeeze3A_1340, %add3A_1374 : i32
        %get3A_1376 = arith.index_cast %add3A_1375 : i32 to index
        %get3A_1377 = tpu.vector_load %arg10[%get3A_1376] {strides = array<i32>} : memref<25600xf32, #tpu.memory_space<vmem>>, vector<16xf32>,
        %get3A_1378 = vector.shape_cast %get3A_1377 : vector<16xf32> to vector<16xf32>
        %add3A_1379 = arith.addf %get3A_1373, %get3A_1378 : vector<16xf32>
        %mul3A_1380 = arith.constant 64 : i32
        %mul3A_1381 = arith.muli %add3A_1342, %mul3A_1380 : i32
        %add3A_1382 = arith.addi %mul3A_263, %mul3A_1381 : i32
        %add3A_1383 = arith.constant 16 : i32
        %add3A_1384 = arith.addi %add3A_1382, %add3A_1383 : i32
        %swap3A_1385 = arith.index_cast %add3A_1384 : i32 to index
        %swap3A_1386 = tpu.vector_load %arg11[%swap3A_1385] {strides = array<i32>} : memref<16384xf32, #tpu.memory_space<vmem>>, vector<16xf32>,
        %swap3A_1387 = vector.shape_cast %swap3A_1386 : vector<16xf32> to vector<16xf32>
        %swap3A_1388 = vector.shape_cast %add3A_1379 : vector<16xf32> to vector<16xf32>
        tpu.vector_store %arg11[%swap3A_1385], %swap3A_1388 {strides = array<i32>} : memref<16384xf32, #tpu.memory_space<vmem>>, vector<16xf32>,
        %get3A_1389 = arith.constant 0 : i32
        %get3A_1390 = arith.constant 0 : i32
        %get3A_1391 = tpu.memref_slice %arg9[%rem3A_232, %get3A_1389, %get3A_1390] : memref<4x128x128xf32, #tpu.memory_space<vmem>> -> memref<1x128x128xf32, #tpu.memory_space<vmem>>
        %get3A_1392 = tpu.memref_squeeze %get3A_1391 : memref<1x128x128xf32, #tpu.memory_space<vmem>> -> memref<128x128xf32, #tpu.memory_space<vmem>>
        %get3A_1393 = arith.index_cast %add3A_1342 : i32 to index
        %get3A_1394 = arith.constant 32 : index
        %get3A_1395 = tpu.vector_load %get3A_1392[%get3A_1393, %get3A_1394] {strides = array<i32>} : memref<128x128xf32, #tpu.memory_space<vmem>>, vector<1x16xf32>,
        %get3A_1396 = vector.shape_cast %get3A_1395 : vector<1x16xf32> to vector<16xf32>
        %add3A_1397 = arith.constant 32 : i32
        %add3A_1398 = arith.addi %squeeze3A_1340, %add3A_1397 : i32
        %get3A_1399 = arith.index_cast %add3A_1398 : i32 to index
        %get3A_1400 = tpu.vector_load %arg10[%get3A_1399] {strides = array<i32>} : memref<25600xf32, #tpu.memory_space<vmem>>, vector<16xf32>,
        %get3A_1401 = vector.shape_cast %get3A_1400 : vector<16xf32> to vector<16xf32>
        %add3A_1402 = arith.addf %get3A_1396, %get3A_1401 : vector<16xf32>
        %mul3A_1403 = arith.constant 64 : i32
        %mul3A_1404 = arith.muli %add3A_1342, %mul3A_1403 : i32
        %add3A_1405 = arith.addi %mul3A_263, %mul3A_1404 : i32
        %add3A_1406 = arith.constant 32 : i32
        %add3A_1407 = arith.addi %add3A_1405, %add3A_1406 : i32
        %swap3A_1408 = arith.index_cast %add3A_1407 : i32 to index
        %swap3A_1409 = tpu.vector_load %arg11[%swap3A_1408] {strides = array<i32>} : memref<16384xf32, #tpu.memory_space<vmem>>, vector<16xf32>,
        %swap3A_1410 = vector.shape_cast %swap3A_1409 : vector<16xf32> to vector<16xf32>
        %swap3A_1411 = vector.shape_cast %add3A_1402 : vector<16xf32> to vector<16xf32>
        tpu.vector_store %arg11[%swap3A_1408], %swap3A_1411 {strides = array<i32>} : memref<16384xf32, #tpu.memory_space<vmem>>, vector<16xf32>,
        %get3A_1412 = arith.constant 0 : i32
        %get3A_1413 = arith.constant 0 : i32
        %get3A_1414 = tpu.memref_slice %arg9[%rem3A_232, %get3A_1412, %get3A_1413] : memref<4x128x128xf32, #tpu.memory_space<vmem>> -> memref<1x128x128xf32, #tpu.memory_space<vmem>>
        %get3A_1415 = tpu.memref_squeeze %get3A_1414 : memref<1x128x128xf32, #tpu.memory_space<vmem>> -> memref<128x128xf32, #tpu.memory_space<vmem>>
        %get3A_1416 = arith.index_cast %add3A_1342 : i32 to index
        %get3A_1417 = arith.constant 48 : index
        %get3A_1418 = tpu.vector_load %get3A_1415[%get3A_1416, %get3A_1417] {strides = array<i32>} : memref<128x128xf32, #tpu.memory_space<vmem>>, vector<1x16xf32>,
        %get3A_1419 = vector.shape_cast %get3A_1418 : vector<1x16xf32> to vector<16xf32>
        %add3A_1420 = arith.constant 48 : i32
        %add3A_1421 = arith.addi %squeeze3A_1340, %add3A_1420 : i32
        %get3A_1422 = arith.index_cast %add3A_1421 : i32 to index
        %get3A_1423 = tpu.vector_load %arg10[%get3A_1422] {strides = array<i32>} : memref<25600xf32, #tpu.memory_space<vmem>>, vector<16xf32>,
        %get3A_1424 = vector.shape_cast %get3A_1423 : vector<16xf32> to vector<16xf32>
        %add3A_1425 = arith.addf %get3A_1419, %get3A_1424 : vector<16xf32>
        %mul3A_1426 = arith.constant 64 : i32
        %mul3A_1427 = arith.muli %add3A_1342, %mul3A_1426 : i32
        %add3A_1428 = arith.addi %mul3A_263, %mul3A_1427 : i32
        %add3A_1429 = arith.constant 48 : i32
        %add3A_1430 = arith.addi %add3A_1428, %add3A_1429 : i32
        %swap3A_1431 = arith.index_cast %add3A_1430 : i32 to index
        %swap3A_1432 = tpu.vector_load %arg11[%swap3A_1431] {strides = array<i32>} : memref<16384xf32, #tpu.memory_space<vmem>>, vector<16xf32>,
        %swap3A_1433 = vector.shape_cast %swap3A_1432 : vector<16xf32> to vector<16xf32>
        %swap3A_1434 = vector.shape_cast %add3A_1425 : vector<16xf32> to vector<16xf32>
        tpu.vector_store %arg11[%swap3A_1431], %swap3A_1434 {strides = array<i32>} : memref<16384xf32, #tpu.memory_space<vmem>>, vector<16xf32>,
        %slice3A_1435 = vector.extract_strided_slice %get3A_285 {offsets = [12], sizes = [1], strides = [1]} : vector<16xi32> to vector<1xi32>
        %squeeze3A_1436 = vector.extract %slice3A_1435[0] : i32 from vector<1xi32>
        %add3A_1437 = arith.constant 12 : i32
        %add3A_1438 = arith.addi %mul3A_282, %add3A_1437 : i32
        %get3A_1439 = arith.constant 0 : i32
        %get3A_1440 = arith.constant 0 : i32
        %get3A_1441 = tpu.memref_slice %arg9[%rem3A_232, %get3A_1439, %get3A_1440] : memref<4x128x128xf32, #tpu.memory_space<vmem>> -> memref<1x128x128xf32, #tpu.memory_space<vmem>>
        %get3A_1442 = tpu.memref_squeeze %get3A_1441 : memref<1x128x128xf32, #tpu.memory_space<vmem>> -> memref<128x128xf32, #tpu.memory_space<vmem>>
        %get3A_1443 = arith.index_cast %add3A_1438 : i32 to index
        %get3A_1444 = arith.constant 0 : index
        %get3A_1445 = tpu.vector_load %get3A_1442[%get3A_1443, %get3A_1444] {strides = array<i32>} : memref<128x128xf32, #tpu.memory_space<vmem>>, vector<1x16xf32>,
        %get3A_1446 = vector.shape_cast %get3A_1445 : vector<1x16xf32> to vector<16xf32>
        %add3A_1447 = arith.constant 0 : i32
        %add3A_1448 = arith.addi %squeeze3A_1436, %add3A_1447 : i32
        %get3A_1449 = arith.index_cast %add3A_1448 : i32 to index
        %get3A_1450 = tpu.vector_load %arg10[%get3A_1449] {strides = array<i32>} : memref<25600xf32, #tpu.memory_space<vmem>>, vector<16xf32>,
        %get3A_1451 = vector.shape_cast %get3A_1450 : vector<16xf32> to vector<16xf32>
        %add3A_1452 = arith.addf %get3A_1446, %get3A_1451 : vector<16xf32>
        %mul3A_1453 = arith.constant 64 : i32
        %mul3A_1454 = arith.muli %add3A_1438, %mul3A_1453 : i32
        %add3A_1455 = arith.addi %mul3A_263, %mul3A_1454 : i32
        %add3A_1456 = arith.constant 0 : i32
        %add3A_1457 = arith.addi %add3A_1455, %add3A_1456 : i32
        %swap3A_1458 = arith.index_cast %add3A_1457 : i32 to index
        %swap3A_1459 = tpu.vector_load %arg11[%swap3A_1458] {strides = array<i32>} : memref<16384xf32, #tpu.memory_space<vmem>>, vector<16xf32>,
        %swap3A_1460 = vector.shape_cast %swap3A_1459 : vector<16xf32> to vector<16xf32>
        %swap3A_1461 = vector.shape_cast %add3A_1452 : vector<16xf32> to vector<16xf32>
        tpu.vector_store %arg11[%swap3A_1458], %swap3A_1461 {strides = array<i32>} : memref<16384xf32, #tpu.memory_space<vmem>>, vector<16xf32>,
        %get3A_1462 = arith.constant 0 : i32
        %get3A_1463 = arith.constant 0 : i32
        %get3A_1464 = tpu.memref_slice %arg9[%rem3A_232, %get3A_1462, %get3A_1463] : memref<4x128x128xf32, #tpu.memory_space<vmem>> -> memref<1x128x128xf32, #tpu.memory_space<vmem>>
        %get3A_1465 = tpu.memref_squeeze %get3A_1464 : memref<1x128x128xf32, #tpu.memory_space<vmem>> -> memref<128x128xf32, #tpu.memory_space<vmem>>
        %get3A_1466 = arith.index_cast %add3A_1438 : i32 to index
        %get3A_1467 = arith.constant 16 : index
        %get3A_1468 = tpu.vector_load %get3A_1465[%get3A_1466, %get3A_1467] {strides = array<i32>} : memref<128x128xf32, #tpu.memory_space<vmem>>, vector<1x16xf32>,
        %get3A_1469 = vector.shape_cast %get3A_1468 : vector<1x16xf32> to vector<16xf32>
        %add3A_1470 = arith.constant 16 : i32
        %add3A_1471 = arith.addi %squeeze3A_1436, %add3A_1470 : i32
        %get3A_1472 = arith.index_cast %add3A_1471 : i32 to index
        %get3A_1473 = tpu.vector_load %arg10[%get3A_1472] {strides = array<i32>} : memref<25600xf32, #tpu.memory_space<vmem>>, vector<16xf32>,
        %get3A_1474 = vector.shape_cast %get3A_1473 : vector<16xf32> to vector<16xf32>
        %add3A_1475 = arith.addf %get3A_1469, %get3A_1474 : vector<16xf32>
        %mul3A_1476 = arith.constant 64 : i32
        %mul3A_1477 = arith.muli %add3A_1438, %mul3A_1476 : i32
        %add3A_1478 = arith.addi %mul3A_263, %mul3A_1477 : i32
        %add3A_1479 = arith.constant 16 : i32
        %add3A_1480 = arith.addi %add3A_1478, %add3A_1479 : i32
        %swap3A_1481 = arith.index_cast %add3A_1480 : i32 to index
        %swap3A_1482 = tpu.vector_load %arg11[%swap3A_1481] {strides = array<i32>} : memref<16384xf32, #tpu.memory_space<vmem>>, vector<16xf32>,
        %swap3A_1483 = vector.shape_cast %swap3A_1482 : vector<16xf32> to vector<16xf32>
        %swap3A_1484 = vector.shape_cast %add3A_1475 : vector<16xf32> to vector<16xf32>
        tpu.vector_store %arg11[%swap3A_1481], %swap3A_1484 {strides = array<i32>} : memref<16384xf32, #tpu.memory_space<vmem>>, vector<16xf32>,
        %get3A_1485 = arith.constant 0 : i32
        %get3A_1486 = arith.constant 0 : i32
        %get3A_1487 = tpu.memref_slice %arg9[%rem3A_232, %get3A_1485, %get3A_1486] : memref<4x128x128xf32, #tpu.memory_space<vmem>> -> memref<1x128x128xf32, #tpu.memory_space<vmem>>
        %get3A_1488 = tpu.memref_squeeze %get3A_1487 : memref<1x128x128xf32, #tpu.memory_space<vmem>> -> memref<128x128xf32, #tpu.memory_space<vmem>>
        %get3A_1489 = arith.index_cast %add3A_1438 : i32 to index
        %get3A_1490 = arith.constant 32 : index
        %get3A_1491 = tpu.vector_load %get3A_1488[%get3A_1489, %get3A_1490] {strides = array<i32>} : memref<128x128xf32, #tpu.memory_space<vmem>>, vector<1x16xf32>,
        %get3A_1492 = vector.shape_cast %get3A_1491 : vector<1x16xf32> to vector<16xf32>
        %add3A_1493 = arith.constant 32 : i32
        %add3A_1494 = arith.addi %squeeze3A_1436, %add3A_1493 : i32
        %get3A_1495 = arith.index_cast %add3A_1494 : i32 to index
        %get3A_1496 = tpu.vector_load %arg10[%get3A_1495] {strides = array<i32>} : memref<25600xf32, #tpu.memory_space<vmem>>, vector<16xf32>,
        %get3A_1497 = vector.shape_cast %get3A_1496 : vector<16xf32> to vector<16xf32>
        %add3A_1498 = arith.addf %get3A_1492, %get3A_1497 : vector<16xf32>
        %mul3A_1499 = arith.constant 64 : i32
        %mul3A_1500 = arith.muli %add3A_1438, %mul3A_1499 : i32
        %add3A_1501 = arith.addi %mul3A_263, %mul3A_1500 : i32
        %add3A_1502 = arith.constant 32 : i32
        %add3A_1503 = arith.addi %add3A_1501, %add3A_1502 : i32
        %swap3A_1504 = arith.index_cast %add3A_1503 : i32 to index
        %swap3A_1505 = tpu.vector_load %arg11[%swap3A_1504] {strides = array<i32>} : memref<16384xf32, #tpu.memory_space<vmem>>, vector<16xf32>,
        %swap3A_1506 = vector.shape_cast %swap3A_1505 : vector<16xf32> to vector<16xf32>
        %swap3A_1507 = vector.shape_cast %add3A_1498 : vector<16xf32> to vector<16xf32>
        tpu.vector_store %arg11[%swap3A_1504], %swap3A_1507 {strides = array<i32>} : memref<16384xf32, #tpu.memory_space<vmem>>, vector<16xf32>,
        %get3A_1508 = arith.constant 0 : i32
        %get3A_1509 = arith.constant 0 : i32
        %get3A_1510 = tpu.memref_slice %arg9[%rem3A_232, %get3A_1508, %get3A_1509] : memref<4x128x128xf32, #tpu.memory_space<vmem>> -> memref<1x128x128xf32, #tpu.memory_space<vmem>>
        %get3A_1511 = tpu.memref_squeeze %get3A_1510 : memref<1x128x128xf32, #tpu.memory_space<vmem>> -> memref<128x128xf32, #tpu.memory_space<vmem>>
        %get3A_1512 = arith.index_cast %add3A_1438 : i32 to index
        %get3A_1513 = arith.constant 48 : index
        %get3A_1514 = tpu.vector_load %get3A_1511[%get3A_1512, %get3A_1513] {strides = array<i32>} : memref<128x128xf32, #tpu.memory_space<vmem>>, vector<1x16xf32>,
        %get3A_1515 = vector.shape_cast %get3A_1514 : vector<1x16xf32> to vector<16xf32>
        %add3A_1516 = arith.constant 48 : i32
        %add3A_1517 = arith.addi %squeeze3A_1436, %add3A_1516 : i32
        %get3A_1518 = arith.index_cast %add3A_1517 : i32 to index
        %get3A_1519 = tpu.vector_load %arg10[%get3A_1518] {strides = array<i32>} : memref<25600xf32, #tpu.memory_space<vmem>>, vector<16xf32>,
        %get3A_1520 = vector.shape_cast %get3A_1519 : vector<16xf32> to vector<16xf32>
        %add3A_1521 = arith.addf %get3A_1515, %get3A_1520 : vector<16xf32>
        %mul3A_1522 = arith.constant 64 : i32
        %mul3A_1523 = arith.muli %add3A_1438, %mul3A_1522 : i32
        %add3A_1524 = arith.addi %mul3A_263, %mul3A_1523 : i32
        %add3A_1525 = arith.constant 48 : i32
        %add3A_1526 = arith.addi %add3A_1524, %add3A_1525 : i32
        %swap3A_1527 = arith.index_cast %add3A_1526 : i32 to index
        %swap3A_1528 = tpu.vector_load %arg11[%swap3A_1527] {strides = array<i32>} : memref<16384xf32, #tpu.memory_space<vmem>>, vector<16xf32>,
        %swap3A_1529 = vector.shape_cast %swap3A_1528 : vector<16xf32> to vector<16xf32>
        %swap3A_1530 = vector.shape_cast %add3A_1521 : vector<16xf32> to vector<16xf32>
        tpu.vector_store %arg11[%swap3A_1527], %swap3A_1530 {strides = array<i32>} : memref<16384xf32, #tpu.memory_space<vmem>>, vector<16xf32>,
        %slice3A_1531 = vector.extract_strided_slice %get3A_285 {offsets = [13], sizes = [1], strides = [1]} : vector<16xi32> to vector<1xi32>
        %squeeze3A_1532 = vector.extract %slice3A_1531[0] : i32 from vector<1xi32>
        %add3A_1533 = arith.constant 13 : i32
        %add3A_1534 = arith.addi %mul3A_282, %add3A_1533 : i32
        %get3A_1535 = arith.constant 0 : i32
        %get3A_1536 = arith.constant 0 : i32
        %get3A_1537 = tpu.memref_slice %arg9[%rem3A_232, %get3A_1535, %get3A_1536] : memref<4x128x128xf32, #tpu.memory_space<vmem>> -> memref<1x128x128xf32, #tpu.memory_space<vmem>>
        %get3A_1538 = tpu.memref_squeeze %get3A_1537 : memref<1x128x128xf32, #tpu.memory_space<vmem>> -> memref<128x128xf32, #tpu.memory_space<vmem>>
        %get3A_1539 = arith.index_cast %add3A_1534 : i32 to index
        %get3A_1540 = arith.constant 0 : index
        %get3A_1541 = tpu.vector_load %get3A_1538[%get3A_1539, %get3A_1540] {strides = array<i32>} : memref<128x128xf32, #tpu.memory_space<vmem>>, vector<1x16xf32>,
        %get3A_1542 = vector.shape_cast %get3A_1541 : vector<1x16xf32> to vector<16xf32>
        %add3A_1543 = arith.constant 0 : i32
        %add3A_1544 = arith.addi %squeeze3A_1532, %add3A_1543 : i32
        %get3A_1545 = arith.index_cast %add3A_1544 : i32 to index
        %get3A_1546 = tpu.vector_load %arg10[%get3A_1545] {strides = array<i32>} : memref<25600xf32, #tpu.memory_space<vmem>>, vector<16xf32>,
        %get3A_1547 = vector.shape_cast %get3A_1546 : vector<16xf32> to vector<16xf32>
        %add3A_1548 = arith.addf %get3A_1542, %get3A_1547 : vector<16xf32>
        %mul3A_1549 = arith.constant 64 : i32
        %mul3A_1550 = arith.muli %add3A_1534, %mul3A_1549 : i32
        %add3A_1551 = arith.addi %mul3A_263, %mul3A_1550 : i32
        %add3A_1552 = arith.constant 0 : i32
        %add3A_1553 = arith.addi %add3A_1551, %add3A_1552 : i32
        %swap3A_1554 = arith.index_cast %add3A_1553 : i32 to index
        %swap3A_1555 = tpu.vector_load %arg11[%swap3A_1554] {strides = array<i32>} : memref<16384xf32, #tpu.memory_space<vmem>>, vector<16xf32>,
        %swap3A_1556 = vector.shape_cast %swap3A_1555 : vector<16xf32> to vector<16xf32>
        %swap3A_1557 = vector.shape_cast %add3A_1548 : vector<16xf32> to vector<16xf32>
        tpu.vector_store %arg11[%swap3A_1554], %swap3A_1557 {strides = array<i32>} : memref<16384xf32, #tpu.memory_space<vmem>>, vector<16xf32>,
        %get3A_1558 = arith.constant 0 : i32
        %get3A_1559 = arith.constant 0 : i32
        %get3A_1560 = tpu.memref_slice %arg9[%rem3A_232, %get3A_1558, %get3A_1559] : memref<4x128x128xf32, #tpu.memory_space<vmem>> -> memref<1x128x128xf32, #tpu.memory_space<vmem>>
        %get3A_1561 = tpu.memref_squeeze %get3A_1560 : memref<1x128x128xf32, #tpu.memory_space<vmem>> -> memref<128x128xf32, #tpu.memory_space<vmem>>
        %get3A_1562 = arith.index_cast %add3A_1534 : i32 to index
        %get3A_1563 = arith.constant 16 : index
        %get3A_1564 = tpu.vector_load %get3A_1561[%get3A_1562, %get3A_1563] {strides = array<i32>} : memref<128x128xf32, #tpu.memory_space<vmem>>, vector<1x16xf32>,
        %get3A_1565 = vector.shape_cast %get3A_1564 : vector<1x16xf32> to vector<16xf32>
        %add3A_1566 = arith.constant 16 : i32
        %add3A_1567 = arith.addi %squeeze3A_1532, %add3A_1566 : i32
        %get3A_1568 = arith.index_cast %add3A_1567 : i32 to index
        %get3A_1569 = tpu.vector_load %arg10[%get3A_1568] {strides = array<i32>} : memref<25600xf32, #tpu.memory_space<vmem>>, vector<16xf32>,
        %get3A_1570 = vector.shape_cast %get3A_1569 : vector<16xf32> to vector<16xf32>
        %add3A_1571 = arith.addf %get3A_1565, %get3A_1570 : vector<16xf32>
        %mul3A_1572 = arith.constant 64 : i32
        %mul3A_1573 = arith.muli %add3A_1534, %mul3A_1572 : i32
        %add3A_1574 = arith.addi %mul3A_263, %mul3A_1573 : i32
        %add3A_1575 = arith.constant 16 : i32
        %add3A_1576 = arith.addi %add3A_1574, %add3A_1575 : i32
        %swap3A_1577 = arith.index_cast %add3A_1576 : i32 to index
        %swap3A_1578 = tpu.vector_load %arg11[%swap3A_1577] {strides = array<i32>} : memref<16384xf32, #tpu.memory_space<vmem>>, vector<16xf32>,
        %swap3A_1579 = vector.shape_cast %swap3A_1578 : vector<16xf32> to vector<16xf32>
        %swap3A_1580 = vector.shape_cast %add3A_1571 : vector<16xf32> to vector<16xf32>
        tpu.vector_store %arg11[%swap3A_1577], %swap3A_1580 {strides = array<i32>} : memref<16384xf32, #tpu.memory_space<vmem>>, vector<16xf32>,
        %get3A_1581 = arith.constant 0 : i32
        %get3A_1582 = arith.constant 0 : i32
        %get3A_1583 = tpu.memref_slice %arg9[%rem3A_232, %get3A_1581, %get3A_1582] : memref<4x128x128xf32, #tpu.memory_space<vmem>> -> memref<1x128x128xf32, #tpu.memory_space<vmem>>
        %get3A_1584 = tpu.memref_squeeze %get3A_1583 : memref<1x128x128xf32, #tpu.memory_space<vmem>> -> memref<128x128xf32, #tpu.memory_space<vmem>>
        %get3A_1585 = arith.index_cast %add3A_1534 : i32 to index
        %get3A_1586 = arith.constant 32 : index
        %get3A_1587 = tpu.vector_load %get3A_1584[%get3A_1585, %get3A_1586] {strides = array<i32>} : memref<128x128xf32, #tpu.memory_space<vmem>>, vector<1x16xf32>,
        %get3A_1588 = vector.shape_cast %get3A_1587 : vector<1x16xf32> to vector<16xf32>
        %add3A_1589 = arith.constant 32 : i32
        %add3A_1590 = arith.addi %squeeze3A_1532, %add3A_1589 : i32
        %get3A_1591 = arith.index_cast %add3A_1590 : i32 to index
        %get3A_1592 = tpu.vector_load %arg10[%get3A_1591] {strides = array<i32>} : memref<25600xf32, #tpu.memory_space<vmem>>, vector<16xf32>,
        %get3A_1593 = vector.shape_cast %get3A_1592 : vector<16xf32> to vector<16xf32>
        %add3A_1594 = arith.addf %get3A_1588, %get3A_1593 : vector<16xf32>
        %mul3A_1595 = arith.constant 64 : i32
        %mul3A_1596 = arith.muli %add3A_1534, %mul3A_1595 : i32
        %add3A_1597 = arith.addi %mul3A_263, %mul3A_1596 : i32
        %add3A_1598 = arith.constant 32 : i32
        %add3A_1599 = arith.addi %add3A_1597, %add3A_1598 : i32
        %swap3A_1600 = arith.index_cast %add3A_1599 : i32 to index
        %swap3A_1601 = tpu.vector_load %arg11[%swap3A_1600] {strides = array<i32>} : memref<16384xf32, #tpu.memory_space<vmem>>, vector<16xf32>,
        %swap3A_1602 = vector.shape_cast %swap3A_1601 : vector<16xf32> to vector<16xf32>
        %swap3A_1603 = vector.shape_cast %add3A_1594 : vector<16xf32> to vector<16xf32>
        tpu.vector_store %arg11[%swap3A_1600], %swap3A_1603 {strides = array<i32>} : memref<16384xf32, #tpu.memory_space<vmem>>, vector<16xf32>,
        %get3A_1604 = arith.constant 0 : i32
        %get3A_1605 = arith.constant 0 : i32
        %get3A_1606 = tpu.memref_slice %arg9[%rem3A_232, %get3A_1604, %get3A_1605] : memref<4x128x128xf32, #tpu.memory_space<vmem>> -> memref<1x128x128xf32, #tpu.memory_space<vmem>>
        %get3A_1607 = tpu.memref_squeeze %get3A_1606 : memref<1x128x128xf32, #tpu.memory_space<vmem>> -> memref<128x128xf32, #tpu.memory_space<vmem>>
        %get3A_1608 = arith.index_cast %add3A_1534 : i32 to index
        %get3A_1609 = arith.constant 48 : index
        %get3A_1610 = tpu.vector_load %get3A_1607[%get3A_1608, %get3A_1609] {strides = array<i32>} : memref<128x128xf32, #tpu.memory_space<vmem>>, vector<1x16xf32>,
        %get3A_1611 = vector.shape_cast %get3A_1610 : vector<1x16xf32> to vector<16xf32>
        %add3A_1612 = arith.constant 48 : i32
        %add3A_1613 = arith.addi %squeeze3A_1532, %add3A_1612 : i32
        %get3A_1614 = arith.index_cast %add3A_1613 : i32 to index
        %get3A_1615 = tpu.vector_load %arg10[%get3A_1614] {strides = array<i32>} : memref<25600xf32, #tpu.memory_space<vmem>>, vector<16xf32>,
        %get3A_1616 = vector.shape_cast %get3A_1615 : vector<16xf32> to vector<16xf32>
        %add3A_1617 = arith.addf %get3A_1611, %get3A_1616 : vector<16xf32>
        %mul3A_1618 = arith.constant 64 : i32
        %mul3A_1619 = arith.muli %add3A_1534, %mul3A_1618 : i32
        %add3A_1620 = arith.addi %mul3A_263, %mul3A_1619 : i32
        %add3A_1621 = arith.constant 48 : i32
        %add3A_1622 = arith.addi %add3A_1620, %add3A_1621 : i32
        %swap3A_1623 = arith.index_cast %add3A_1622 : i32 to index
        %swap3A_1624 = tpu.vector_load %arg11[%swap3A_1623] {strides = array<i32>} : memref<16384xf32, #tpu.memory_space<vmem>>, vector<16xf32>,
        %swap3A_1625 = vector.shape_cast %swap3A_1624 : vector<16xf32> to vector<16xf32>
        %swap3A_1626 = vector.shape_cast %add3A_1617 : vector<16xf32> to vector<16xf32>
        tpu.vector_store %arg11[%swap3A_1623], %swap3A_1626 {strides = array<i32>} : memref<16384xf32, #tpu.memory_space<vmem>>, vector<16xf32>,
        %slice3A_1627 = vector.extract_strided_slice %get3A_285 {offsets = [14], sizes = [1], strides = [1]} : vector<16xi32> to vector<1xi32>
        %squeeze3A_1628 = vector.extract %slice3A_1627[0] : i32 from vector<1xi32>
        %add3A_1629 = arith.constant 14 : i32
        %add3A_1630 = arith.addi %mul3A_282, %add3A_1629 : i32
        %get3A_1631 = arith.constant 0 : i32
        %get3A_1632 = arith.constant 0 : i32
        %get3A_1633 = tpu.memref_slice %arg9[%rem3A_232, %get3A_1631, %get3A_1632] : memref<4x128x128xf32, #tpu.memory_space<vmem>> -> memref<1x128x128xf32, #tpu.memory_space<vmem>>
        %get3A_1634 = tpu.memref_squeeze %get3A_1633 : memref<1x128x128xf32, #tpu.memory_space<vmem>> -> memref<128x128xf32, #tpu.memory_space<vmem>>
        %get3A_1635 = arith.index_cast %add3A_1630 : i32 to index
        %get3A_1636 = arith.constant 0 : index
        %get3A_1637 = tpu.vector_load %get3A_1634[%get3A_1635, %get3A_1636] {strides = array<i32>} : memref<128x128xf32, #tpu.memory_space<vmem>>, vector<1x16xf32>,
        %get3A_1638 = vector.shape_cast %get3A_1637 : vector<1x16xf32> to vector<16xf32>
        %add3A_1639 = arith.constant 0 : i32
        %add3A_1640 = arith.addi %squeeze3A_1628, %add3A_1639 : i32
        %get3A_1641 = arith.index_cast %add3A_1640 : i32 to index
        %get3A_1642 = tpu.vector_load %arg10[%get3A_1641] {strides = array<i32>} : memref<25600xf32, #tpu.memory_space<vmem>>, vector<16xf32>,
        %get3A_1643 = vector.shape_cast %get3A_1642 : vector<16xf32> to vector<16xf32>
        %add3A_1644 = arith.addf %get3A_1638, %get3A_1643 : vector<16xf32>
        %mul3A_1645 = arith.constant 64 : i32
        %mul3A_1646 = arith.muli %add3A_1630, %mul3A_1645 : i32
        %add3A_1647 = arith.addi %mul3A_263, %mul3A_1646 : i32
        %add3A_1648 = arith.constant 0 : i32
        %add3A_1649 = arith.addi %add3A_1647, %add3A_1648 : i32
        %swap3A_1650 = arith.index_cast %add3A_1649 : i32 to index
        %swap3A_1651 = tpu.vector_load %arg11[%swap3A_1650] {strides = array<i32>} : memref<16384xf32, #tpu.memory_space<vmem>>, vector<16xf32>,
        %swap3A_1652 = vector.shape_cast %swap3A_1651 : vector<16xf32> to vector<16xf32>
        %swap3A_1653 = vector.shape_cast %add3A_1644 : vector<16xf32> to vector<16xf32>
        tpu.vector_store %arg11[%swap3A_1650], %swap3A_1653 {strides = array<i32>} : memref<16384xf32, #tpu.memory_space<vmem>>, vector<16xf32>,
        %get3A_1654 = arith.constant 0 : i32
        %get3A_1655 = arith.constant 0 : i32
        %get3A_1656 = tpu.memref_slice %arg9[%rem3A_232, %get3A_1654, %get3A_1655] : memref<4x128x128xf32, #tpu.memory_space<vmem>> -> memref<1x128x128xf32, #tpu.memory_space<vmem>>
        %get3A_1657 = tpu.memref_squeeze %get3A_1656 : memref<1x128x128xf32, #tpu.memory_space<vmem>> -> memref<128x128xf32, #tpu.memory_space<vmem>>
        %get3A_1658 = arith.index_cast %add3A_1630 : i32 to index
        %get3A_1659 = arith.constant 16 : index
        %get3A_1660 = tpu.vector_load %get3A_1657[%get3A_1658, %get3A_1659] {strides = array<i32>} : memref<128x128xf32, #tpu.memory_space<vmem>>, vector<1x16xf32>,
        %get3A_1661 = vector.shape_cast %get3A_1660 : vector<1x16xf32> to vector<16xf32>
        %add3A_1662 = arith.constant 16 : i32
        %add3A_1663 = arith.addi %squeeze3A_1628, %add3A_1662 : i32
        %get3A_1664 = arith.index_cast %add3A_1663 : i32 to index
        %get3A_1665 = tpu.vector_load %arg10[%get3A_1664] {strides = array<i32>} : memref<25600xf32, #tpu.memory_space<vmem>>, vector<16xf32>,
        %get3A_1666 = vector.shape_cast %get3A_1665 : vector<16xf32> to vector<16xf32>
        %add3A_1667 = arith.addf %get3A_1661, %get3A_1666 : vector<16xf32>
        %mul3A_1668 = arith.constant 64 : i32
        %mul3A_1669 = arith.muli %add3A_1630, %mul3A_1668 : i32
        %add3A_1670 = arith.addi %mul3A_263, %mul3A_1669 : i32
        %add3A_1671 = arith.constant 16 : i32
        %add3A_1672 = arith.addi %add3A_1670, %add3A_1671 : i32
        %swap3A_1673 = arith.index_cast %add3A_1672 : i32 to index
        %swap3A_1674 = tpu.vector_load %arg11[%swap3A_1673] {strides = array<i32>} : memref<16384xf32, #tpu.memory_space<vmem>>, vector<16xf32>,
        %swap3A_1675 = vector.shape_cast %swap3A_1674 : vector<16xf32> to vector<16xf32>
        %swap3A_1676 = vector.shape_cast %add3A_1667 : vector<16xf32> to vector<16xf32>
        tpu.vector_store %arg11[%swap3A_1673], %swap3A_1676 {strides = array<i32>} : memref<16384xf32, #tpu.memory_space<vmem>>, vector<16xf32>,
        %get3A_1677 = arith.constant 0 : i32
        %get3A_1678 = arith.constant 0 : i32
        %get3A_1679 = tpu.memref_slice %arg9[%rem3A_232, %get3A_1677, %get3A_1678] : memref<4x128x128xf32, #tpu.memory_space<vmem>> -> memref<1x128x128xf32, #tpu.memory_space<vmem>>
        %get3A_1680 = tpu.memref_squeeze %get3A_1679 : memref<1x128x128xf32, #tpu.memory_space<vmem>> -> memref<128x128xf32, #tpu.memory_space<vmem>>
        %get3A_1681 = arith.index_cast %add3A_1630 : i32 to index
        %get3A_1682 = arith.constant 32 : index
        %get3A_1683 = tpu.vector_load %get3A_1680[%get3A_1681, %get3A_1682] {strides = array<i32>} : memref<128x128xf32, #tpu.memory_space<vmem>>, vector<1x16xf32>,
        %get3A_1684 = vector.shape_cast %get3A_1683 : vector<1x16xf32> to vector<16xf32>
        %add3A_1685 = arith.constant 32 : i32
        %add3A_1686 = arith.addi %squeeze3A_1628, %add3A_1685 : i32
        %get3A_1687 = arith.index_cast %add3A_1686 : i32 to index
        %get3A_1688 = tpu.vector_load %arg10[%get3A_1687] {strides = array<i32>} : memref<25600xf32, #tpu.memory_space<vmem>>, vector<16xf32>,
        %get3A_1689 = vector.shape_cast %get3A_1688 : vector<16xf32> to vector<16xf32>
        %add3A_1690 = arith.addf %get3A_1684, %get3A_1689 : vector<16xf32>
        %mul3A_1691 = arith.constant 64 : i32
        %mul3A_1692 = arith.muli %add3A_1630, %mul3A_1691 : i32
        %add3A_1693 = arith.addi %mul3A_263, %mul3A_1692 : i32
        %add3A_1694 = arith.constant 32 : i32
        %add3A_1695 = arith.addi %add3A_1693, %add3A_1694 : i32
        %swap3A_1696 = arith.index_cast %add3A_1695 : i32 to index
        %swap3A_1697 = tpu.vector_load %arg11[%swap3A_1696] {strides = array<i32>} : memref<16384xf32, #tpu.memory_space<vmem>>, vector<16xf32>,
        %swap3A_1698 = vector.shape_cast %swap3A_1697 : vector<16xf32> to vector<16xf32>
        %swap3A_1699 = vector.shape_cast %add3A_1690 : vector<16xf32> to vector<16xf32>
        tpu.vector_store %arg11[%swap3A_1696], %swap3A_1699 {strides = array<i32>} : memref<16384xf32, #tpu.memory_space<vmem>>, vector<16xf32>,
        %get3A_1700 = arith.constant 0 : i32
        %get3A_1701 = arith.constant 0 : i32
        %get3A_1702 = tpu.memref_slice %arg9[%rem3A_232, %get3A_1700, %get3A_1701] : memref<4x128x128xf32, #tpu.memory_space<vmem>> -> memref<1x128x128xf32, #tpu.memory_space<vmem>>
        %get3A_1703 = tpu.memref_squeeze %get3A_1702 : memref<1x128x128xf32, #tpu.memory_space<vmem>> -> memref<128x128xf32, #tpu.memory_space<vmem>>
        %get3A_1704 = arith.index_cast %add3A_1630 : i32 to index
        %get3A_1705 = arith.constant 48 : index
        %get3A_1706 = tpu.vector_load %get3A_1703[%get3A_1704, %get3A_1705] {strides = array<i32>} : memref<128x128xf32, #tpu.memory_space<vmem>>, vector<1x16xf32>,
        %get3A_1707 = vector.shape_cast %get3A_1706 : vector<1x16xf32> to vector<16xf32>
        %add3A_1708 = arith.constant 48 : i32
        %add3A_1709 = arith.addi %squeeze3A_1628, %add3A_1708 : i32
        %get3A_1710 = arith.index_cast %add3A_1709 : i32 to index
        %get3A_1711 = tpu.vector_load %arg10[%get3A_1710] {strides = array<i32>} : memref<25600xf32, #tpu.memory_space<vmem>>, vector<16xf32>,
        %get3A_1712 = vector.shape_cast %get3A_1711 : vector<16xf32> to vector<16xf32>
        %add3A_1713 = arith.addf %get3A_1707, %get3A_1712 : vector<16xf32>
        %mul3A_1714 = arith.constant 64 : i32
        %mul3A_1715 = arith.muli %add3A_1630, %mul3A_1714 : i32
        %add3A_1716 = arith.addi %mul3A_263, %mul3A_1715 : i32
        %add3A_1717 = arith.constant 48 : i32
        %add3A_1718 = arith.addi %add3A_1716, %add3A_1717 : i32
        %swap3A_1719 = arith.index_cast %add3A_1718 : i32 to index
        %swap3A_1720 = tpu.vector_load %arg11[%swap3A_1719] {strides = array<i32>} : memref<16384xf32, #tpu.memory_space<vmem>>, vector<16xf32>,
        %swap3A_1721 = vector.shape_cast %swap3A_1720 : vector<16xf32> to vector<16xf32>
        %swap3A_1722 = vector.shape_cast %add3A_1713 : vector<16xf32> to vector<16xf32>
        tpu.vector_store %arg11[%swap3A_1719], %swap3A_1722 {strides = array<i32>} : memref<16384xf32, #tpu.memory_space<vmem>>, vector<16xf32>,
        %slice3A_1723 = vector.extract_strided_slice %get3A_285 {offsets = [15], sizes = [1], strides = [1]} : vector<16xi32> to vector<1xi32>
        %squeeze3A_1724 = vector.extract %slice3A_1723[0] : i32 from vector<1xi32>
        %add3A_1725 = arith.constant 15 : i32
        %add3A_1726 = arith.addi %mul3A_282, %add3A_1725 : i32
        %get3A_1727 = arith.constant 0 : i32
        %get3A_1728 = arith.constant 0 : i32
        %get3A_1729 = tpu.memref_slice %arg9[%rem3A_232, %get3A_1727, %get3A_1728] : memref<4x128x128xf32, #tpu.memory_space<vmem>> -> memref<1x128x128xf32, #tpu.memory_space<vmem>>
        %get3A_1730 = tpu.memref_squeeze %get3A_1729 : memref<1x128x128xf32, #tpu.memory_space<vmem>> -> memref<128x128xf32, #tpu.memory_space<vmem>>
        %get3A_1731 = arith.index_cast %add3A_1726 : i32 to index
        %get3A_1732 = arith.constant 0 : index
        %get3A_1733 = tpu.vector_load %get3A_1730[%get3A_1731, %get3A_1732] {strides = array<i32>} : memref<128x128xf32, #tpu.memory_space<vmem>>, vector<1x16xf32>,
        %get3A_1734 = vector.shape_cast %get3A_1733 : vector<1x16xf32> to vector<16xf32>
        %add3A_1735 = arith.constant 0 : i32
        %add3A_1736 = arith.addi %squeeze3A_1724, %add3A_1735 : i32
        %get3A_1737 = arith.index_cast %add3A_1736 : i32 to index
        %get3A_1738 = tpu.vector_load %arg10[%get3A_1737] {strides = array<i32>} : memref<25600xf32, #tpu.memory_space<vmem>>, vector<16xf32>,
        %get3A_1739 = vector.shape_cast %get3A_1738 : vector<16xf32> to vector<16xf32>
        %add3A_1740 = arith.addf %get3A_1734, %get3A_1739 : vector<16xf32>
        %mul3A_1741 = arith.constant 64 : i32
        %mul3A_1742 = arith.muli %add3A_1726, %mul3A_1741 : i32
        %add3A_1743 = arith.addi %mul3A_263, %mul3A_1742 : i32
        %add3A_1744 = arith.constant 0 : i32
        %add3A_1745 = arith.addi %add3A_1743, %add3A_1744 : i32
        %swap3A_1746 = arith.index_cast %add3A_1745 : i32 to index
        %swap3A_1747 = tpu.vector_load %arg11[%swap3A_1746] {strides = array<i32>} : memref<16384xf32, #tpu.memory_space<vmem>>, vector<16xf32>,
        %swap3A_1748 = vector.shape_cast %swap3A_1747 : vector<16xf32> to vector<16xf32>
        %swap3A_1749 = vector.shape_cast %add3A_1740 : vector<16xf32> to vector<16xf32>
        tpu.vector_store %arg11[%swap3A_1746], %swap3A_1749 {strides = array<i32>} : memref<16384xf32, #tpu.memory_space<vmem>>, vector<16xf32>,
        %get3A_1750 = arith.constant 0 : i32
        %get3A_1751 = arith.constant 0 : i32
        %get3A_1752 = tpu.memref_slice %arg9[%rem3A_232, %get3A_1750, %get3A_1751] : memref<4x128x128xf32, #tpu.memory_space<vmem>> -> memref<1x128x128xf32, #tpu.memory_space<vmem>>
        %get3A_1753 = tpu.memref_squeeze %get3A_1752 : memref<1x128x128xf32, #tpu.memory_space<vmem>> -> memref<128x128xf32, #tpu.memory_space<vmem>>
        %get3A_1754 = arith.index_cast %add3A_1726 : i32 to index
        %get3A_1755 = arith.constant 16 : index
        %get3A_1756 = tpu.vector_load %get3A_1753[%get3A_1754, %get3A_1755] {strides = array<i32>} : memref<128x128xf32, #tpu.memory_space<vmem>>, vector<1x16xf32>,
        %get3A_1757 = vector.shape_cast %get3A_1756 : vector<1x16xf32> to vector<16xf32>
        %add3A_1758 = arith.constant 16 : i32
        %add3A_1759 = arith.addi %squeeze3A_1724, %add3A_1758 : i32
        %get3A_1760 = arith.index_cast %add3A_1759 : i32 to index
        %get3A_1761 = tpu.vector_load %arg10[%get3A_1760] {strides = array<i32>} : memref<25600xf32, #tpu.memory_space<vmem>>, vector<16xf32>,
        %get3A_1762 = vector.shape_cast %get3A_1761 : vector<16xf32> to vector<16xf32>
        %add3A_1763 = arith.addf %get3A_1757, %get3A_1762 : vector<16xf32>
        %mul3A_1764 = arith.constant 64 : i32
        %mul3A_1765 = arith.muli %add3A_1726, %mul3A_1764 : i32
        %add3A_1766 = arith.addi %mul3A_263, %mul3A_1765 : i32
        %add3A_1767 = arith.constant 16 : i32
        %add3A_1768 = arith.addi %add3A_1766, %add3A_1767 : i32
        %swap3A_1769 = arith.index_cast %add3A_1768 : i32 to index
        %swap3A_1770 = tpu.vector_load %arg11[%swap3A_1769] {strides = array<i32>} : memref<16384xf32, #tpu.memory_space<vmem>>, vector<16xf32>,
        %swap3A_1771 = vector.shape_cast %swap3A_1770 : vector<16xf32> to vector<16xf32>
        %swap3A_1772 = vector.shape_cast %add3A_1763 : vector<16xf32> to vector<16xf32>
        tpu.vector_store %arg11[%swap3A_1769], %swap3A_1772 {strides = array<i32>} : memref<16384xf32, #tpu.memory_space<vmem>>, vector<16xf32>,
        %get3A_1773 = arith.constant 0 : i32
        %get3A_1774 = arith.constant 0 : i32
        %get3A_1775 = tpu.memref_slice %arg9[%rem3A_232, %get3A_1773, %get3A_1774] : memref<4x128x128xf32, #tpu.memory_space<vmem>> -> memref<1x128x128xf32, #tpu.memory_space<vmem>>
        %get3A_1776 = tpu.memref_squeeze %get3A_1775 : memref<1x128x128xf32, #tpu.memory_space<vmem>> -> memref<128x128xf32, #tpu.memory_space<vmem>>
        %get3A_1777 = arith.index_cast %add3A_1726 : i32 to index
        %get3A_1778 = arith.constant 32 : index
        %get3A_1779 = tpu.vector_load %get3A_1776[%get3A_1777, %get3A_1778] {strides = array<i32>} : memref<128x128xf32, #tpu.memory_space<vmem>>, vector<1x16xf32>,
        %get3A_1780 = vector.shape_cast %get3A_1779 : vector<1x16xf32> to vector<16xf32>
        %add3A_1781 = arith.constant 32 : i32
        %add3A_1782 = arith.addi %squeeze3A_1724, %add3A_1781 : i32
        %get3A_1783 = arith.index_cast %add3A_1782 : i32 to index
        %get3A_1784 = tpu.vector_load %arg10[%get3A_1783] {strides = array<i32>} : memref<25600xf32, #tpu.memory_space<vmem>>, vector<16xf32>,
        %get3A_1785 = vector.shape_cast %get3A_1784 : vector<16xf32> to vector<16xf32>
        %add3A_1786 = arith.addf %get3A_1780, %get3A_1785 : vector<16xf32>
        %mul3A_1787 = arith.constant 64 : i32
        %mul3A_1788 = arith.muli %add3A_1726, %mul3A_1787 : i32
        %add3A_1789 = arith.addi %mul3A_263, %mul3A_1788 : i32
        %add3A_1790 = arith.constant 32 : i32
        %add3A_1791 = arith.addi %add3A_1789, %add3A_1790 : i32
        %swap3A_1792 = arith.index_cast %add3A_1791 : i32 to index
        %swap3A_1793 = tpu.vector_load %arg11[%swap3A_1792] {strides = array<i32>} : memref<16384xf32, #tpu.memory_space<vmem>>, vector<16xf32>,
        %swap3A_1794 = vector.shape_cast %swap3A_1793 : vector<16xf32> to vector<16xf32>
        %swap3A_1795 = vector.shape_cast %add3A_1786 : vector<16xf32> to vector<16xf32>
        tpu.vector_store %arg11[%swap3A_1792], %swap3A_1795 {strides = array<i32>} : memref<16384xf32, #tpu.memory_space<vmem>>, vector<16xf32>,
        %get3A_1796 = arith.constant 0 : i32
        %get3A_1797 = arith.constant 0 : i32
        %get3A_1798 = tpu.memref_slice %arg9[%rem3A_232, %get3A_1796, %get3A_1797] : memref<4x128x128xf32, #tpu.memory_space<vmem>> -> memref<1x128x128xf32, #tpu.memory_space<vmem>>
        %get3A_1799 = tpu.memref_squeeze %get3A_1798 : memref<1x128x128xf32, #tpu.memory_space<vmem>> -> memref<128x128xf32, #tpu.memory_space<vmem>>
        %get3A_1800 = arith.index_cast %add3A_1726 : i32 to index
        %get3A_1801 = arith.constant 48 : index
        %get3A_1802 = tpu.vector_load %get3A_1799[%get3A_1800, %get3A_1801] {strides = array<i32>} : memref<128x128xf32, #tpu.memory_space<vmem>>, vector<1x16xf32>,
        %get3A_1803 = vector.shape_cast %get3A_1802 : vector<1x16xf32> to vector<16xf32>
        %add3A_1804 = arith.constant 48 : i32
        %add3A_1805 = arith.addi %squeeze3A_1724, %add3A_1804 : i32
        %get3A_1806 = arith.index_cast %add3A_1805 : i32 to index
        %get3A_1807 = tpu.vector_load %arg10[%get3A_1806] {strides = array<i32>} : memref<25600xf32, #tpu.memory_space<vmem>>, vector<16xf32>,
        %get3A_1808 = vector.shape_cast %get3A_1807 : vector<16xf32> to vector<16xf32>
        %add3A_1809 = arith.addf %get3A_1803, %get3A_1808 : vector<16xf32>
        %mul3A_1810 = arith.constant 64 : i32
        %mul3A_1811 = arith.muli %add3A_1726, %mul3A_1810 : i32
        %add3A_1812 = arith.addi %mul3A_263, %mul3A_1811 : i32
        %add3A_1813 = arith.constant 48 : i32
        %add3A_1814 = arith.addi %add3A_1812, %add3A_1813 : i32
        %swap3A_1815 = arith.index_cast %add3A_1814 : i32 to index
        %swap3A_1816 = tpu.vector_load %arg11[%swap3A_1815] {strides = array<i32>} : memref<16384xf32, #tpu.memory_space<vmem>>, vector<16xf32>,
        %swap3A_1817 = vector.shape_cast %swap3A_1816 : vector<16xf32> to vector<16xf32>
        %swap3A_1818 = vector.shape_cast %add3A_1809 : vector<16xf32> to vector<16xf32>
        tpu.vector_store %arg11[%swap3A_1815], %swap3A_1818 {strides = array<i32>} : memref<16384xf32, #tpu.memory_space<vmem>>, vector<16xf32>,
      }
      %scan3A_268 = arith.constant 8 : i32
      %mul3A_269 = arith.constant 8192 : i32
      %mul3A_270 = arith.muli %rem3A_234, %mul3A_269 : i32
      %add3A_271 = arith.addi %mul3A_2, %scan3A_231 : i32
      %mul3A_272 = arith.constant 8192 : i32
      %mul3A_273 = arith.muli %add3A_271, %mul3A_272 : i32
      %dma_start3A_274 = tpu.memref_slice %arg11[%mul3A_270] : memref<16384xf32, #tpu.memory_space<vmem>> -> memref<8192xf32, #tpu.memory_space<vmem>>
      %dma_start3A_275 = tpu.memref_slice %arg6[%mul3A_273] : memref<13107200xf32, #tpu.memory_space<hbm>> -> memref<8192xf32, #tpu.memory_space<hbm>>
      %dma_start3A_276 = tpu.memref_slice %arg14[%rem3A_234] : memref<2x!tpu.dma_semaphore, #tpu.memory_space<semaphore_mem>> -> memref<1x!tpu.dma_semaphore, #tpu.memory_space<semaphore_mem>>
      %dma_start3A_277 = tpu.memref_squeeze %dma_start3A_276 : memref<1x!tpu.dma_semaphore, #tpu.memory_space<semaphore_mem>> -> memref<!tpu.dma_semaphore, #tpu.memory_space<semaphore_mem>>
      %dma_start3A_278 = tpu.memref_slice %arg6[%mul3A_273] : memref<13107200xf32, #tpu.memory_space<hbm>> -> memref<8192xf32, #tpu.memory_space<hbm>>
      %dma_start3A_279 = tpu.memref_slice %arg11[%mul3A_270] : memref<16384xf32, #tpu.memory_space<vmem>> -> memref<8192xf32, #tpu.memory_space<vmem>>
      tpu.enqueue_dma source(%dma_start3A_279 : memref<8192xf32, #tpu.memory_space<vmem>>) target(%dma_start3A_278 : memref<8192xf32, #tpu.memory_space<hbm>>) target_semaphore(%dma_start3A_277 : memref<!tpu.dma_semaphore, #tpu.memory_space<semaphore_mem>>)
    }
    %scan3A_204 = arith.constant 50 : i32
    %add3A_205 = arith.constant 48 : i32
    %add3A_206 = arith.addi %mul3A_2, %add3A_205 : i32
    %mul3A_207 = arith.constant 8192 : i32
    %mul3A_208 = arith.muli %add3A_206, %mul3A_207 : i32
    %dma_wait3A_209 = arith.constant 0 : i32
    %dma_wait3A_210 = arith.constant 0 : i32
    %dma_wait3A_211 = tpu.memref_slice %arg11[%dma_wait3A_210] : memref<16384xf32, #tpu.memory_space<vmem>> -> memref<8192xf32, #tpu.memory_space<vmem>>
    %dma_wait3A_212 = tpu.memref_slice %arg6[%mul3A_208] : memref<13107200xf32, #tpu.memory_space<hbm>> -> memref<8192xf32, #tpu.memory_space<hbm>>
    %dma_wait3A_213 = tpu.memref_slice %arg14[%dma_wait3A_209] : memref<2x!tpu.dma_semaphore, #tpu.memory_space<semaphore_mem>> -> memref<1x!tpu.dma_semaphore, #tpu.memory_space<semaphore_mem>>
    %dma_wait3A_214 = tpu.memref_squeeze %dma_wait3A_213 : memref<1x!tpu.dma_semaphore, #tpu.memory_space<semaphore_mem>> -> memref<!tpu.dma_semaphore, #tpu.memory_space<semaphore_mem>>
    %dma_wait3A_215 = tpu.memref_slice %arg6[%mul3A_208] : memref<13107200xf32, #tpu.memory_space<hbm>> -> memref<8192xf32, #tpu.memory_space<hbm>>
    %dma_wait3A_216 = arith.constant 0 : i32
    %dma_wait3A_217 = tpu.memref_slice %arg11[%dma_wait3A_216] : memref<16384xf32, #tpu.memory_space<vmem>> -> memref<8192xf32, #tpu.memory_space<vmem>>
    tpu.wait_dma2 semaphore(%dma_wait3A_214 : memref<!tpu.dma_semaphore, #tpu.memory_space<semaphore_mem>>) src(%dma_wait3A_217 : memref<8192xf32, #tpu.memory_space<vmem>>) dst(%dma_wait3A_215 : memref<8192xf32, #tpu.memory_space<hbm>>)
    %add3A_218 = arith.constant 49 : i32
    %add3A_219 = arith.addi %mul3A_2, %add3A_218 : i32
    %mul3A_220 = arith.constant 8192 : i32
    %mul3A_221 = arith.muli %add3A_219, %mul3A_220 : i32
    %dma_wait3A_222 = arith.constant 1 : i32
    %dma_wait3A_223 = arith.constant 8192 : i32
    %dma_wait3A_224 = tpu.memref_slice %arg11[%dma_wait3A_223] : memref<16384xf32, #tpu.memory_space<vmem>> -> memref<8192xf32, #tpu.memory_space<vmem>>
    %dma_wait3A_225 = tpu.memref_slice %arg6[%mul3A_221] : memref<13107200xf32, #tpu.memory_space<hbm>> -> memref<8192xf32, #tpu.memory_space<hbm>>
    %dma_wait3A_226 = tpu.memref_slice %arg14[%dma_wait3A_222] : memref<2x!tpu.dma_semaphore, #tpu.memory_space<semaphore_mem>> -> memref<1x!tpu.dma_semaphore, #tpu.memory_space<semaphore_mem>>
    %dma_wait3A_227 = tpu.memref_squeeze %dma_wait3A_226 : memref<1x!tpu.dma_semaphore, #tpu.memory_space<semaphore_mem>> -> memref<!tpu.dma_semaphore, #tpu.memory_space<semaphore_mem>>
    %dma_wait3A_228 = tpu.memref_slice %arg6[%mul3A_221] : memref<13107200xf32, #tpu.memory_space<hbm>> -> memref<8192xf32, #tpu.memory_space<hbm>>
    %dma_wait3A_229 = arith.constant 8192 : i32
    %dma_wait3A_230 = tpu.memref_slice %arg11[%dma_wait3A_229] : memref<16384xf32, #tpu.memory_space<vmem>> -> memref<8192xf32, #tpu.memory_space<vmem>>
    tpu.wait_dma2 semaphore(%dma_wait3A_227 : memref<!tpu.dma_semaphore, #tpu.memory_space<semaphore_mem>>) src(%dma_wait3A_230 : memref<8192xf32, #tpu.memory_space<vmem>>) dst(%dma_wait3A_228 : memref<8192xf32, #tpu.memory_space<hbm>>)
    return
  }
}

</mosaic_0001>

<sc_bundles>
// kernel: kernel.3.cloned.1.call-start
scs
__scs_entry_jumppad:
0x0: {  	(pc) =	sbr.rel $0x88, $3  }
0x1: {  	(tag) =	ssettag $0x0;
	lr =	simm.s32 $0x1  }
0x2: {  	[smem:$0x3F9C] =	sst lr;
	_ =	strace $0xD0000000  }
0x3: {  	_ = 	snop  }
0x4: {  	_ = 	snop  }
0x5: {  	_ = 	snop  }
0x6: {  	_ = 	snop  }
0x7: {  	_ = 	snop  }
__scs_overlays_trampoline_lowered:
0x8: {  	[smem:$0x3FAB] =	sst s0  }
0x9: {  	[smem:$0x3FAC] =	sst s1  }
0xa: {  	[smem:$0x3FAD] =	sst s2  }
0xb: {  	[smem:$0x3FAE] =	sst s3  }
0xc: {  	[smem:$0x3FAF] =	sst s4  }
0xd: {  	[smem:$0x3FB0] =	sst s5  }
0xe: {  	[smem:$0x3FB1] =	sst s6  }
0xf: {  	[smem:$0x3FB2] =	sst s7  }
0x10: {  	[smem:$0x3FB3] =	sst s8  }
0x11: {  	[smem:$0x3FB4] =	sst s9;
	s0 =	simm.s32 @!p0 $0x0  }
0x12: {  	s1 =	sld [smem:$0x3F9A];
	s0 =	simm.s32 @p0 $0x1  }
0x13: {  	[smem:$0x3FB5] =	sst s0;
	s0 =	simm.s32 @!p1 $0x0  }
0x14: {  	s2 =	sld [smem:$0x3F99];
	s0 =	simm.s32 @p1 $0x1  }
0x15: {  	[smem:$0x3FB6] =	sst s0;
	s0 =	simm.s32 @!p2 $0x0  }
0x16: {  	s3 =	sld [smem:$0x3FDB];
	s0 =	simm.s32 @p2 $0x1  }
0x17: {  	s4 =	simm.s32 $0x1BF5;
	[smem:$0x3FB8] =	sst s0  }
0x18: {  	s0 =	sld [smem:$0x3F9B];
	_ =	swait.ge [sflag:s4], $0x0  }
0x19: {  	s7 =	sld [smem:$0x3F9C]  }
0x1a: {  	s8 =	sadd.s32 $0xFFFFE003, lr  }
0x1b: {  	s9 =	sadd.s32 $0xFFFFFEF7, lr;
	s5 =	simm.s32 $0xFFFFFFFF;
	p2 =	slt.u32 s8, $0xFFFFF086  }
0x1c: {  	p1 =	slt.u32 s9, $0xF7A;
	s5 =	simm.s32 @!p2 $0x0  }
0x1d: {  	s5 =	simm.s32 @p1 $0x1;
	p0 =	seq.s32 s7, s2  }
0x1e: {  	s7 =	smul.u32 @!p0 $0xF7A, s2;
	p2 =	seq.s32 @!p0 s5, $0x0  }
0x1f: {  	s9 =	smul.u32 $0xF7A, s1;
	s8 =	simm.s32 @!p0 $0x1BF5;
	p2 =	por !p2, p0  }
0x20: {  	[sflag:s8] =	ssyncset.s32 @!p0 $0xFFFFF086;
	s6 =	sadd.s32 @!p0 s3, s7;
	s7 =	simm.s32 @!p0 $0x108  }
0x21: {  	s3 =	sadd.s32 s3, s9;
	s6 =	sadd.s32 @!p0 $0x88, s6;
	s7 =	simm.s32 @p2 $0x1082  }
0x22: {  	[simem:s7], [sflag:s8] =	dma.local @!p0 [hbm:s6], $0xF7A  }
0x23: {  	s9 =	sor.u32 $0xD0000000, s2;
	s6 =	simm.s32 $0x108;
	_ =	swait.ge @!p0 [sflag:s8], $0x0  }
0x24: {  	s3 =	sadd.s32 $0x88, s3;
	s6 =	simm.s32 @!p1 $0x1082;
	[sflag:s4] =	ssyncset.s32 $0xFFFFF086  }
0x25: {  	[simem:s6], [sflag:s4] =	dma.local [hbm:s3], $0xF7A  }
0x26: {  	[smem:$0x3F9C] =	sst s1;
	(tag) =	ssettag s2;
	_ =	strace s9  }
0x27: {  	s1 =	sld [smem:$0x3FAC]  }
0x28: {  	s2 =	sld [smem:$0x3FAD]  }
0x29: {  	s4 =	sld [smem:$0x3FAF]  }
0x2a: {  	p0 =	seq.s32 s5, $0x0;
	s5 =	sld [smem:$0x3FB0]  }
0x2b: {  	s6 =	sld [smem:$0x3FB1]  }
0x2c: {  	s7 =	sld [smem:$0x3FB2]  }
0x2d: {  	s3 =	simm.s32 $0x108;
	s8 =	sld [smem:$0x3FB3]  }
0x2e: {  	s3 =	simm.s32 @!p0 $0x1082;
	s9 =	sld [smem:$0x3FB4]  }
0x2f: {  	lr =	sadd.s32 s0, s3;
	s0 =	sld [smem:$0x3FAB]  }
0x30: {  	s3 =	sld [smem:$0x3FAE]  }
0x31: {  	[smem:$0x3FB7] =	sst s10  }
0x32: {  	s10 =	sld [smem:$0x3FB5];
	_ =	sdelay $0x3  }
0x33: {  	p0 =	seq.s32 s10, $0x1;
	s10 =	sld [smem:$0x3FB7];
	_ =	sdelay $0x3  }
0x34: {  	[smem:$0x3FB7] =	sst s10  }
0x35: {  	s10 =	sld [smem:$0x3FB6];
	_ =	sdelay $0x3  }
0x36: {  	p1 =	seq.s32 s10, $0x1;
	s10 =	sld [smem:$0x3FB7];
	_ =	sdelay $0x3  }
0x37: {  	[smem:$0x3FB7] =	sst s10  }
0x38: {  	s10 =	sld [smem:$0x3FB8]  }
0x39: {  	_ = 	snop;
	(pc) =	sbr.ind lr, $3  }
0x3a: {  	_ = 	snop  }
0x3b: {  	_ = 	snop  }
0x3c: {  	p2 =	seq.s32 s10, $0x1;
	s10 =	sld [smem:$0x3FB7]  }
0x3d: {  	_ =	shalt  }
0x3e: {  	_ =	shalt  }
0x3f: {  	_ =	shalt  }
0x40: {  	_ =	shalt  }
0x41: {  	_ =	shalt  }
0x42: {  	_ =	shalt  }
0x43: {  	_ =	shalt  }
0x44: {  	_ =	shalt  }
0x45: {  	_ =	shalt  }
0x46: {  	_ =	shalt  }
0x47: {  	_ =	shalt  }
0x48: {  	_ =	shalt  }
0x49: {  	_ =	shalt  }
0x4a: {  	_ =	shalt  }
0x4b: {  	_ =	shalt  }
0x4c: {  	_ =	shalt  }
0x4d: {  	_ =	shalt  }
0x4e: {  	_ =	shalt  }
0x4f: {  	_ =	shalt  }
0x50: {  	_ =	shalt  }
0x51: {  	_ =	shalt  }
0x52: {  	_ =	shalt  }
0x53: {  	_ =	shalt  }
0x54: {  	_ =	shalt  }
0x55: {  	_ =	shalt  }
0x56: {  	_ =	shalt  }
0x57: {  	_ =	shalt  }
0x58: {  	_ =	shalt  }
0x59: {  	_ =	shalt  }
0x5a: {  	_ =	shalt  }
0x5b: {  	_ =	shalt  }
0x5c: {  	_ =	shalt  }
0x5d: {  	_ =	shalt  }
0x5e: {  	_ =	shalt  }
0x5f: {  	_ =	shalt  }
0x60: {  	_ =	shalt  }
0x61: {  	_ =	shalt  }
0x62: {  	_ =	shalt  }
0x63: {  	_ =	shalt  }
0x64: {  	_ =	shalt  }
0x65: {  	_ =	shalt  }
0x66: {  	_ =	shalt  }
0x67: {  	_ =	shalt  }
0x68: {  	_ =	shalt  }
0x69: {  	_ =	shalt  }
0x6a: {  	_ =	shalt  }
0x6b: {  	_ =	shalt  }
0x6c: {  	_ =	shalt  }
0x6d: {  	_ =	shalt  }
0x6e: {  	_ =	shalt  }
0x6f: {  	_ =	shalt  }
0x70: {  	_ =	shalt  }
0x71: {  	_ =	shalt  }
0x72: {  	_ =	shalt  }
0x73: {  	_ =	shalt  }
0x74: {  	_ =	shalt  }
0x75: {  	_ =	shalt  }
0x76: {  	_ =	shalt  }
0x77: {  	_ =	shalt  }
0x78: {  	_ =	shalt  }
0x79: {  	_ =	shalt  }
0x7a: {  	_ =	shalt  }
0x7b: {  	_ =	shalt  }
0x7c: {  	_ =	shalt  }
0x7d: {  	_ =	shalt  }
0x7e: {  	_ =	shalt  }
0x7f: {  	_ =	shalt  }
0x80: {  	_ =	shalt  }
0x81: {  	_ =	shalt  }
0x82: {  	_ =	shalt  }
0x83: {  	_ =	shalt  }
0x84: {  	_ =	shalt  }
0x85: {  	_ =	shalt  }
0x86: {  	_ =	shalt  }
0x87: {  	_ =	shalt  }
.Lfunc_end0:
.L_simem_size_0:
called_computation.1_lowered:
.L_overlay_start_0:
0x88: {  	s2 =	sld [smem:$0x3FD9]  }
0x89: {  	s3 =	sld [smem:$0x3FFE];
	_ =	sdelay $0x1  }
0x8a: {  	s1 =	srdreg.scid  }
0x8b: {  	s0 =	sand.u32 $0x1, s1  }
0x8c: {  	s17 =	sshll.u32 s0, $0xA;
	s2 =	sadd.s32 s3, s2  }
0x8d: {  	s2 =	sadd.s32 s2, s17  }
0x8e: {  	[smem:$0x3FC3] =	sst s2  }
0x8f: {  	_ = 	snop  }
0x90: {  	s2 =	sld [smem:$0x3FD0];
	(tm) =	ssettm $0x1  }
0x91: {  	s18 =	sld [smem:$0x3FFB];
	_ =	sdelay $0x3  }
0x92: {  	_ =	strace s18  }
0x93: {  	s3 =	sld [smem:$0x3FFC];
	_ =	sdelay $0x3  }
0x94: {  	_ =	strace s3  }
0x95: {  	s3 =	sld [smem:$0x3FFD];
	_ =	sdelay $0x3  }
0x96: {  	_ =	strace s3  }
0x97: {  	_ =	strace $0x8FFFFFFF  }
0x98: {  	s19 =	sld [smem:$0x3FDB];
	_ =	sdelay $0x1  }
0x99: {  	s4 =	simm.s32 $_scs_section_size  }
0x9a: {  	s5 =	simm.s32 $_size__tile_overlayer_lowered;
	s6 =	simm.s32 $_tile_overlayer_lowered  }
0x9b: {  	s22 =	simm.s32 $0x1BFF;
	s21 =	sshll.u32 s6, $0x1;
	s3 =	sadd.s32 s4, s19  }
0x9c: {  	s7 =	simm.s32 $0x0;
	s20 =	sshll.u32 s5, $0x1;
	s5 =	sadd.s32 s21, s3  }
0x9d: {  	[timem:s7], [sflag:s22] =	dma.local [hbm:s5], s20  }
0x9e: {  	_ =	swait.ge [sflag:s22], s20  }
0x9f: {  	s4 =	ssub.s32 $0x0, s20;
	[sflag:s22] =	ssyncset.done $0x0  }
0xa0: {  	[sflag:s22] =	ssyncadd.s32 s4;
	_ =	sdelay $0x1  }
0xa1: {  	s23 =	simm.s32 $0x1B8B  }
0xa2: {  	_ =	swait.ge [sflag:s23], $0x1  }
0xa3: {  	[sflag:s23] =	ssyncset.done $0x0  }
0xa4: {  	s25 =	simm.s32 $0x1B8E;
	s24 =	sld [smem:$0x3FFE];
	[sflag:s23] =	ssyncadd.s32 $0xFFFFFFFF  }
0xa5: {  	s26 =	simm.s32 $execute0_lowered;
	[smem:$0x3FD2] =	sst s25  }
0xa6: {  	s5 =	sshll.u32 s26, $0x1;
	_ =	strace $0x80000046;
	[dreg:$0x1] =	wrdreg $0xFFFFFFFF  }
0xa7: {  	s28 =	simm.s32 $_size_execute0_lowered;
	s3 =	sadd.s32 s3, s5;
	[dreg:$0x0] =	wrdreg $0x0  }
0xa8: {  	s5 =	sshll.u32 s28, $0x1;
	[dreg:$0x2] =	wrdreg s3  }
0xa9: {  	[dreg:$0x3] =	wrdreg s5  }
0xaa: {  	[dreg:$0x4] =	wrdreg $0xC0  }
0xab: {  	_ =	task [dreg:s7], $0x5FFFF  }
0xac: {  	[dreg:$0x1] =	wrdreg $0xFFFFFFFF  }
0xad: {  	[dreg:$0x0] =	wrdreg $0x60  }
0xae: {  	[dreg:$0x2] =	wrdreg s24  }
0xaf: {  	[dreg:$0x3] =	wrdreg s2  }
0xb0: {  	[dreg:$0x4] =	wrdreg $0x9  }
0xb1: {  	_ =	task.clear_ibuf [dreg:s7], $0x5FFFF;
	_ =	strace $0x90000046  }
0xb2: {  	s29 =	simm.s32 $0x9;
	_ =	strace $0x80000048  }
0xb3: {  	_ =	swait.ge [sflag:s29], $0x1  }
0xb4: {  	[sflag:s29] =	ssyncadd.s32 $0xFFFFFFFF  }
0xb5: {  	_ =	strace $0x90000048  }
0xb6: {  	_ =	sfence  }
0xb7: {  	s30 =	sld [smem:$0x0];
	_ =	sdelay $0x2  }
0xb8: {  	s31 =	sshll.u32 s1, $0xD;
	s1 =	sshrl.u32 s1, $0x2  }
0xb9: {  	s3 =	sand.u32 $0x4000, s31;
	s1 =	sadd.s32 s1, s30  }
0xba: {  	s0 =	sor.u32 s3, s0;
	s1 =	sshll.u32 s1, $0x11  }
0xbb: {  	s0 =	sor.u32 s1, s0  }
0xbc: {  	s0 =	sadd.s32 $0x8F2B, s0  }
0xbd: {  	[sflag:s0] =	ssyncadd.remote.s32 $0x1  }
0xbe: {  	_ =	sfence.sel $0xFFFF  }
0xbf: {  	[dreg:$0x0] =	wrdreg $0xFFFFFFFF;
	(pc) =	sbr.abs _section_cstart, $3  }
0xc0: {  	[dreg:$0x1] =	wrdreg $0xFFFFFFFF  }
0xc1: {  	_ =	task.clear_ibuf [dreg:s7], $0x2FFFF;
	_ =	strace $0x9FFFFFFF  }
0xc2: {  	(tm) =	ssettm $0x7FFFFFFF  }
0xc3: {  	_ =	shalt  }
tec
execute0_lowered:
.L_overlay_start_1:
0x0: {  	(tag) =	ssettag $0x1  }
0x1: {  	s0 =	rddreg [dreg:$0x0]  }
0x2: {  	s2 =	rddreg [dreg:$0x1]  }
0x3: {  	s3 =	simm.s32 $0x0;
	s1 =	srdreg.scid;
	s4 =	stileid.u32  }
0x4: {  	s18 =	simm.s32 $0x80;
	s22 =	simm.s32 $0x1;
	s28 =	simm.s32 $0x9  }
0x5: {  	s29 =	simm.s32 $0xA;
	s30 =	simm.s32 $0x0;
	[smem:$0x7FF] =	sst s3  }
0x6: {  	s1 =	sand.u32 $0x1, s1;
	s4 =	sshll.u32 s4, $0x1;
	s5 =	sadd.s32 $0xF43800, s0  }
0x7: {  	s6 =	sadd.s32 $0xF50E00, s0;
	_ =	strace $0x80000047;
	s8 =	sor.u32 s1, s4  }
0x8: {  	s4 =	sadd.s32 $0xF49C00, s0;
	s0 =	sadd.s32 $0xF50000, s0;
	s10 =	smul.u32 $0x1900, s8  }
0x9: {  	s1 =	ssub.s32 $0x2, s1;
	s7 =	sshll.u32 s8, $0x8;
	[dreg:$0x3] =	wrdreg s0  }
0xa: {  	s24 =	sshrl.u32 s1, $0x1;
	s11 =	sand.u32 $0x300, s7;
	s9 =	sand.u32 $0x3FC00, s10  }
0xb: {  	s8 =	smul.u32 $0x32, s8;
	s0 =	ssub.s32 s1, s24;
	s9 =	sor.u32 s11, s9  }
0xc: {  	s24 =	simm.s32 $0x2;
	s13 =	sshrl.u32 s10, $0x3;
	s25 =	sshrl.u32 s9, $0x3  }
0xd: {  	s15 =	smax.u32 s0, $0x1;
	s31 =	sadd.s32 $0x20, s13;
	s26 =	sadd.s32 s4, s25  }
0xe: {  	s13 =	sadd.s32 s4, s31;
	s1 =	sadd.s32 s5, s25;
	[dreg:$0x4] =	wrdreg s26  }
0xf: {  	s14 =	sadd.s32 s5, s31;
	s12 =	sor.u32 $0x10, s25;
	[dreg:$0x5] =	wrdreg s1  }
0x10: {  	s11 =	sadd.s32 s4, s12;
	s12 =	sadd.s32 s5, s12;
	s26 =	simm.s32 $0xB  }
.LBB2_1:
0x11: {  	s0 =	rddreg [dreg:$0x3];
	s1 =	simm.s32 $0x10400  }
0x12: {  	[tilespmem:s1], [sflag:$0xB] =	stream.linear.gather [hbm4b:s0+s3], $0x6400, $0x38;
	[tilespmem:$0x1A800] =	vst v63  }
0x13: {  	s10 =	rddreg [dreg:$0x4]  }
0x14: {  	[tilespmem:s3], [sflag:$0x1] =	stream.linear.gather [hbm4b:s10+s3], $0x80, $0x38;
	[tilespmem:$0x1A800] =	vst v63  }
0x15: {  	s16 =	rddreg [dreg:$0x5];
	s17 =	simm.s32 $0x200  }
0x16: {  	[tilespmem:s17], [sflag:$0x1] =	stream.linear.gather [hbm4b:s16+s3], $0x80, $0x38;
	[tilespmem:$0x1A800] =	vst v63  }
0x17: {  	_ = 	snop  }
0x18: {  	[tilespmem:s18], [sflag:$0x2] =	stream.linear.gather [hbm4b:s11+s3], $0x80, $0x38;
	[tilespmem:$0x1A800] =	vst v63  }
0x19: {  	s19 =	simm.s32 $0x280  }
0x1a: {  	[tilespmem:s19], [sflag:$0x2] =	stream.linear.gather [hbm4b:s12+s3], $0x80, $0x38;
	[tilespmem:$0x1A800] =	vst v63  }
0x1b: {  	s20 =	simm.s32 $0x100  }
0x1c: {  	[tilespmem:s20], [sflag:$0x3] =	stream.linear.gather [hbm4b:s13+s3], $0x80, $0x38;
	[tilespmem:$0x1A800] =	vst v63  }
0x1d: {  	s21 =	simm.s32 $0x300  }
0x1e: {  	[tilespmem:s21], [sflag:$0x3] =	stream.linear.gather [hbm4b:s14+s3], $0x80, $0x38;
	[tilespmem:$0x1A800] =	vst v63  }
0x1f: {  	_ =	swait.ge [sflag:s22], $0x80  }
0x20: {  	[sflag:s22] =	ssyncset.done $0x0  }
0x21: {  	[sflag:s22] =	ssyncadd.s32 $0xFFFFFF80  }
0x22: {  	_ =	swait.ge [sflag:s22], $0x80  }
0x23: {  	[sflag:s22] =	ssyncset.done $0x0  }
0x24: {  	s23 =	simm.s32 $0x400;
	[sflag:s22] =	ssyncadd.s32 $0xFFFFFF80  }
0x25: {  	[tilespmem:s23], [sflag:$0x5] =	stream.indirect.gather [hbm4b:s6+s18], $0x80, s3, s18, $0xb8;
	[tilespmem:$0x1A800] =	vst v63  }
0x26: {  	_ =	swait.ge [sflag:s24], $0x80  }
0x27: {  	[sflag:s24] =	ssyncset.done $0x0  }
0x28: {  	[sflag:s24] =	ssyncadd.s32 $0xFFFFFF80  }
0x29: {  	_ =	swait.ge [sflag:s24], $0x80  }
0x2a: {  	[sflag:s24] =	ssyncset.done $0x0  }
0x2b: {  	s25 =	simm.s32 $0x4400;
	[sflag:s24] =	ssyncadd.s32 $0xFFFFFF80  }
0x2c: {  	[tilespmem:s25], [sflag:$0x6] =	stream.indirect.gather [hbm4b:s6+s18], $0x80, s18, s18, $0xb8;
	[tilespmem:$0x1A800] =	vst v63  }
0x2d: {  	_ =	swait.ge [sflag:s26], $0x6400  }
0x2e: {  	p0 =	por $0x0, $0x0;
	[sflag:s26] =	ssyncset.done $0x0  }
0x2f: {  	s31 =	simm.s32 $0x0;
	s0 =	simm.s32 $0x0;
	[sflag:s26] =	ssyncadd.s32 $0xFFFF9C00  }
.LBB2_2:
0x30: {  	p1 =	sgt.u32 s0, $0x2E  }
.Ltmp0:
0x31: {  	_ = 	snop;
	(pc) =	sbr.rel @p1 .LBB2_4-.Ltmp0, $2  }
0x32: {  	_ =	sdelay $0x2  }
0x33: {  	s1 =	sand.u32 $0x3, s0  }
0x34: {  	s16 =	sadd.s32 $0x3, s0  }
0x35: {  	s17 =	sadd.s32 s8, s16  }
0x36: {  	s17 =	sshll.u32 s17, $0x4  }
.Ltmp1:
0x37: {  	s16 =	sand.u32 $0x3, s16;
	s17 =	sand.u32 $0xFFFFFF0, s17;
	(pc) =	sbr.rel .LBB2_5-.Ltmp1, $4  }
0x38: {  	s19 =	sadd.s32 $0x1, s16;
	s16 =	sshll.u32 s16, $0x7;
	s20 =	sadd.s32 s4, s17  }
0x39: {  	[tilespmem:s16], [sflag:s19] =	stream.linear.gather [hbm4b:s20+s3], $0x80, $0x38;
	[tilespmem:$0x1A800] =	vst v63  }
0x3a: {  	s17 =	sadd.s32 s5, s17;
	s16 =	sor.u32 $0x200, s16  }
0x3b: {  	[tilespmem:s16], [sflag:s19] =	stream.linear.gather [hbm4b:s17+s3], $0x80, $0x38;
	[tilespmem:$0x1A800] =	vst v63  }
.LBB2_4:
0x3c: {  	p1 =	sne.s32 s0, $0x2F  }
.Ltmp2:
0x3d: {  	_ = 	snop;
	(pc) =	sbr.rel @p1 .LBB2_6-.Ltmp2, $1  }
0x3e: {  	_ =	sdelay $0x3  }
.LBB2_5:
0x3f: {  	s16 =	sxor.u32 $0x2, s1  }
0x40: {  	s17 =	sadd.s32 $0x1, s16  }
0x41: {  	_ =	swait.ge [sflag:s17], $0x80  }
0x42: {  	[sflag:s17] =	ssyncset.done $0x0  }
0x43: {  	[sflag:s17] =	ssyncadd.s32 $0xFFFFFF80  }
0x44: {  	_ =	swait.ge [sflag:s17], $0x80  }
0x45: {  	s19 =	sshll.u32 s16, $0x7;
	s20 =	sshll.u32 s16, $0xE;
	[sflag:s17] =	ssyncset.done $0x0  }
0x46: {  	s16 =	sadd.s32 $0x5, s16;
	s25 =	sor.u32 $0x400, s20;
	[sflag:s17] =	ssyncadd.s32 $0xFFFFFF80  }
0x47: {  	[tilespmem:s25], [sflag:s16] =	stream.indirect.gather [hbm4b:s6+s18], $0x80, s19, s18, $0xb8;
	[tilespmem:$0x1A800] =	vst v63  }
.LBB2_6:
0x48: {  	s17 =	sand.u32 $0x3, s31  }
0x49: {  	s19 =	simm.s32 $0x1;
	s20 =	sadd.s32 $0x5, s1;
	s1 =	sand.u32 $0x1, s0  }
0x4a: {  	p1 =	slt.u32 s0, $0x2;
	s16 =	sshll.u32 s17, $0x7;
	_ =	swait.ge [sflag:s20], $0x4000  }
0x4b: {  	s19 =	simm.s32 @!p0 $0x0;
	s21 =	sshll.u32 s17, $0xE;
	[sflag:s20] =	ssyncset.done $0x0  }
0x4c: {  	s23 =	sshll.u32 s1, $0xD;
	[sflag:s20] =	ssyncadd.s32 $0xFFFFC000;
	s20 =	sadd.s32 @!p1 $0x9, s1  }
0x4d: {  	s16 =	sor.u32 $0x200, s16;
	s17 =	sshll.u32 s19, $0xD;
	_ =	swait.ge @!p1 [sflag:s20], $0x2000  }
0x4e: {  	s19 =	sor.u32 $0x800, s21;
	s21 =	sadd.s32 $0x16A00, s17;
	[sflag:s20] =	ssyncset.done @!p1 $0x0  }
0x4f: {  	[sflag:s20] =	ssyncadd.s32 @!p1 $0xFFFFE000;
	s20 =	sadd.s32 $0x16800, s23;
	s23 =	simm.s32 $0x0  }
.LBB2_7:
0x50: {  	v0 =	vld [tilespmem:s16+$0x0];
	_ =	sdelay $0x4  }
0x51: {  	(v2sf) =	vpush v0, $0x0;
	_ =	sdelay $0xe  }
0x52: {  	v1 =	vld [tilespmem:s19+$0xFFFFFC00];
	s25 =	spop (v2sf)  }
0x53: {  	v2 =	vld [tilespmem:s25+$0x10400];
	_ =	sdelay $0x4  }
0x54: {  	v1 =	vadd.f32 v2, v1;
	_ =	sdelay $0x1  }
0x55: {  	[tilespmem:s21+$0xFFFFFE00] =	vst v1  }
0x56: {  	v1 =	vld [tilespmem:s19+$0xFFFFFC10]  }
0x57: {  	v60 =	vld [tilespmem:s25+$0x10410];
	_ =	sdelay $0x4  }
0x58: {  	v1 =	vadd.f32 v60, v1;
	_ =	sdelay $0x1  }
0x59: {  	[tilespmem:s21+$0xFFFFFE10] =	vst v1  }
0x5a: {  	v1 =	vld [tilespmem:s19+$0xFFFFFC20]  }
0x5b: {  	v61 =	vld [tilespmem:s25+$0x10420];
	_ =	sdelay $0x1  }
0x5c: {  	(v2sf) =	vpush v0, $0x1;
	_ =	sdelay $0x2  }
0x5d: {  	v1 =	vadd.f32 v61, v1;
	_ =	sdelay $0x1  }
0x5e: {  	[tilespmem:s21+$0xFFFFFE20] =	vst v1  }
0x5f: {  	v1 =	vld [tilespmem:s19+$0xFFFFFC30]  }
0x60: {  	v62 =	vld [tilespmem:s25+$0x10430];
	_ =	sdelay $0x4  }
0x61: {  	v1 =	vadd.f32 v62, v1;
	_ =	sdelay $0x1  }
0x62: {  	[tilespmem:s21+$0xFFFFFE30] =	vst v1  }
0x63: {  	s7 =	spop (v2sf);
	v1 =	vld [tilespmem:s19+$0xFFFFFC80]  }
0x64: {  	v63 =	vld [tilespmem:s7+$0x10400];
	_ =	sdelay $0x4  }
0x65: {  	v1 =	vadd.f32 v63, v1;
	_ =	sdelay $0x1  }
0x66: {  	[tilespmem:s21+$0xFFFFFE40] =	vst v1  }
0x67: {  	v1 =	vld [tilespmem:s19+$0xFFFFFC90]  }
0x68: {  	v4 =	vld [tilespmem:s7+$0x10410];
	_ =	sdelay $0x3  }
0x69: {  	s25 =	sadd.s32 s23, s17  }
0x6a: {  	s9 =	sadd.s32 $0x40, s25;
	v1 =	vadd.f32 v4, v1  }
0x6b: {  	s10 =	sor.u32 $0x50, s9  }
0x6c: {  	[tilespmem:s10+$0x16800] =	vst v1  }
0x6d: {  	v1 =	vld [tilespmem:s19+$0xFFFFFCA0]  }
0x6e: {  	v5 =	vld [tilespmem:s7+$0x10420];
	_ =	sdelay $0x1  }
0x6f: {  	(v2sf) =	vpush v0, $0x2;
	_ =	sdelay $0x2  }
0x70: {  	v1 =	vadd.f32 v5, v1  }
0x71: {  	s10 =	sor.u32 $0x60, s9  }
0x72: {  	[tilespmem:s10+$0x16800] =	vst v1  }
0x73: {  	v1 =	vld [tilespmem:s19+$0xFFFFFCB0]  }
0x74: {  	v6 =	vld [tilespmem:s7+$0x10430];
	_ =	sdelay $0x4  }
0x75: {  	v1 =	vadd.f32 v6, v1  }
0x76: {  	s9 =	sor.u32 $0x70, s9  }
0x77: {  	[tilespmem:s9+$0x16800] =	vst v1  }
0x78: {  	s10 =	spop (v2sf);
	v1 =	vld [tilespmem:s19+$0xFFFFFD00]  }
0x79: {  	v7 =	vld [tilespmem:s10+$0x10400];
	_ =	sdelay $0x4  }
0x7a: {  	v1 =	vadd.f32 v7, v1;
	_ =	sdelay $0x1  }
0x7b: {  	[tilespmem:s21+$0xFFFFFE80] =	vst v1  }
0x7c: {  	v1 =	vld [tilespmem:s19+$0xFFFFFD10]  }
0x7d: {  	v8 =	vld [tilespmem:s10+$0x10410];
	_ =	sdelay $0x4  }
0x7e: {  	v1 =	vadd.f32 v8, v1;
	_ =	sdelay $0x1  }
0x7f: {  	[tilespmem:s21+$0xFFFFFE90] =	vst v1  }
0x80: {  	v1 =	vld [tilespmem:s19+$0xFFFFFD20]  }
0x81: {  	v9 =	vld [tilespmem:s10+$0x10420];
	_ =	sdelay $0x1  }
0x82: {  	(v2sf) =	vpush v0, $0x3;
	_ =	sdelay $0x2  }
0x83: {  	v1 =	vadd.f32 v9, v1;
	_ =	sdelay $0x1  }
0x84: {  	[tilespmem:s21+$0xFFFFFEA0] =	vst v1  }
0x85: {  	v1 =	vld [tilespmem:s19+$0xFFFFFD30]  }
0x86: {  	v10 =	vld [tilespmem:s10+$0x10430];
	_ =	sdelay $0x4  }
0x87: {  	v1 =	vadd.f32 v10, v1;
	_ =	sdelay $0x1  }
0x88: {  	[tilespmem:s21+$0xFFFFFEB0] =	vst v1  }
0x89: {  	s7 =	spop (v2sf);
	v1 =	vld [tilespmem:s19+$0xFFFFFD80]  }
0x8a: {  	v11 =	vld [tilespmem:s7+$0x10400];
	_ =	sdelay $0x4  }
0x8b: {  	v1 =	vadd.f32 v11, v1;
	_ =	sdelay $0x1  }
0x8c: {  	[tilespmem:s21+$0xFFFFFEC0] =	vst v1  }
0x8d: {  	v1 =	vld [tilespmem:s19+$0xFFFFFD90]  }
0x8e: {  	v12 =	vld [tilespmem:s7+$0x10410];
	_ =	sdelay $0x4  }
0x8f: {  	s9 =	sadd.s32 $0xC0, s25;
	v1 =	vadd.f32 v12, v1  }
0x90: {  	s10 =	sor.u32 $0x50, s9  }
0x91: {  	[tilespmem:s10+$0x16800] =	vst v1  }
0x92: {  	v1 =	vld [tilespmem:s19+$0xFFFFFDA0]  }
0x93: {  	v13 =	vld [tilespmem:s7+$0x10420];
	_ =	sdelay $0x1  }
0x94: {  	(v2sf) =	vpush v0, $0x4;
	_ =	sdelay $0x2  }
0x95: {  	v1 =	vadd.f32 v13, v1  }
0x96: {  	s10 =	sor.u32 $0x60, s9  }
0x97: {  	[tilespmem:s10+$0x16800] =	vst v1  }
0x98: {  	v1 =	vld [tilespmem:s19+$0xFFFFFDB0]  }
0x99: {  	v14 =	vld [tilespmem:s7+$0x10430];
	_ =	sdelay $0x4  }
0x9a: {  	v1 =	vadd.f32 v14, v1  }
0x9b: {  	s9 =	sor.u32 $0x70, s9  }
0x9c: {  	[tilespmem:s9+$0x16800] =	vst v1  }
0x9d: {  	s10 =	spop (v2sf);
	v1 =	vld [tilespmem:s19+$0xFFFFFE00]  }
0x9e: {  	v15 =	vld [tilespmem:s10+$0x10400];
	_ =	sdelay $0x4  }
0x9f: {  	v1 =	vadd.f32 v15, v1;
	_ =	sdelay $0x1  }
0xa0: {  	[tilespmem:s21+$0xFFFFFF00] =	vst v1  }
0xa1: {  	v1 =	vld [tilespmem:s19+$0xFFFFFE10]  }
0xa2: {  	v16 =	vld [tilespmem:s10+$0x10410];
	_ =	sdelay $0x4  }
0xa3: {  	v1 =	vadd.f32 v16, v1;
	_ =	sdelay $0x1  }
0xa4: {  	[tilespmem:s21+$0xFFFFFF10] =	vst v1  }
0xa5: {  	v1 =	vld [tilespmem:s19+$0xFFFFFE20]  }
0xa6: {  	v17 =	vld [tilespmem:s10+$0x10420];
	_ =	sdelay $0x1  }
0xa7: {  	(v2sf) =	vpush v0, $0x5;
	_ =	sdelay $0x2  }
0xa8: {  	v1 =	vadd.f32 v17, v1;
	_ =	sdelay $0x1  }
0xa9: {  	[tilespmem:s21+$0xFFFFFF20] =	vst v1  }
0xaa: {  	v1 =	vld [tilespmem:s19+$0xFFFFFE30]  }
0xab: {  	v18 =	vld [tilespmem:s10+$0x10430];
	_ =	sdelay $0x4  }
0xac: {  	v1 =	vadd.f32 v18, v1;
	_ =	sdelay $0x1  }
0xad: {  	[tilespmem:s21+$0xFFFFFF30] =	vst v1  }
0xae: {  	s7 =	spop (v2sf);
	v1 =	vld [tilespmem:s19+$0xFFFFFE80]  }
0xaf: {  	v19 =	vld [tilespmem:s7+$0x10400];
	_ =	sdelay $0x4  }
0xb0: {  	v1 =	vadd.f32 v19, v1;
	_ =	sdelay $0x1  }
0xb1: {  	[tilespmem:s21+$0xFFFFFF40] =	vst v1  }
0xb2: {  	v1 =	vld [tilespmem:s19+$0xFFFFFE90]  }
0xb3: {  	v20 =	vld [tilespmem:s7+$0x10410];
	_ =	sdelay $0x4  }
0xb4: {  	s9 =	sadd.s32 $0x140, s25;
	v1 =	vadd.f32 v20, v1  }
0xb5: {  	s10 =	sor.u32 $0x50, s9  }
0xb6: {  	[tilespmem:s10+$0x16800] =	vst v1  }
0xb7: {  	v1 =	vld [tilespmem:s19+$0xFFFFFEA0]  }
0xb8: {  	v21 =	vld [tilespmem:s7+$0x10420];
	_ =	sdelay $0x1  }
0xb9: {  	(v2sf) =	vpush v0, $0x6;
	_ =	sdelay $0x2  }
0xba: {  	v1 =	vadd.f32 v21, v1  }
0xbb: {  	s10 =	sor.u32 $0x60, s9  }
0xbc: {  	[tilespmem:s10+$0x16800] =	vst v1  }
0xbd: {  	v1 =	vld [tilespmem:s19+$0xFFFFFEB0]  }
0xbe: {  	v22 =	vld [tilespmem:s7+$0x10430];
	_ =	sdelay $0x4  }
0xbf: {  	v1 =	vadd.f32 v22, v1  }
0xc0: {  	s9 =	sor.u32 $0x70, s9  }
0xc1: {  	[tilespmem:s9+$0x16800] =	vst v1  }
0xc2: {  	s10 =	spop (v2sf);
	v1 =	vld [tilespmem:s19+$0xFFFFFF00]  }
0xc3: {  	v23 =	vld [tilespmem:s10+$0x10400];
	_ =	sdelay $0x4  }
0xc4: {  	v1 =	vadd.f32 v23, v1;
	_ =	sdelay $0x1  }
0xc5: {  	[tilespmem:s21+$0xFFFFFF80] =	vst v1  }
0xc6: {  	v1 =	vld [tilespmem:s19+$0xFFFFFF10]  }
0xc7: {  	v24 =	vld [tilespmem:s10+$0x10410];
	_ =	sdelay $0x4  }
0xc8: {  	v1 =	vadd.f32 v24, v1;
	_ =	sdelay $0x1  }
0xc9: {  	[tilespmem:s21+$0xFFFFFF90] =	vst v1  }
0xca: {  	v1 =	vld [tilespmem:s19+$0xFFFFFF20]  }
0xcb: {  	v25 =	vld [tilespmem:s10+$0x10420];
	_ =	sdelay $0x1  }
0xcc: {  	(v2sf) =	vpush v0, $0x7;
	_ =	sdelay $0x2  }
0xcd: {  	v1 =	vadd.f32 v25, v1;
	_ =	sdelay $0x1  }
0xce: {  	[tilespmem:s21+$0xFFFFFFA0] =	vst v1  }
0xcf: {  	v1 =	vld [tilespmem:s19+$0xFFFFFF30]  }
0xd0: {  	v26 =	vld [tilespmem:s10+$0x10430];
	_ =	sdelay $0x4  }
0xd1: {  	v1 =	vadd.f32 v26, v1;
	_ =	sdelay $0x1  }
0xd2: {  	[tilespmem:s21+$0xFFFFFFB0] =	vst v1  }
0xd3: {  	s7 =	spop (v2sf);
	v1 =	vld [tilespmem:s19+$0xFFFFFF80]  }
0xd4: {  	v27 =	vld [tilespmem:s7+$0x10400];
	_ =	sdelay $0x4  }
0xd5: {  	v1 =	vadd.f32 v27, v1;
	_ =	sdelay $0x1  }
0xd6: {  	[tilespmem:s21+$0xFFFFFFC0] =	vst v1  }
0xd7: {  	v1 =	vld [tilespmem:s19+$0xFFFFFF90]  }
0xd8: {  	v28 =	vld [tilespmem:s7+$0x10410];
	_ =	sdelay $0x4  }
0xd9: {  	s9 =	sadd.s32 $0x1C0, s25;
	v1 =	vadd.f32 v28, v1  }
0xda: {  	s10 =	sor.u32 $0x50, s9  }
0xdb: {  	[tilespmem:s10+$0x16800] =	vst v1  }
0xdc: {  	v1 =	vld [tilespmem:s19+$0xFFFFFFA0]  }
0xdd: {  	v29 =	vld [tilespmem:s7+$0x10420];
	_ =	sdelay $0x1  }
0xde: {  	(v2sf) =	vpush v0, $0x8;
	_ =	sdelay $0x2  }
0xdf: {  	v1 =	vadd.f32 v29, v1  }
0xe0: {  	s10 =	sor.u32 $0x60, s9  }
0xe1: {  	[tilespmem:s10+$0x16800] =	vst v1  }
0xe2: {  	v1 =	vld [tilespmem:s19+$0xFFFFFFB0]  }
0xe3: {  	v30 =	vld [tilespmem:s7+$0x10430];
	_ =	sdelay $0x4  }
0xe4: {  	v1 =	vadd.f32 v30, v1  }
0xe5: {  	s9 =	sor.u32 $0x70, s9  }
0xe6: {  	[tilespmem:s9+$0x16800] =	vst v1  }
0xe7: {  	s10 =	spop (v2sf);
	v1 =	vld [tilespmem:s19+$0x0]  }
0xe8: {  	v31 =	vld [tilespmem:s10+$0x10400];
	_ =	sdelay $0x4  }
0xe9: {  	v1 =	vadd.f32 v31, v1;
	_ =	sdelay $0x1  }
0xea: {  	[tilespmem:s21+$0x0] =	vst v1  }
0xeb: {  	v1 =	vld [tilespmem:s19+$0x10]  }
0xec: {  	v32 =	vld [tilespmem:s10+$0x10410];
	_ =	sdelay $0x4  }
0xed: {  	v1 =	vadd.f32 v32, v1;
	_ =	sdelay $0x1  }
0xee: {  	[tilespmem:s21+$0x10] =	vst v1  }
0xef: {  	v1 =	vld [tilespmem:s19+$0x20]  }
0xf0: {  	v33 =	vld [tilespmem:s10+$0x10420];
	_ =	sdelay $0x1  }
0xf1: {  	(v2sf) =	vpush v0, $0x9;
	_ =	sdelay $0x2  }
0xf2: {  	v1 =	vadd.f32 v33, v1;
	_ =	sdelay $0x1  }
0xf3: {  	[tilespmem:s21+$0x20] =	vst v1  }
0xf4: {  	v1 =	vld [tilespmem:s19+$0x30]  }
0xf5: {  	v34 =	vld [tilespmem:s10+$0x10430];
	_ =	sdelay $0x4  }
0xf6: {  	v1 =	vadd.f32 v34, v1;
	_ =	sdelay $0x1  }
0xf7: {  	[tilespmem:s21+$0x30] =	vst v1  }
0xf8: {  	s7 =	spop (v2sf);
	v1 =	vld [tilespmem:s19+$0x80]  }
0xf9: {  	v35 =	vld [tilespmem:s7+$0x10400];
	_ =	sdelay $0x4  }
0xfa: {  	v1 =	vadd.f32 v35, v1;
	_ =	sdelay $0x1  }
0xfb: {  	[tilespmem:s21+$0x40] =	vst v1  }
0xfc: {  	v1 =	vld [tilespmem:s19+$0x90]  }
0xfd: {  	v36 =	vld [tilespmem:s7+$0x10410];
	_ =	sdelay $0x4  }
0xfe: {  	s9 =	sadd.s32 $0x240, s25;
	v1 =	vadd.f32 v36, v1  }
0xff: {  	s10 =	sor.u32 $0x50, s9  }
0x100: {  	[tilespmem:s10+$0x16800] =	vst v1  }
0x101: {  	v1 =	vld [tilespmem:s19+$0xA0]  }
0x102: {  	v37 =	vld [tilespmem:s7+$0x10420];
	_ =	sdelay $0x1  }
0x103: {  	(v2sf) =	vpush v0, $0xA;
	_ =	sdelay $0x2  }
0x104: {  	v1 =	vadd.f32 v37, v1  }
0x105: {  	s10 =	sor.u32 $0x60, s9  }
0x106: {  	[tilespmem:s10+$0x16800] =	vst v1  }
0x107: {  	v1 =	vld [tilespmem:s19+$0xB0]  }
0x108: {  	v38 =	vld [tilespmem:s7+$0x10430];
	_ =	sdelay $0x4  }
0x109: {  	v1 =	vadd.f32 v38, v1  }
0x10a: {  	s9 =	sor.u32 $0x70, s9  }
0x10b: {  	[tilespmem:s9+$0x16800] =	vst v1  }
0x10c: {  	s10 =	spop (v2sf);
	v1 =	vld [tilespmem:s19+$0x100]  }
0x10d: {  	v39 =	vld [tilespmem:s10+$0x10400];
	_ =	sdelay $0x4  }
0x10e: {  	v1 =	vadd.f32 v39, v1;
	_ =	sdelay $0x1  }
0x10f: {  	[tilespmem:s21+$0x80] =	vst v1  }
0x110: {  	v1 =	vld [tilespmem:s19+$0x110]  }
0x111: {  	v40 =	vld [tilespmem:s10+$0x10410];
	_ =	sdelay $0x4  }
0x112: {  	v1 =	vadd.f32 v40, v1;
	_ =	sdelay $0x1  }
0x113: {  	[tilespmem:s21+$0x90] =	vst v1  }
0x114: {  	v1 =	vld [tilespmem:s19+$0x120]  }
0x115: {  	v41 =	vld [tilespmem:s10+$0x10420];
	_ =	sdelay $0x1  }
0x116: {  	(v2sf) =	vpush v0, $0xB;
	_ =	sdelay $0x2  }
0x117: {  	v1 =	vadd.f32 v41, v1;
	_ =	sdelay $0x1  }
0x118: {  	[tilespmem:s21+$0xA0] =	vst v1  }
0x119: {  	v1 =	vld [tilespmem:s19+$0x130]  }
0x11a: {  	v42 =	vld [tilespmem:s10+$0x10430];
	_ =	sdelay $0x4  }
0x11b: {  	v1 =	vadd.f32 v42, v1;
	_ =	sdelay $0x1  }
0x11c: {  	[tilespmem:s21+$0xB0] =	vst v1  }
0x11d: {  	s7 =	spop (v2sf);
	v1 =	vld [tilespmem:s19+$0x180]  }
0x11e: {  	v43 =	vld [tilespmem:s7+$0x10400];
	_ =	sdelay $0x4  }
0x11f: {  	v1 =	vadd.f32 v43, v1;
	_ =	sdelay $0x1  }
0x120: {  	[tilespmem:s21+$0xC0] =	vst v1  }
0x121: {  	v1 =	vld [tilespmem:s19+$0x190]  }
0x122: {  	v44 =	vld [tilespmem:s7+$0x10410];
	_ =	sdelay $0x4  }
0x123: {  	s9 =	sadd.s32 $0x2C0, s25;
	v1 =	vadd.f32 v44, v1  }
0x124: {  	s10 =	sor.u32 $0x50, s9  }
0x125: {  	[tilespmem:s10+$0x16800] =	vst v1  }
0x126: {  	v1 =	vld [tilespmem:s19+$0x1A0]  }
0x127: {  	v45 =	vld [tilespmem:s7+$0x10420];
	_ =	sdelay $0x1  }
0x128: {  	(v2sf) =	vpush v0, $0xC;
	_ =	sdelay $0x2  }
0x129: {  	v1 =	vadd.f32 v45, v1  }
0x12a: {  	s10 =	sor.u32 $0x60, s9  }
0x12b: {  	[tilespmem:s10+$0x16800] =	vst v1  }
0x12c: {  	v1 =	vld [tilespmem:s19+$0x1B0]  }
0x12d: {  	v46 =	vld [tilespmem:s7+$0x10430];
	_ =	sdelay $0x4  }
0x12e: {  	v1 =	vadd.f32 v46, v1  }
0x12f: {  	s9 =	sor.u32 $0x70, s9  }
0x130: {  	[tilespmem:s9+$0x16800] =	vst v1  }
0x131: {  	s10 =	spop (v2sf);
	v1 =	vld [tilespmem:s19+$0x200]  }
0x132: {  	v47 =	vld [tilespmem:s10+$0x10400];
	_ =	sdelay $0x4  }
0x133: {  	v1 =	vadd.f32 v47, v1;
	_ =	sdelay $0x1  }
0x134: {  	[tilespmem:s21+$0x100] =	vst v1  }
0x135: {  	v1 =	vld [tilespmem:s19+$0x210]  }
0x136: {  	v48 =	vld [tilespmem:s10+$0x10410];
	_ =	sdelay $0x4  }
0x137: {  	v1 =	vadd.f32 v48, v1;
	_ =	sdelay $0x1  }
0x138: {  	[tilespmem:s21+$0x110] =	vst v1  }
0x139: {  	v1 =	vld [tilespmem:s19+$0x220]  }
0x13a: {  	v49 =	vld [tilespmem:s10+$0x10420];
	_ =	sdelay $0x1  }
0x13b: {  	(v2sf) =	vpush v0, $0xD;
	_ =	sdelay $0x2  }
0x13c: {  	v1 =	vadd.f32 v49, v1;
	_ =	sdelay $0x1  }
0x13d: {  	[tilespmem:s21+$0x120] =	vst v1  }
0x13e: {  	v1 =	vld [tilespmem:s19+$0x230]  }
0x13f: {  	v50 =	vld [tilespmem:s10+$0x10430];
	_ =	sdelay $0x4  }
0x140: {  	v1 =	vadd.f32 v50, v1;
	_ =	sdelay $0x1  }
0x141: {  	[tilespmem:s21+$0x130] =	vst v1  }
0x142: {  	s7 =	spop (v2sf);
	v1 =	vld [tilespmem:s19+$0x280]  }
0x143: {  	v51 =	vld [tilespmem:s7+$0x10400];
	_ =	sdelay $0x4  }
0x144: {  	v1 =	vadd.f32 v51, v1;
	_ =	sdelay $0x1  }
0x145: {  	[tilespmem:s21+$0x140] =	vst v1  }
0x146: {  	v1 =	vld [tilespmem:s19+$0x290]  }
0x147: {  	v52 =	vld [tilespmem:s7+$0x10410];
	_ =	sdelay $0x4  }
0x148: {  	s9 =	sadd.s32 $0x340, s25;
	v1 =	vadd.f32 v52, v1  }
0x149: {  	s10 =	sor.u32 $0x50, s9  }
0x14a: {  	[tilespmem:s10+$0x16800] =	vst v1  }
0x14b: {  	v1 =	vld [tilespmem:s19+$0x2A0]  }
0x14c: {  	v53 =	vld [tilespmem:s7+$0x10420];
	_ =	sdelay $0x1  }
0x14d: {  	(v2sf) =	vpush v0, $0xE;
	_ =	sdelay $0x2  }
0x14e: {  	v1 =	vadd.f32 v53, v1  }
0x14f: {  	s10 =	sor.u32 $0x60, s9  }
0x150: {  	[tilespmem:s10+$0x16800] =	vst v1  }
0x151: {  	v1 =	vld [tilespmem:s19+$0x2B0]  }
0x152: {  	v54 =	vld [tilespmem:s7+$0x10430];
	_ =	sdelay $0x4  }
0x153: {  	v1 =	vadd.f32 v54, v1  }
0x154: {  	s9 =	sor.u32 $0x70, s9  }
0x155: {  	[tilespmem:s9+$0x16800] =	vst v1  }
0x156: {  	s10 =	spop (v2sf);
	v1 =	vld [tilespmem:s19+$0x300]  }
0x157: {  	v55 =	vld [tilespmem:s10+$0x10400];
	_ =	sdelay $0x4  }
0x158: {  	v1 =	vadd.f32 v55, v1;
	_ =	sdelay $0x1  }
0x159: {  	[tilespmem:s21+$0x180] =	vst v1  }
0x15a: {  	v1 =	vld [tilespmem:s19+$0x310]  }
0x15b: {  	v56 =	vld [tilespmem:s10+$0x10410];
	_ =	sdelay $0x4  }
0x15c: {  	v1 =	vadd.f32 v56, v1;
	_ =	sdelay $0x1  }
0x15d: {  	[tilespmem:s21+$0x190] =	vst v1  }
0x15e: {  	v1 =	vld [tilespmem:s19+$0x320]  }
0x15f: {  	v57 =	vld [tilespmem:s10+$0x10420];
	_ =	sdelay $0x1  }
0x160: {  	(v2sf) =	vpush v0, $0xF;
	_ =	sdelay $0x2  }
0x161: {  	v58 =	vadd.f32 v57, v1;
	_ =	sdelay $0x1  }
0x162: {  	[tilespmem:s21+$0x1A0] =	vst v58  }
0x163: {  	v0 =	vld [tilespmem:s19+$0x330]  }
0x164: {  	v59 =	vld [tilespmem:s10+$0x10430];
	_ =	sdelay $0x4  }
0x165: {  	v0 =	vadd.f32 v59, v0;
	_ =	sdelay $0x1  }
0x166: {  	[tilespmem:s21+$0x1B0] =	vst v0  }
0x167: {  	s7 =	spop (v2sf);
	v0 =	vld [tilespmem:s19+$0x380]  }
0x168: {  	v60 =	vld [tilespmem:s7+$0x10400];
	_ =	sdelay $0x4  }
0x169: {  	v0 =	vadd.f32 v60, v0;
	_ =	sdelay $0x1  }
0x16a: {  	[tilespmem:s21+$0x1C0] =	vst v0  }
0x16b: {  	v0 =	vld [tilespmem:s19+$0x390]  }
0x16c: {  	v61 =	vld [tilespmem:s7+$0x10410];
	_ =	sdelay $0x4  }
0x16d: {  	s9 =	sadd.s32 $0x3C0, s25;
	v0 =	vadd.f32 v61, v0  }
0x16e: {  	s25 =	sor.u32 $0x50, s9  }
0x16f: {  	[tilespmem:s25+$0x16800] =	vst v0  }
0x170: {  	v0 =	vld [tilespmem:s19+$0x3A0]  }
0x171: {  	v62 =	vld [tilespmem:s7+$0x10420];
	_ =	sdelay $0x4  }
0x172: {  	v0 =	vadd.f32 v62, v0  }
0x173: {  	s25 =	sor.u32 $0x60, s9  }
0x174: {  	[tilespmem:s25+$0x16800] =	vst v0  }
0x175: {  	v0 =	vld [tilespmem:s19+$0x3B0]  }
0x176: {  	v63 =	vld [tilespmem:s7+$0x10430];
	_ =	sdelay $0x1  }
0x177: {  	p1 =	sne.s32 s23, $0x1C00  }
.Ltmp3:
0x178: {  	_ = 	snop;
	(pc) =	sbr.rel @p1 .LBB2_7-.Ltmp3, $4  }
0x179: {  	_ = 	snop  }
0x17a: {  	v0 =	vadd.f32 v63, v0  }
0x17b: {  	s16 =	sadd.s32 $0x10, s16;
	s25 =	sor.u32 $0x70, s9  }
0x17c: {  	s23 =	sadd.s32 $0x400, s23;
	s21 =	sadd.s32 $0x400, s21;
	s19 =	sadd.s32 $0x800, s19;
	[tilespmem:s25+$0x16800] =	vst v0  }
0x17d: {  	s7 =	sadd.s32 s8, s0;
	s0 =	sadd.s32 $0x1, s0  }
0x17e: {  	p1 =	sne.s32 s0, $0x32  }
.Ltmp4:
0x17f: {  	_ = 	snop;
	(pc) =	sbr.rel @p1 .LBB2_2-.Ltmp4, $4  }
0x180: {  	_ = 	snop  }
0x181: {  	s1 =	sadd.s32 $0x9, s1;
	s7 =	sshll.u32 s7, $0xA  }
0x182: {  	s31 =	sadd.s32 $0x1, s31;
	p0 =	por !p0, !p0;
	s7 =	sadd.s32 s2, s7  }
0x183: {  	[hbm4b:s7+s3] =	stream.linear.scatter [tilespmem:s20], [sflag:s1], $0x2000, $0x38;
	[tilespmem:$0x1A800] =	vst v63  }
0x184: {  	s30 =	sadd.s32 $0x1, s30  }
0x185: {  	_ =	swait.ge [sflag:s28], $0x2000;
	p0 =	sne.s32 s30, s15  }
.Ltmp5:
0x186: {  	[sflag:s28] =	ssyncset.done $0x0;
	(pc) =	sbr.rel @p0 .LBB2_1-.Ltmp5, $4  }
0x187: {  	[sflag:s28] =	ssyncadd.s32 $0xFFFFE000  }
0x188: {  	_ =	swait.ge [sflag:s29], $0x2000  }
0x189: {  	[sflag:s29] =	ssyncset.done $0x0  }
0x18a: {  	[sflag:s29] =	ssyncadd.s32 $0xFFFFE000  }
0x18b: {  	_ =	sfence.sel $0x180000  }
0x18c: {  	[bflag:$0x0] =	sbarrier.arrive $0xFFFF  }
0x18d: {  	_ =	strace $0x90000047  }
0x18e: {  	s0 =	stileid.u32;
	[bflag:$0x2] =	sbarrier.arrive $0xFFFF  }
0x18f: {  	p0 =	sne.s32 s0, $0x0;
	s0 =	rddreg [dreg:$0x2]  }
0x190: {  	s0 =	sadd.s32 @!p0 $0x100000, s0  }
0x191: {  	[sflag:s0] =	ssyncadd.tile.s32 @!p0 $0x1;
	_ =	shalt  }
.Lfunc_end2:
_tile_overlayer_lowered:
.L_overlay_start_2:
0x192: {  	(tag) =	ssettag $0x2  }
0x193: {  	s0 =	rddreg [dreg:$0x0];
	s2 =	stileid.u32  }
0x194: {  	s1 =	rddreg [dreg:$0x1];
	p0 =	sne.s32 s2, $0x0  }
0x195: {  	s3 =	rddreg [dreg:$0x2];
	[bflag:$0x3] =	sbarrier.arrive $0xFFFF;
	s2 =	simm.s32 @!p0 $0x1C0C  }
0x196: {  	[timem:s3], [sflag:s2] =	dma.local @!p0 [hbm:s0], s1  }
0x197: {  	s0 =	simm.s32 @!p0 $0xC  }
0x198: {  	_ =	swait.ge @!p0 [sflag:s0], s1  }
0x199: {  	s1 =	ssub.s32 @!p0 $0x0, s1;
	[sflag:s0] =	ssyncset.done @!p0 $0x0  }
0x19a: {  	[sflag:s0] =	ssyncadd.s32 @!p0 s1  }
0x19b: {  	[bflag:$0x3] =	sbarrier.arrive $0xFFFF  }
0x19c: {  	_ =	shalt  }

// kernel: sparse-core-data-format-call.cloned.1.call-start
scs
called_computation_lowered:
.L_overlay_start_0:
0x0: {  	s2 =	sld [smem:$0x3FD9]  }
0x1: {  	s3 =	sld [smem:$0x3FFE];
	_ =	sdelay $0x1  }
0x2: {  	s1 =	srdreg.scid  }
0x3: {  	s0 =	sand.u32 $0x1, s1  }
0x4: {  	s18 =	sshll.u32 s0, $0xA;
	s2 =	sadd.s32 s3, s2  }
0x5: {  	s2 =	sadd.s32 s2, s18  }
0x6: {  	[smem:$0x3FC3] =	sst s2  }
0x7: {  	_ = 	snop  }
0x8: {  	s2 =	sld [smem:$0x3FD0];
	(tm) =	ssettm $0x1  }
0x9: {  	s19 =	sld [smem:$0x3FFB];
	_ =	sdelay $0x3  }
0xa: {  	_ =	strace s19  }
0xb: {  	s3 =	sld [smem:$0x3FFC];
	_ =	sdelay $0x3  }
0xc: {  	_ =	strace s3  }
0xd: {  	s3 =	sld [smem:$0x3FFD];
	_ =	sdelay $0x3  }
0xe: {  	_ =	strace s3  }
0xf: {  	_ =	strace $0x8FFFFFFF  }
0x10: {  	s20 =	sld [smem:$0x3FDB];
	_ =	sdelay $0x1  }
0x11: {  	s4 =	simm.s32 $_scs_section_size  }
0x12: {  	s5 =	simm.s32 $_size__tile_overlayer_lowered;
	s6 =	simm.s32 $_tile_overlayer_lowered  }
0x13: {  	s23 =	simm.s32 $0x1BFF;
	s22 =	sshll.u32 s6, $0x1;
	s3 =	sadd.s32 s4, s20  }
0x14: {  	s7 =	simm.s32 $0x0;
	s21 =	sshll.u32 s5, $0x1;
	s5 =	sadd.s32 s22, s3  }
0x15: {  	[timem:s7], [sflag:s23] =	dma.local [hbm:s5], s21  }
0x16: {  	_ =	swait.ge [sflag:s23], s21  }
0x17: {  	s4 =	ssub.s32 $0x0, s21;
	[sflag:s23] =	ssyncset.done $0x0  }
0x18: {  	[sflag:s23] =	ssyncadd.s32 s4;
	_ =	sdelay $0x1  }
0x19: {  	s24 =	simm.s32 $0x1B8B  }
0x1a: {  	_ =	swait.ge [sflag:s24], $0x1  }
0x1b: {  	[sflag:s24] =	ssyncset.done $0x0  }
0x1c: {  	s26 =	simm.s32 $0x1B8E;
	s25 =	sld [smem:$0x3FFE];
	[sflag:s24] =	ssyncadd.s32 $0xFFFFFFFF  }
0x1d: {  	s27 =	simm.s32 $execute0_lowered;
	[smem:$0x3FD2] =	sst s26  }
0x1e: {  	s5 =	sshll.u32 s27, $0x1;
	_ =	strace $0x80000049;
	[dreg:$0x1] =	wrdreg $0xFFFFFFFF  }
0x1f: {  	s28 =	simm.s32 $_size_execute0_lowered;
	s3 =	sadd.s32 s3, s5;
	[dreg:$0x0] =	wrdreg $0x0  }
0x20: {  	s5 =	sshll.u32 s28, $0x1;
	[dreg:$0x2] =	wrdreg s3  }
0x21: {  	[dreg:$0x3] =	wrdreg s5  }
0x22: {  	[dreg:$0x4] =	wrdreg $0xC0  }
0x23: {  	_ =	task [dreg:s7], $0x5FFFF  }
0x24: {  	[dreg:$0x1] =	wrdreg $0xFFFFFFFF  }
0x25: {  	[dreg:$0x0] =	wrdreg $0x60  }
0x26: {  	[dreg:$0x2] =	wrdreg s25  }
0x27: {  	[dreg:$0x3] =	wrdreg s2  }
0x28: {  	[dreg:$0x4] =	wrdreg $0x9  }
0x29: {  	_ =	task.clear_ibuf [dreg:s7], $0x5FFFF;
	_ =	strace $0x90000049  }
0x2a: {  	s29 =	simm.s32 $0x9;
	_ =	strace $0x8000004B  }
0x2b: {  	_ =	swait.ge [sflag:s29], $0x1  }
0x2c: {  	[sflag:s29] =	ssyncadd.s32 $0xFFFFFFFF  }
0x2d: {  	_ =	strace $0x9000004B  }
0x2e: {  	_ =	sfence  }
0x2f: {  	s30 =	sld [smem:$0x0];
	_ =	sdelay $0x2  }
0x30: {  	s31 =	sshll.u32 s1, $0xD;
	s1 =	sshrl.u32 s1, $0x2  }
0x31: {  	s3 =	sand.u32 $0x4000, s31;
	s1 =	sadd.s32 s1, s30  }
0x32: {  	s0 =	sor.u32 s3, s0;
	s1 =	sshll.u32 s1, $0x11  }
0x33: {  	s0 =	sor.u32 s1, s0  }
0x34: {  	s0 =	sadd.s32 $0x8F2B, s0  }
0x35: {  	[sflag:s0] =	ssyncadd.remote.s32 $0x1  }
0x36: {  	_ =	sfence.sel $0xFFFF  }
0x37: {  	[dreg:$0x0] =	wrdreg $0xFFFFFFFF;
	(pc) =	sbr.abs _section_cstart, $3  }
0x38: {  	[dreg:$0x1] =	wrdreg $0xFFFFFFFF  }
0x39: {  	_ =	task.clear_ibuf [dreg:s7], $0x2FFFF;
	_ =	strace $0x9FFFFFFF  }
0x3a: {  	(tm) =	ssettm $0x7FFFFFFF  }
0x3b: {  	_ =	shalt  }
tec
execute0_lowered:
.L_overlay_start_1:
0x0: {  	(tag) =	ssettag $0x1  }
0x1: {  	s0 =	stileid.u32;
	s6 =	rddreg [dreg:$0x0]  }
0x2: {  	s2 =	rddreg [dreg:$0x1];
	s5 =	srdreg.scid  }
0x3: {  	s31 =	simm.s32 $0x2;
	s13 =	simm.s32 $0x0;
	s1 =	sshll.u32 s0, $0x7  }
0x4: {  	s14 =	simm.s32 $0x0;
	s12 =	simm.s32 $0x0;
	s3 =	sand.u32 $0x380, s1  }
0x5: {  	s5 =	sshll.u32 s5, $0x4;
	s6 =	sadd.s32 $0x1400, s6;
	s4 =	ssub.s32 $0x400, s3  }
0x6: {  	s1 =	rddreg [dreg:$0x2];
	_ =	strace $0x8000004A;
	s7 =	sand.u32 $0x380, s4  }
0x7: {  	s5 =	sand.u32 $0x10, s5;
	p0 =	sne.s32 s7, $0x0;
	s7 =	simm.s32 $0x1  }
.Ltmp0:
0x8: {  	s8 =	sshrl.u32 s4, $0xA;
	s7 =	simm.s32 @!p0 $0x0;
	(pc) =	sbr.rel .LBB1_1-.Ltmp0, $4  }
0x9: {  	s9 =	sor.u32 s0, s5;
	s4 =	simm.s32 $0x1;
	s30 =	sadd.s32 s7, s8  }
0xa: {  	s11 =	smov.u32 s3;
	[sflag:s4] =	ssyncpa.u1 $0x0;
	s5 =	smul.u32 $0x32, s30  }
0xb: {  	[sflag:s31] =	ssyncpa.u1 $0x0;
	p0 =	por $0x0, $0x0;
	s7 =	sshrl.u32 s9, $0x3  }
0xc: {  	s9 =	simm.s32 $0x2000;
	s10 =	smov.u32 s7;
	s8 =	sor.u32 $0x1, s5  }
.LBB1_4:
0xd: {  	s17 =	sand.u32 $0x1F80, s14;
	s13 =	sshll.u32 s13, $0xD  }
0xe: {  	[tilespmem:s16+$0x810 ss:$0x81] =	vst.msk $0xffff, v2;
	s18 =	sshrl.u32 s14, $0x3;
	s31 =	sand.u32 $0x7, s14;
	s17 =	sadd.s32 s2, s17  }
0xf: {  	[tilespmem:s16+$0x1020 ss:$0x81] =	vst.msk $0xffff, v0;
	s18 =	sand.u32 $0xF, s18;
	s14 =	sshll.u32 s31, $0x12;
	s13 =	sadd.s32 s13, s17  }
0x10: {  	[tilespmem:s16+$0x0 ss:$0x81] =	vst.msk $0xffff, v1;
	s14 =	sor.u32 $0x400, s14;
	s13 =	sadd.s32 s18, s13  }
0x11: {  	[hbm4b:s13+s14] =	stream.strided.scatter [tilespmem:s15], [sflag:$0x2], $0x2000, s9, s14, $0x20;
	[tilespmem:$0x8080] =	vst v63  }
.LBB1_5:
0x12: {  	s15 =	sadd.s32 $0x4, s10  }
0x13: {  	s13 =	sadd.s32 $0x400, s11;
	s17 =	smov.u32 s11;
	p2 =	sgt.s32 s15, $0xC7  }
0x14: {  	s17 =	smov.u32 @p2 s13  }
0x15: {  	s15 =	smov.u32 @p2 s7;
	p2 =	sgt.s32 s17, $0x3FF  }
0x16: {  	s17 =	smov.u32 @p2 s3;
	p2 =	sne.s32 s12, s8  }
.Ltmp1:
0x17: {  	p1 =	slt.u32 s12, $0x2;
	(pc) =	sbr.rel @!p2 .LBB1_6-.Ltmp1, $4  }
0x18: {  	s16 =	simm.s32 @!p1 $0x2  }
0x19: {  	s14 =	smov.u32 s11;
	p0 =	por !p0, !p0;
	_ =	swait.ge @!p1 [sflag:s16], $0x2000  }
0x1a: {  	s13 =	smov.u32 s10;
	[sflag:s16] =	ssyncset.done @!p1 $0x0;
	s10 =	smov.u32 s15  }
0x1b: {  	s12 =	sadd.s32 $0x1, s12;
	[sflag:s16] =	ssyncadd.s32 @!p1 $0xFFFFE000;
	s11 =	smov.u32 s17  }
.LBB1_1:
0x1c: {  	p1 =	sge.u32 s12, s5  }
0x1d: {  	s15 =	sand.u32 @!p1 $0x1FFFFFF, s10  }
0x1e: {  	s16 =	smulhi.u32 @!p1 $0x147AE15, s15;
	_ =	sdelay $0x1  }
0x1f: {  	s16 =	smul.u32 @!p1 $0xC8, s16  }
0x20: {  	s17 =	sxor.u32 @!p1 $0xFFFFFFFF, s12;
	s18 =	smul.u32 @!p1 $0xC80, s11  }
0x21: {  	s31 =	sadd.s32 $0xFFFFFFFF, s12;
	s17 =	sshll.u32 @!p1 s17, $0xD;
	s15 =	ssub.s32 @!p1 s15, s16  }
0x22: {  	s16 =	sand.u32 @!p1 $0x2000, s17;
	s17 =	sadd.s32 @!p1 s6, s18;
	s15 =	sshll.u32 @!p1 s15, $0x4  }
0x23: {  	s18 =	simm.s32 @!p1 $0x6400;
	s15 =	sadd.s32 @!p1 s15, s17;
	s17 =	simm.s32 @!p1 $0x40  }
0x24: {  	[tilespmem:s16], [sflag:$0x1] =	stream.strided.gather @!p1 [hbm4b:s15+s17], $0x2000, s18, s17, $0x38;
	[tilespmem:$0x8080] =	vst v63  }
0x25: {  	p1 =	sge.u32 s31, s5  }
.Ltmp2:
0x26: {  	_ = 	snop;
	(pc) =	sbr.rel @p1 .LBB1_5-.Ltmp2, $1  }
0x27: {  	_ =	sdelay $0x3  }
0x28: {  	s15 =	simm.s32 $0x1  }
0x29: {  	_ =	swait.ge [sflag:s4], $0x2000;
	s15 =	simm.s32 @!p0 $0x0  }
0x2a: {  	[sflag:s4] =	ssyncset.done $0x0;
	s16 =	sshll.u32 s15, $0xD  }
0x2b: {  	[sflag:s4] =	ssyncadd.s32 $0xFFFFE000;
	s19 =	sor.u32 $0x20, s16  }
0x2c: {  	s15 =	smul.u32 $0x8100, s15;
	v3 =	vld [tilespmem:s19+$0x10]  }
0x2d: {  	s30 =	sand.u32 $0x1, s12;
	v2 =	vld [tilespmem:s19+$0xFFFFFFF0]  }
0x2e: {  	s16 =	smul.u32 $0x8100, s30;
	s15 =	sshrl.u32 s15, $0x2;
	v0 =	vld [tilespmem:s19+$0x0]  }
0x2f: {  	v1 =	vld [tilespmem:s19+$0xFFFFFFE0];
	s17 =	sor.u32 $0x4000, s15  }
0x30: {  	s31 =	sshrl.u32 s16, $0x2;
	s16 =	sadd.s32 $0x0, s17  }
0x31: {  	s18 =	simm.s32 $0x4;
	s19 =	sadd.s32 $0x40, s19;
	s15 =	sor.u32 $0x4000, s31;
	[tilespmem:s16+$0x1830 ss:$0x81] =	vst.msk $0xffff, v3  }
.LBB1_3:
0x32: {  	v3 =	vld [tilespmem:s19+$0x10];
	p1 =	sne.s32 s18, $0x1FC;
	[tilespmem:s16+$0x810 ss:$0x81] =	vst.msk $0xffff, v2;
	s20 =	smov.u32 s18;
	s18 =	sadd.s32 $0x4, s18  }
.Ltmp3:
0x33: {  	v2 =	vld [tilespmem:s19+$0xFFFFFFF0];
	[tilespmem:s16+$0x1020 ss:$0x81] =	vst.msk $0xffff, v0;
	(pc) =	sbr.rel @p1 .LBB1_3-.Ltmp3, $4  }
0x34: {  	v0 =	vld [tilespmem:s19+$0x0];
	[tilespmem:s16+$0x0 ss:$0x81] =	vst.msk $0xffff, v1  }
0x35: {  	s16 =	sshra.s32 s20, $0x2;
	v1 =	vld [tilespmem:s19+$0xFFFFFFE0]  }
0x36: {  	s16 =	sadd.s32 s16, s17  }
0x37: {  	s19 =	sadd.s32 $0x40, s19;
	[tilespmem:s16+$0x1830 ss:$0x81] =	vst.msk $0xffff, v3  }
.Ltmp4:
0x38: {  	_ = 	snop;
	(pc) =	sbr.rel .LBB1_4-.Ltmp4, $1  }
0x39: {  	_ =	sdelay $0x3  }
.LBB1_6:
0x3a: {  	_ =	sfence.sel $0x180000  }
0x3b: {  	s2 =	simm.s32 $0x1;
	[bflag:$0x0] =	sbarrier.arrive $0xFFFF  }
0x3c: {  	s31 =	simm.s32 $0x2;
	[sflag:s2] =	ssyncpa.u1 $0x1  }
0x3d: {  	[sflag:s31] =	ssyncpa.u1 $0x1  }
0x3e: {  	p0 =	sne.s32 s0, $0x0;
	_ =	strace $0x9000004A  }
0x3f: {  	s0 =	sadd.s32 @!p0 $0x100000, s1;
	[bflag:$0x2] =	sbarrier.arrive $0xFFFF  }
0x40: {  	[sflag:s0] =	ssyncadd.tile.s32 @!p0 $0x1;
	_ =	shalt  }
.Lfunc_end1:
_tile_overlayer_lowered:
.L_overlay_start_2:
0x41: {  	(tag) =	ssettag $0x2  }
0x42: {  	s0 =	rddreg [dreg:$0x0];
	s2 =	stileid.u32  }
0x43: {  	s1 =	rddreg [dreg:$0x1];
	p0 =	sne.s32 s2, $0x0  }
0x44: {  	s3 =	rddreg [dreg:$0x2];
	[bflag:$0x3] =	sbarrier.arrive $0xFFFF;
	s2 =	simm.s32 @!p0 $0x1C01  }
0x45: {  	[timem:s3], [sflag:s2] =	dma.local @!p0 [hbm:s0], s1  }
0x46: {  	s0 =	simm.s32 @!p0 $0x1  }
0x47: {  	_ =	swait.ge @!p0 [sflag:s0], s1  }
0x48: {  	s1 =	ssub.s32 @!p0 $0x0, s1;
	[sflag:s0] =	ssyncset.done @!p0 $0x0  }
0x49: {  	[sflag:s0] =	ssyncadd.s32 @!p0 s1  }
0x4a: {  	[bflag:$0x3] =	sbarrier.arrive $0xFFFF  }
0x4b: {  	_ =	shalt  }

</sc_bundles>
